<compile_context>
chip_gen: v7x
topology: tpu7x:2x2x1
jax: 0.10.2.dev20260603
libtpu: 0.0.44.dev20260713+nightly
codegen_flags: <defaults>
</compile_context>

<pallas_src>
import functools

import jax
import jax.numpy as jnp
from jax import lax
from jax.experimental import pallas as pl
from jax.experimental.pallas import tpu as pltpu

_BS = 1000
_CB = 1024


def _hd95_body(px_ref, py_ref, pv_ref, tx_ref, ty_ref, tv_ref,
               pxr_ref, pyr_ref, pvr_ref, txr_ref, tyr_ref, tvr_ref,
               out_ref, rows_ref, cols_ref, sm_ref,
               *, C, maxd2, iters, nbatch):
    b = pl.program_id(0)

    @pl.when(b == 0)
    def _init():
        sm_ref[0] = jnp.float32(0.0)
        sm_ref[1] = jnp.float32(0.0)

    n_pred = jnp.sum(pv_ref[0]).astype(jnp.int32)
    n_true = jnp.sum(tv_ref[0]).astype(jnp.int32)
    n_pc = (n_pred + _BS - 1) // _BS
    n_tc = (n_true + _BS - 1) // _BS
    npairs = n_pc * n_tc

    inf = jnp.float32(jnp.inf)

    def _strip_mins(axT, ayT, bx_r, by_r, bok_r):
        mins = []
        for s in range(8):
            qx = axT[:, s:s + 1]
            qy = ayT[:, s:s + 1]
            dx = qx - bx_r
            dy = qy - by_r
            d2 = dx * dx + dy * dy
            m = jnp.min(jnp.where(bok_r > 0, d2, inf), axis=1, keepdims=True)
            mins.append(m)
        return jnp.transpose(jnp.concatenate(mins, axis=1))

    def pair_body(k, carry):
        i = k // n_tc
        j = k - i * n_tc
        pxT = jnp.transpose(px_ref[0, i])
        pyT = jnp.transpose(py_ref[0, i])
        rows_ref[k] = _strip_mins(pxT, pyT, txr_ref[0, j], tyr_ref[0, j],
                                  tvr_ref[0, j])
        txT = jnp.transpose(tx_ref[0, j])
        tyT = jnp.transpose(ty_ref[0, j])
        cols_ref[k] = _strip_mins(txT, tyT, pxr_ref[0, i], pyr_ref[0, i],
                                  pvr_ref[0, i])
        return carry

    lax.fori_loop(0, npairs, pair_body, 0)

    n = n_pred * n_tc + n_true * n_pc
    nf = n.astype(jnp.float32)
    q = jnp.float32(0.95) * (nf - jnp.float32(1))
    low = jnp.floor(q)
    high = jnp.ceil(q)
    high_w = q - low
    low_w = jnp.float32(1) - high_w
    low_i = jnp.maximum(jnp.float32(0), jnp.minimum(low, nf - 1)).astype(jnp.int32)
    high_i = jnp.maximum(jnp.float32(0), jnp.minimum(high, nf - 1)).astype(jnp.int32)
    k1f = (low_i + 1).astype(jnp.float32)
    k2f = (high_i + 1).astype(jnp.float32)

    def count2(t1, t2):
        t1f = t1.astype(jnp.float32)
        t2f = t2.astype(jnp.float32)

        def cbody(k, accs):
            a1, a2 = accs
            i = k // n_tc
            j = k - i * n_tc
            rm = rows_ref[k]
            cm = cols_ref[k]
            pok = pv_ref[0, i] > 0
            tok = tv_ref[0, j] > 0
            one = jnp.float32(1.0)
            zero = jnp.float32(0.0)
            a1 = a1 + jnp.where(pok & (rm <= t1f), one, zero) \
                    + jnp.where(tok & (cm <= t1f), one, zero)
            a2 = a2 + jnp.where(pok & (rm <= t2f), one, zero) \
                    + jnp.where(tok & (cm <= t2f), one, zero)
            return a1, a2

        z = jnp.zeros((8, 128), jnp.float32)
        a1, a2 = lax.fori_loop(0, npairs, cbody, (z, z))
        return jnp.sum(a1), jnp.sum(a2)

    def bs_body(_, st):
        lo1, hi1, lo2, hi2 = st
        mid1 = (lo1 + hi1) // 2
        mid2 = (lo2 + hi2) // 2
        c1, c2 = count2(mid1, mid2)
        ok1 = c1 >= k1f
        ok2 = c2 >= k2f
        hi1 = jnp.where(ok1, mid1, hi1)
        lo1 = jnp.where(ok1, lo1, mid1 + 1)
        hi2 = jnp.where(ok2, mid2, hi2)
        lo2 = jnp.where(ok2, lo2, mid2 + 1)
        return lo1, hi1, lo2, hi2

    zero_i = jnp.int32(0)
    max_i = jnp.int32(maxd2)
    lo1, _, lo2, _ = lax.fori_loop(0, iters, bs_body,
                                   (zero_i, max_i, zero_i, max_i))

    hd = (jnp.sqrt(lo1.astype(jnp.float32)) * low_w
          + jnp.sqrt(lo2.astype(jnp.float32)) * high_w)
    valid = (n_pred > 0) & (n_true > 0)
    sm_ref[0] = sm_ref[0] + jnp.where(valid, hd, jnp.float32(0.0))
    sm_ref[1] = sm_ref[1] + jnp.where(valid, jnp.float32(1.0), jnp.float32(0.0))

    total = sm_ref[0]
    cnt = sm_ref[1]
    out_ref[...] = jnp.where(cnt > 0, total / cnt, inf).reshape(1, 1)


def _compact(mask, cx, cy, C, pad):
    order = jnp.argsort(~mask)
    xs = cx[order]
    ys = cy[order]
    vv = mask[order].astype(jnp.float32)
    z = jnp.zeros((pad,), jnp.float32)
    xs = jnp.concatenate([xs, z]).reshape(C, _BS)
    ys = jnp.concatenate([ys, z]).reshape(C, _BS)
    vv = jnp.concatenate([vv, z]).reshape(C, _BS)
    padc = ((0, 0), (0, _CB - _BS))
    xs = jnp.pad(xs, padc)
    ys = jnp.pad(ys, padc)
    vv = jnp.pad(vv, padc)
    tile = lambda a: a.reshape(C, 8, 128)
    row = lambda a: a.reshape(C, 1, _CB)
    return tile(xs), tile(ys), tile(vv), row(xs), row(ys), row(vv)


def kernel(input, target):
    B, H, W = input.shape
    N = H * W
    C = -(-N // _BS)
    pad = C * _BS - N
    maxd2 = (H - 1) ** 2 + (W - 1) ** 2
    iters = max(1, (maxd2 + 1).bit_length())

    pm = (input > 0.5).reshape(B, N)
    tm = (target > 0.5).reshape(B, N)

    rr, cc = jnp.meshgrid(jnp.arange(H), jnp.arange(W), indexing="ij")
    cx = rr.reshape(N).astype(jnp.float32)
    cy = cc.reshape(N).astype(jnp.float32)

    comp = jax.vmap(functools.partial(_compact, cx=cx, cy=cy, C=C, pad=pad))
    px, py, pv, pxr, pyr, pvr = comp(pm)
    tx, ty, tv, txr, tyr, tvr = comp(tm)

    tspec = pl.BlockSpec((1, C, 8, 128), lambda b: (b, 0, 0, 0))
    rspec = pl.BlockSpec((1, C, 1, _CB), lambda b: (b, 0, 0, 0))
    body = functools.partial(_hd95_body, C=C, maxd2=maxd2, iters=iters,
                             nbatch=B)
    out = pl.pallas_call(
        body,
        grid=(B,),
        in_specs=[tspec] * 6 + [rspec] * 6,
        out_specs=pl.BlockSpec((1, 1), lambda b: (0, 0)),
        out_shape=jax.ShapeDtypeStruct((1, 1), jnp.float32),
        scratch_shapes=[
            pltpu.VMEM((C * C, 8, 128), jnp.float32),
            pltpu.VMEM((C * C, 8, 128), jnp.float32),
            pltpu.SMEM((2,), jnp.float32),
        ],
    )(px, py, pv, tx, ty, tv, pxr, pyr, pvr, txr, tyr, tvr)
    return out.reshape(())

# --- scband reference (transcript-rebuilt; emitter-appended) ---
"""Pipeline reference for scband-hd95-loss-56779467653752 (READ-ONLY COPY).

The authoritative reference and input builder live on the scoring server;
editing this copy changes nothing except your own understanding.
"""

import jax, jax.numpy as jnp
from jax import lax
import numpy as np


def setup_inputs(seed: int = 0) -> dict:
    key = jax.random.key(seed)
    k1, k2 = jax.random.split(key)
    inp = jax.random.normal(k1, (2, 224, 224), dtype=jnp.float32)
    tgt = jax.random.normal(k2, (2, 224, 224), dtype=jnp.float32)
    return {"input": inp, "target": tgt}


def _hd95(output, target, batch_size=1000):
    # Faithful port of the chunked HD95 computation. Note the original
    # concatenates per-chunk row-mins and per-chunk col-mins (not global
    # matrix mins); we replicate that exactly. Nonzero points are laid out
    # in row-major order (matching torch.nonzero / jnp.argwhere) into
    # fixed-size chunks with validity masks so all shapes are static.
    B, H, W = output.shape
    N = H * W
    C = -(-N // batch_size)
    pad = C * batch_size - N
    rr, cc = jnp.meshgrid(jnp.arange(H), jnp.arange(W), indexing="ij")
    coords = jnp.stack([rr.ravel(), cc.ravel()], axis=-1).astype(jnp.float32)

    def chunked(mask):
        # Stable sort puts valid points first, preserving row-major order.
        order = jnp.argsort(~mask)
        pts = jnp.concatenate([coords[order], jnp.zeros((pad, 2), jnp.float32)])
        val = jnp.concatenate([mask[order], jnp.zeros((pad,), bool)])
        return pts.reshape(C, batch_size, 2), val.reshape(C, batch_size)

    total = jnp.float32(0.0)
    cnt = jnp.int32(0)
    for b in range(B):
        pm = output[b].ravel() != 0
        tm = target[b].ravel() != 0
        n_pred = jnp.sum(pm).astype(jnp.int32)
        n_true = jnp.sum(tm).astype(jnp.int32)
        pp, pv = chunked(pm)
        tp, tv = chunked(tm)
        n_pc = (n_pred + (batch_size - 1)) // batch_size
        n_tc = (n_true + (batch_size - 1)) // batch_size

        def pair_body(carry, idx):
            i = idx // C
            j = idx % C
            pi = pp[i]
            tj = tp[j]
            # Euclidean cdist chunk
            d = jnp.sqrt(jnp.sum((pi[:, None, :] - tj[None, :, :]) ** 2, axis=-1))
            row = jnp.min(jnp.where(tv[j][None, :], d, jnp.inf), axis=1)
            col = jnp.min(jnp.where(pv[i][:, None], d, jnp.inf), axis=0)
            row_ok = pv[i] & (j < n_tc)
            col_ok = tv[j] & (i < n_pc)
            return carry, (row, col, row_ok, col_ok)

        _, (rows, cols, rows_ok, cols_ok) = lax.scan(
            pair_body, 0, jnp.arange(C * C))
        vals = jnp.concatenate([rows.ravel(), cols.ravel()])
        ok = jnp.concatenate([rows_ok.ravel(), cols_ok.ravel()])
        srt = jnp.sort(jnp.where(ok, vals, jnp.inf))
        n = jnp.sum(ok).astype(jnp.int32)
        # 0.95 quantile, 'linear' method, over the first n sorted entries
        # (identical formula to jnp.quantile with a traced count).
        nf = n.astype(jnp.float32)
        q = jnp.float32(0.95) * (nf - jnp.float32(1))
        low = jnp.floor(q)
        high = jnp.ceil(q)
        high_w = q - low
        low_w = jnp.float32(1) - high_w
        low_i = jnp.maximum(jnp.float32(0), jnp.minimum(low, nf - 1)).astype(jnp.int32)
        high_i = jnp.maximum(jnp.float32(0), jnp.minimum(high, nf - 1)).astype(jnp.int32)
        hd = srt[low_i] * low_w + srt[high_i] * high_w
        valid = (n_pred > 0) & (n_true > 0)
        total = total + jnp.where(valid, hd, jnp.float32(0.0))
        cnt = cnt + valid.astype(jnp.int32)
    mean = total / cnt.astype(jnp.float32)
    return jnp.where(cnt > 0, mean, jnp.float32(jnp.inf))


def reference(input, target):
    input_bin = (input > 0.5).astype(jnp.float32)
    target_bin = (target > 0.5).astype(jnp.float32)
    val = _hd95(input_bin, target_bin)
    return jnp.asarray(val, dtype=jnp.float32)

if __name__ == "__main__":
    import jax
    _d = setup_inputs()
    print(jax.jit(kernel)(*tuple(_d.values())))

</pallas_src>

<mosaic_0001>
module attributes {stable_mosaic.version = 14 : i64} {
  func.func @_hd95_body(%arg0: i32, %arg1: memref<1x51x8x128xf32, #tpu.memory_space<vmem>>, %arg2: memref<1x51x8x128xf32, #tpu.memory_space<vmem>>, %arg3: memref<1x51x8x128xf32, #tpu.memory_space<vmem>>, %arg4: memref<1x51x8x128xf32, #tpu.memory_space<vmem>>, %arg5: memref<1x51x8x128xf32, #tpu.memory_space<vmem>>, %arg6: memref<1x51x8x128xf32, #tpu.memory_space<vmem>>, %arg7: memref<1x51x1x1024xf32, #tpu.memory_space<vmem>>, %arg8: memref<1x51x1x1024xf32, #tpu.memory_space<vmem>>, %arg9: memref<1x51x1x1024xf32, #tpu.memory_space<vmem>>, %arg10: memref<1x51x1x1024xf32, #tpu.memory_space<vmem>>, %arg11: memref<1x51x1x1024xf32, #tpu.memory_space<vmem>>, %arg12: memref<1x51x1x1024xf32, #tpu.memory_space<vmem>>, %arg13: memref<1x1xf32, #tpu.memory_space<vmem>>, %arg14: memref<2601x8x128xf32, #tpu.memory_space<vmem>>, %arg15: memref<2601x8x128xf32, #tpu.memory_space<vmem>>, %arg16: memref<2xf32, #tpu.memory_space<smem>>) attributes {dimension_semantics = [#tpu.dimension_semantics<arbitrary>], iteration_bounds = array<i64: 2>, scalar_prefetch = 0 : i64, scratch_operands = 3 : i64, tpu.core_type = #tpu.core_type<tc>, window_params = [{transform_indices = @transform_0, window_bounds = array<i64: 1, 51, 8, 128>}, {transform_indices = @transform_1, window_bounds = array<i64: 1, 51, 8, 128>}, {transform_indices = @transform_2, window_bounds = array<i64: 1, 51, 8, 128>}, {transform_indices = @transform_3, window_bounds = array<i64: 1, 51, 8, 128>}, {transform_indices = @transform_4, window_bounds = array<i64: 1, 51, 8, 128>}, {transform_indices = @transform_5, window_bounds = array<i64: 1, 51, 8, 128>}, {transform_indices = @transform_6, window_bounds = array<i64: 1, 51, 1, 1024>}, {transform_indices = @transform_7, window_bounds = array<i64: 1, 51, 1, 1024>}, {transform_indices = @transform_8, window_bounds = array<i64: 1, 51, 1, 1024>}, {transform_indices = @transform_9, window_bounds = array<i64: 1, 51, 1, 1024>}, {transform_indices = @transform_10, window_bounds = array<i64: 1, 51, 1, 1024>}, {transform_indices = @transform_11, window_bounds = array<i64: 1, 51, 1, 1024>}, {pipeline_mode = #tpu.pipeline_mode<synchronous>, transform_indices = @transform_12, window_bounds = array<i64: 1, 1>}]} {
    %eq3A = arith.constant 0 : i32
    %eq3A_0 = arith.cmpi eq, %arg0, %eq3A : i32
    %convert_element_type3A = arith.extui %eq3A_0 : i1 to i32
    %cond3A = arith.constant 0 : i32
    %cond3A_1 = arith.cmpi ne, %convert_element_type3A, %cond3A : i32
    scf.if %cond3A_1 {
      %swap3A_152 = arith.constant 0.000000e+00 : f32
      %swap3A_153 = arith.constant 0 : index
      %swap3A_154 = memref.load %arg16[%swap3A_153] : memref<2xf32, #tpu.memory_space<smem>>
      memref.store %swap3A_152, %arg16[%swap3A_153] : memref<2xf32, #tpu.memory_space<smem>>
      %swap3A_155 = arith.constant 0.000000e+00 : f32
      %swap3A_156 = arith.constant 1 : index
      %swap3A_157 = memref.load %arg16[%swap3A_156] : memref<2xf32, #tpu.memory_space<smem>>
      memref.store %swap3A_155, %arg16[%swap3A_156] : memref<2xf32, #tpu.memory_space<smem>>
    } else {
    }
    %get3A = arith.constant 0 : index
    %get3A_2 = arith.constant 0 : index
    %get3A_3 = arith.constant 0 : index
    %get3A_4 = arith.constant 0 : index
    %get3A_5 = vector.load %arg3[%get3A, %get3A_2, %get3A_3, %get3A_4] : memref<1x51x8x128xf32, #tpu.memory_space<vmem>>, vector<1x51x8x128xf32>
    %get3A_6 = vector.shape_cast %get3A_5 : vector<1x51x8x128xf32> to vector<51x8x128xf32>
    %reduce_sum3A = vector.shape_cast %get3A_6 : vector<51x8x128xf32> to vector<1x51x8x128xf32>
    %reduce_sum3A_7 = arith.constant dense<0.000000e+00> : vector<1xf32>
    %reduce_sum3A_8 = vector.multi_reduction <add>, %reduce_sum3A, %reduce_sum3A_7 [1, 2, 3] : vector<1x51x8x128xf32> to vector<1xf32>
    %reduce_sum3A_9 = vector.shape_cast %reduce_sum3A_8 : vector<1xf32> to vector<1x1x1x1xf32>
    %reduce_sum3A_10 = vector.extract %reduce_sum3A_9[0, 0, 0, 0] : f32 from vector<1x1x1x1xf32>
    %convert_element_type3A_11 = arith.fptosi %reduce_sum3A_10 : f32 to i32
    %get3A_12 = arith.constant 0 : index
    %get3A_13 = arith.constant 0 : index
    %get3A_14 = arith.constant 0 : index
    %get3A_15 = arith.constant 0 : index
    %get3A_16 = vector.load %arg6[%get3A_12, %get3A_13, %get3A_14, %get3A_15] : memref<1x51x8x128xf32, #tpu.memory_space<vmem>>, vector<1x51x8x128xf32>
    %get3A_17 = vector.shape_cast %get3A_16 : vector<1x51x8x128xf32> to vector<51x8x128xf32>
    %reduce_sum3A_18 = vector.shape_cast %get3A_17 : vector<51x8x128xf32> to vector<1x51x8x128xf32>
    %reduce_sum3A_19 = arith.constant dense<0.000000e+00> : vector<1xf32>
    %reduce_sum3A_20 = vector.multi_reduction <add>, %reduce_sum3A_18, %reduce_sum3A_19 [1, 2, 3] : vector<1x51x8x128xf32> to vector<1xf32>
    %reduce_sum3A_21 = vector.shape_cast %reduce_sum3A_20 : vector<1xf32> to vector<1x1x1x1xf32>
    %reduce_sum3A_22 = vector.extract %reduce_sum3A_21[0, 0, 0, 0] : f32 from vector<1x1x1x1xf32>
    %convert_element_type3A_23 = arith.fptosi %reduce_sum3A_22 : f32 to i32
    %add3A = arith.constant 1000 : i32
    %add3A_24 = arith.addi %convert_element_type3A_11, %add3A : i32
    %sub3A = arith.constant 1 : i32
    %sub3A_25 = arith.subi %add3A_24, %sub3A : i32
    %jit3A = arith.constant 1000 : i32
    %div3A = arith.divsi %sub3A_25, %jit3A : i32
    %sign3A = arith.constant 0 : i32
    %sign3A_26 = arith.cmpi sgt, %sub3A_25, %sign3A : i32
    %sign3A_27 = arith.extui %sign3A_26 : i1 to i32
    %sign3A_28 = arith.constant 0 : i32
    %sign3A_29 = arith.cmpi slt, %sub3A_25, %sign3A_28 : i32
    %sign3A_30 = arith.extui %sign3A_29 : i1 to i32
    %sign3A_31 = arith.subi %sign3A_27, %sign3A_30 : i32
    %sign3A_32 = arith.constant 0 : i32
    %sign3A_33 = arith.cmpi sgt, %jit3A, %sign3A_32 : i32
    %sign3A_34 = arith.extui %sign3A_33 : i1 to i32
    %sign3A_35 = arith.constant 0 : i32
    %sign3A_36 = arith.cmpi slt, %jit3A, %sign3A_35 : i32
    %sign3A_37 = arith.extui %sign3A_36 : i1 to i32
    %sign3A_38 = arith.subi %sign3A_34, %sign3A_37 : i32
    %ne3A = arith.cmpi ne, %sign3A_31, %sign3A_38 : i32
    %rem3A = arith.remsi %sub3A_25, %jit3A : i32
    %ne3A_39 = arith.constant 0 : i32
    %ne3A_40 = arith.cmpi ne, %rem3A, %ne3A_39 : i32
    %and3A = arith.andi %ne3A, %ne3A_40 : i1
    %sub3A_41 = arith.constant 1 : i32
    %sub3A_42 = arith.subi %div3A, %sub3A_41 : i32
    %select_n3A = arith.select %and3A, %sub3A_42, %div3A : i32
    %add3A_43 = arith.constant 1000 : i32
    %add3A_44 = arith.addi %convert_element_type3A_23, %add3A_43 : i32
    %sub3A_45 = arith.constant 1 : i32
    %sub3A_46 = arith.subi %add3A_44, %sub3A_45 : i32
    %jit3A_47 = arith.constant 1000 : i32
    %div3A_48 = arith.divsi %sub3A_46, %jit3A_47 : i32
    %sign3A_49 = arith.constant 0 : i32
    %sign3A_50 = arith.cmpi sgt, %sub3A_46, %sign3A_49 : i32
    %sign3A_51 = arith.extui %sign3A_50 : i1 to i32
    %sign3A_52 = arith.constant 0 : i32
    %sign3A_53 = arith.cmpi slt, %sub3A_46, %sign3A_52 : i32
    %sign3A_54 = arith.extui %sign3A_53 : i1 to i32
    %sign3A_55 = arith.subi %sign3A_51, %sign3A_54 : i32
    %sign3A_56 = arith.constant 0 : i32
    %sign3A_57 = arith.cmpi sgt, %jit3A_47, %sign3A_56 : i32
    %sign3A_58 = arith.extui %sign3A_57 : i1 to i32
    %sign3A_59 = arith.constant 0 : i32
    %sign3A_60 = arith.cmpi slt, %jit3A_47, %sign3A_59 : i32
    %sign3A_61 = arith.extui %sign3A_60 : i1 to i32
    %sign3A_62 = arith.subi %sign3A_58, %sign3A_61 : i32
    %ne3A_63 = arith.cmpi ne, %sign3A_55, %sign3A_62 : i32
    %rem3A_64 = arith.remsi %sub3A_46, %jit3A_47 : i32
    %ne3A_65 = arith.constant 0 : i32
    %ne3A_66 = arith.cmpi ne, %rem3A_64, %ne3A_65 : i32
    %and3A_67 = arith.andi %ne3A_63, %ne3A_66 : i1
    %sub3A_68 = arith.constant 1 : i32
    %sub3A_69 = arith.subi %div3A_48, %sub3A_68 : i32
    %select_n3A_70 = arith.select %and3A_67, %sub3A_69, %div3A_48 : i32
    %mul3A = arith.muli %select_n3A, %select_n3A_70 : i32
    %while3A = arith.constant 0 : i32
    %while3A_71 = arith.constant 0x7F800000 : f32
    %while3A_72 = arith.constant 0 : i32
    %while3A_73 = arith.subi %mul3A, %while3A_72 : i32
    %while3A_74 = arith.addi %while3A_72, %while3A_73 : i32
    %while3A_75 = arith.constant 1 : i32
    %while3A_76 = arith.divsi %while3A_73, %while3A_75 : i32
    %while3A_77 = arith.muli %while3A_76, %while3A_75 : i32
    %while3A_78 = arith.addi %while3A_72, %while3A_77 : i32
    %while3A_79 = arith.constant 1 : i32
    scf.for %while3A_152 = %while3A_72 to %while3A_78 step %while3A_79  : i32 {
      %div3A_153 = arith.divsi %while3A_152, %select_n3A_70 : i32
      %sign3A_154 = arith.constant 0 : i32
      %sign3A_155 = arith.cmpi sgt, %while3A_152, %sign3A_154 : i32
      %sign3A_156 = arith.extui %sign3A_155 : i1 to i32
      %sign3A_157 = arith.constant 0 : i32
      %sign3A_158 = arith.cmpi slt, %while3A_152, %sign3A_157 : i32
      %sign3A_159 = arith.extui %sign3A_158 : i1 to i32
      %sign3A_160 = arith.subi %sign3A_156, %sign3A_159 : i32
      %sign3A_161 = arith.constant 0 : i32
      %sign3A_162 = arith.cmpi sgt, %select_n3A_70, %sign3A_161 : i32
      %sign3A_163 = arith.extui %sign3A_162 : i1 to i32
      %sign3A_164 = arith.constant 0 : i32
      %sign3A_165 = arith.cmpi slt, %select_n3A_70, %sign3A_164 : i32
      %sign3A_166 = arith.extui %sign3A_165 : i1 to i32
      %sign3A_167 = arith.subi %sign3A_163, %sign3A_166 : i32
      %ne3A_168 = arith.cmpi ne, %sign3A_160, %sign3A_167 : i32
      %rem3A_169 = arith.remsi %while3A_152, %select_n3A_70 : i32
      %ne3A_170 = arith.constant 0 : i32
      %ne3A_171 = arith.cmpi ne, %rem3A_169, %ne3A_170 : i32
      %and3A_172 = arith.andi %ne3A_168, %ne3A_171 : i1
      %sub3A_173 = arith.constant 1 : i32
      %sub3A_174 = arith.subi %div3A_153, %sub3A_173 : i32
      %select_n3A_175 = arith.select %and3A_172, %sub3A_174, %div3A_153 : i32
      %mul3A_176 = arith.muli %select_n3A_175, %select_n3A_70 : i32
      %sub3A_177 = arith.subi %while3A_152, %mul3A_176 : i32
      %get3A_178 = arith.constant 0 : index
      %get3A_179 = arith.index_cast %select_n3A_175 : i32 to index
      %get3A_180 = arith.constant 0 : index
      %get3A_181 = arith.constant 0 : index
      %get3A_182 = vector.load %arg1[%get3A_178, %get3A_179, %get3A_180, %get3A_181] : memref<1x51x8x128xf32, #tpu.memory_space<vmem>>, vector<1x1x8x128xf32>
      %get3A_183 = vector.shape_cast %get3A_182 : vector<1x1x8x128xf32> to vector<8x128xf32>
      %transpose3A = tpu.transpose %get3A_183, [1, 0] : vector<8x128xf32> -> vector<128x8xf32>
      %get3A_184 = arith.constant 0 : index
      %get3A_185 = arith.index_cast %select_n3A_175 : i32 to index
      %get3A_186 = arith.constant 0 : index
      %get3A_187 = arith.constant 0 : index
      %get3A_188 = vector.load %arg2[%get3A_184, %get3A_185, %get3A_186, %get3A_187] : memref<1x51x8x128xf32, #tpu.memory_space<vmem>>, vector<1x1x8x128xf32>
      %get3A_189 = vector.shape_cast %get3A_188 : vector<1x1x8x128xf32> to vector<8x128xf32>
      %transpose3A_190 = tpu.transpose %get3A_189, [1, 0] : vector<8x128xf32> -> vector<128x8xf32>
      %get3A_191 = arith.constant 0 : index
      %get3A_192 = arith.index_cast %sub3A_177 : i32 to index
      %get3A_193 = arith.constant 0 : index
      %get3A_194 = arith.constant 0 : index
      %get3A_195 = vector.load %arg10[%get3A_191, %get3A_192, %get3A_193, %get3A_194] : memref<1x51x1x1024xf32, #tpu.memory_space<vmem>>, vector<1x1x1x1024xf32>
      %get3A_196 = vector.shape_cast %get3A_195 : vector<1x1x1x1024xf32> to vector<1x1024xf32>
      %get3A_197 = arith.constant 0 : index
      %get3A_198 = arith.index_cast %sub3A_177 : i32 to index
      %get3A_199 = arith.constant 0 : index
      %get3A_200 = arith.constant 0 : index
      %get3A_201 = vector.load %arg11[%get3A_197, %get3A_198, %get3A_199, %get3A_200] : memref<1x51x1x1024xf32, #tpu.memory_space<vmem>>, vector<1x1x1x1024xf32>
      %get3A_202 = vector.shape_cast %get3A_201 : vector<1x1x1x1024xf32> to vector<1x1024xf32>
      %get3A_203 = arith.constant 0 : index
      %get3A_204 = arith.index_cast %sub3A_177 : i32 to index
      %get3A_205 = arith.constant 0 : index
      %get3A_206 = arith.constant 0 : index
      %get3A_207 = vector.load %arg12[%get3A_203, %get3A_204, %get3A_205, %get3A_206] : memref<1x51x1x1024xf32, #tpu.memory_space<vmem>>, vector<1x1x1x1024xf32>
      %get3A_208 = vector.shape_cast %get3A_207 : vector<1x1x1x1024xf32> to vector<1x1024xf32>
      %slice3A = vector.extract_strided_slice %transpose3A {offsets = [0, 0], sizes = [128, 1], strides = [1, 1]} : vector<128x8xf32> to vector<128x1xf32>
      %slice3A_209 = vector.extract_strided_slice %transpose3A_190 {offsets = [0, 0], sizes = [128, 1], strides = [1, 1]} : vector<128x8xf32> to vector<128x1xf32>
      %sub3A_210 = vector.broadcast %slice3A : vector<128x1xf32> to vector<128x1024xf32>
      %sub3A_211 = vector.broadcast %get3A_196 : vector<1x1024xf32> to vector<128x1024xf32>
      %sub3A_212 = arith.subf %sub3A_210, %sub3A_211 : vector<128x1024xf32>
      %sub3A_213 = vector.broadcast %slice3A_209 : vector<128x1xf32> to vector<128x1024xf32>
      %sub3A_214 = vector.broadcast %get3A_202 : vector<1x1024xf32> to vector<128x1024xf32>
      %sub3A_215 = arith.subf %sub3A_213, %sub3A_214 : vector<128x1024xf32>
      %mul3A_216 = arith.mulf %sub3A_212, %sub3A_212 : vector<128x1024xf32>
      %mul3A_217 = arith.mulf %sub3A_215, %sub3A_215 : vector<128x1024xf32>
      %add3A_218 = arith.addf %mul3A_216, %mul3A_217 : vector<128x1024xf32>
      %gt3A_219 = arith.constant 0.000000e+00 : f32
      %gt3A_220 = vector.broadcast %gt3A_219 : f32 to vector<1x1024xf32>
      %gt3A_221 = arith.cmpf ogt, %get3A_208, %gt3A_220 : vector<1x1024xf32>
      %broadcast_in_dim3A = vector.shape_cast %gt3A_221 : vector<1x1024xi1> to vector<1x1024xi1>
      %broadcast_in_dim3A_222 = vector.broadcast %broadcast_in_dim3A : vector<1x1024xi1> to vector<128x1024xi1>
      %broadcast_in_dim3A_223 = vector.broadcast %while3A_71 : f32 to vector<128x1024xf32>
      %select_n3A_224 = arith.select %broadcast_in_dim3A_222, %add3A_218, %broadcast_in_dim3A_223 : vector<128x1024xi1>, vector<128x1024xf32>
      %reduce_min3A = arith.constant dense<0x7F800000> : vector<128xf32>
      %reduce_min3A_225 = vector.multi_reduction <minimumf>, %select_n3A_224, %reduce_min3A [1] : vector<128x1024xf32> to vector<128xf32>
      %broadcast_in_dim3A_226 = vector.shape_cast %reduce_min3A_225 : vector<128xf32> to vector<128x1xf32>
      %slice3A_227 = vector.extract_strided_slice %transpose3A {offsets = [0, 1], sizes = [128, 1], strides = [1, 1]} : vector<128x8xf32> to vector<128x1xf32>
      %slice3A_228 = vector.extract_strided_slice %transpose3A_190 {offsets = [0, 1], sizes = [128, 1], strides = [1, 1]} : vector<128x8xf32> to vector<128x1xf32>
      %sub3A_229 = vector.broadcast %slice3A_227 : vector<128x1xf32> to vector<128x1024xf32>
      %sub3A_230 = vector.broadcast %get3A_196 : vector<1x1024xf32> to vector<128x1024xf32>
      %sub3A_231 = arith.subf %sub3A_229, %sub3A_230 : vector<128x1024xf32>
      %sub3A_232 = vector.broadcast %slice3A_228 : vector<128x1xf32> to vector<128x1024xf32>
      %sub3A_233 = vector.broadcast %get3A_202 : vector<1x1024xf32> to vector<128x1024xf32>
      %sub3A_234 = arith.subf %sub3A_232, %sub3A_233 : vector<128x1024xf32>
      %mul3A_235 = arith.mulf %sub3A_231, %sub3A_231 : vector<128x1024xf32>
      %mul3A_236 = arith.mulf %sub3A_234, %sub3A_234 : vector<128x1024xf32>
      %add3A_237 = arith.addf %mul3A_235, %mul3A_236 : vector<128x1024xf32>
      %gt3A_238 = arith.constant 0.000000e+00 : f32
      %gt3A_239 = vector.broadcast %gt3A_238 : f32 to vector<1x1024xf32>
      %gt3A_240 = arith.cmpf ogt, %get3A_208, %gt3A_239 : vector<1x1024xf32>
      %broadcast_in_dim3A_241 = vector.shape_cast %gt3A_240 : vector<1x1024xi1> to vector<1x1024xi1>
      %broadcast_in_dim3A_242 = vector.broadcast %broadcast_in_dim3A_241 : vector<1x1024xi1> to vector<128x1024xi1>
      %broadcast_in_dim3A_243 = vector.broadcast %while3A_71 : f32 to vector<128x1024xf32>
      %select_n3A_244 = arith.select %broadcast_in_dim3A_242, %add3A_237, %broadcast_in_dim3A_243 : vector<128x1024xi1>, vector<128x1024xf32>
      %reduce_min3A_245 = arith.constant dense<0x7F800000> : vector<128xf32>
      %reduce_min3A_246 = vector.multi_reduction <minimumf>, %select_n3A_244, %reduce_min3A_245 [1] : vector<128x1024xf32> to vector<128xf32>
      %broadcast_in_dim3A_247 = vector.shape_cast %reduce_min3A_246 : vector<128xf32> to vector<128x1xf32>
      %slice3A_248 = vector.extract_strided_slice %transpose3A {offsets = [0, 2], sizes = [128, 1], strides = [1, 1]} : vector<128x8xf32> to vector<128x1xf32>
      %slice3A_249 = vector.extract_strided_slice %transpose3A_190 {offsets = [0, 2], sizes = [128, 1], strides = [1, 1]} : vector<128x8xf32> to vector<128x1xf32>
      %sub3A_250 = vector.broadcast %slice3A_248 : vector<128x1xf32> to vector<128x1024xf32>
      %sub3A_251 = vector.broadcast %get3A_196 : vector<1x1024xf32> to vector<128x1024xf32>
      %sub3A_252 = arith.subf %sub3A_250, %sub3A_251 : vector<128x1024xf32>
      %sub3A_253 = vector.broadcast %slice3A_249 : vector<128x1xf32> to vector<128x1024xf32>
      %sub3A_254 = vector.broadcast %get3A_202 : vector<1x1024xf32> to vector<128x1024xf32>
      %sub3A_255 = arith.subf %sub3A_253, %sub3A_254 : vector<128x1024xf32>
      %mul3A_256 = arith.mulf %sub3A_252, %sub3A_252 : vector<128x1024xf32>
      %mul3A_257 = arith.mulf %sub3A_255, %sub3A_255 : vector<128x1024xf32>
      %add3A_258 = arith.addf %mul3A_256, %mul3A_257 : vector<128x1024xf32>
      %gt3A_259 = arith.constant 0.000000e+00 : f32
      %gt3A_260 = vector.broadcast %gt3A_259 : f32 to vector<1x1024xf32>
      %gt3A_261 = arith.cmpf ogt, %get3A_208, %gt3A_260 : vector<1x1024xf32>
      %broadcast_in_dim3A_262 = vector.shape_cast %gt3A_261 : vector<1x1024xi1> to vector<1x1024xi1>
      %broadcast_in_dim3A_263 = vector.broadcast %broadcast_in_dim3A_262 : vector<1x1024xi1> to vector<128x1024xi1>
      %broadcast_in_dim3A_264 = vector.broadcast %while3A_71 : f32 to vector<128x1024xf32>
      %select_n3A_265 = arith.select %broadcast_in_dim3A_263, %add3A_258, %broadcast_in_dim3A_264 : vector<128x1024xi1>, vector<128x1024xf32>
      %reduce_min3A_266 = arith.constant dense<0x7F800000> : vector<128xf32>
      %reduce_min3A_267 = vector.multi_reduction <minimumf>, %select_n3A_265, %reduce_min3A_266 [1] : vector<128x1024xf32> to vector<128xf32>
      %broadcast_in_dim3A_268 = vector.shape_cast %reduce_min3A_267 : vector<128xf32> to vector<128x1xf32>
      %slice3A_269 = vector.extract_strided_slice %transpose3A {offsets = [0, 3], sizes = [128, 1], strides = [1, 1]} : vector<128x8xf32> to vector<128x1xf32>
      %slice3A_270 = vector.extract_strided_slice %transpose3A_190 {offsets = [0, 3], sizes = [128, 1], strides = [1, 1]} : vector<128x8xf32> to vector<128x1xf32>
      %sub3A_271 = vector.broadcast %slice3A_269 : vector<128x1xf32> to vector<128x1024xf32>
      %sub3A_272 = vector.broadcast %get3A_196 : vector<1x1024xf32> to vector<128x1024xf32>
      %sub3A_273 = arith.subf %sub3A_271, %sub3A_272 : vector<128x1024xf32>
      %sub3A_274 = vector.broadcast %slice3A_270 : vector<128x1xf32> to vector<128x1024xf32>
      %sub3A_275 = vector.broadcast %get3A_202 : vector<1x1024xf32> to vector<128x1024xf32>
      %sub3A_276 = arith.subf %sub3A_274, %sub3A_275 : vector<128x1024xf32>
      %mul3A_277 = arith.mulf %sub3A_273, %sub3A_273 : vector<128x1024xf32>
      %mul3A_278 = arith.mulf %sub3A_276, %sub3A_276 : vector<128x1024xf32>
      %add3A_279 = arith.addf %mul3A_277, %mul3A_278 : vector<128x1024xf32>
      %gt3A_280 = arith.constant 0.000000e+00 : f32
      %gt3A_281 = vector.broadcast %gt3A_280 : f32 to vector<1x1024xf32>
      %gt3A_282 = arith.cmpf ogt, %get3A_208, %gt3A_281 : vector<1x1024xf32>
      %broadcast_in_dim3A_283 = vector.shape_cast %gt3A_282 : vector<1x1024xi1> to vector<1x1024xi1>
      %broadcast_in_dim3A_284 = vector.broadcast %broadcast_in_dim3A_283 : vector<1x1024xi1> to vector<128x1024xi1>
      %broadcast_in_dim3A_285 = vector.broadcast %while3A_71 : f32 to vector<128x1024xf32>
      %select_n3A_286 = arith.select %broadcast_in_dim3A_284, %add3A_279, %broadcast_in_dim3A_285 : vector<128x1024xi1>, vector<128x1024xf32>
      %reduce_min3A_287 = arith.constant dense<0x7F800000> : vector<128xf32>
      %reduce_min3A_288 = vector.multi_reduction <minimumf>, %select_n3A_286, %reduce_min3A_287 [1] : vector<128x1024xf32> to vector<128xf32>
      %broadcast_in_dim3A_289 = vector.shape_cast %reduce_min3A_288 : vector<128xf32> to vector<128x1xf32>
      %slice3A_290 = vector.extract_strided_slice %transpose3A {offsets = [0, 4], sizes = [128, 1], strides = [1, 1]} : vector<128x8xf32> to vector<128x1xf32>
      %slice3A_291 = vector.extract_strided_slice %transpose3A_190 {offsets = [0, 4], sizes = [128, 1], strides = [1, 1]} : vector<128x8xf32> to vector<128x1xf32>
      %sub3A_292 = vector.broadcast %slice3A_290 : vector<128x1xf32> to vector<128x1024xf32>
      %sub3A_293 = vector.broadcast %get3A_196 : vector<1x1024xf32> to vector<128x1024xf32>
      %sub3A_294 = arith.subf %sub3A_292, %sub3A_293 : vector<128x1024xf32>
      %sub3A_295 = vector.broadcast %slice3A_291 : vector<128x1xf32> to vector<128x1024xf32>
      %sub3A_296 = vector.broadcast %get3A_202 : vector<1x1024xf32> to vector<128x1024xf32>
      %sub3A_297 = arith.subf %sub3A_295, %sub3A_296 : vector<128x1024xf32>
      %mul3A_298 = arith.mulf %sub3A_294, %sub3A_294 : vector<128x1024xf32>
      %mul3A_299 = arith.mulf %sub3A_297, %sub3A_297 : vector<128x1024xf32>
      %add3A_300 = arith.addf %mul3A_298, %mul3A_299 : vector<128x1024xf32>
      %gt3A_301 = arith.constant 0.000000e+00 : f32
      %gt3A_302 = vector.broadcast %gt3A_301 : f32 to vector<1x1024xf32>
      %gt3A_303 = arith.cmpf ogt, %get3A_208, %gt3A_302 : vector<1x1024xf32>
      %broadcast_in_dim3A_304 = vector.shape_cast %gt3A_303 : vector<1x1024xi1> to vector<1x1024xi1>
      %broadcast_in_dim3A_305 = vector.broadcast %broadcast_in_dim3A_304 : vector<1x1024xi1> to vector<128x1024xi1>
      %broadcast_in_dim3A_306 = vector.broadcast %while3A_71 : f32 to vector<128x1024xf32>
      %select_n3A_307 = arith.select %broadcast_in_dim3A_305, %add3A_300, %broadcast_in_dim3A_306 : vector<128x1024xi1>, vector<128x1024xf32>
      %reduce_min3A_308 = arith.constant dense<0x7F800000> : vector<128xf32>
      %reduce_min3A_309 = vector.multi_reduction <minimumf>, %select_n3A_307, %reduce_min3A_308 [1] : vector<128x1024xf32> to vector<128xf32>
      %broadcast_in_dim3A_310 = vector.shape_cast %reduce_min3A_309 : vector<128xf32> to vector<128x1xf32>
      %slice3A_311 = vector.extract_strided_slice %transpose3A {offsets = [0, 5], sizes = [128, 1], strides = [1, 1]} : vector<128x8xf32> to vector<128x1xf32>
      %slice3A_312 = vector.extract_strided_slice %transpose3A_190 {offsets = [0, 5], sizes = [128, 1], strides = [1, 1]} : vector<128x8xf32> to vector<128x1xf32>
      %sub3A_313 = vector.broadcast %slice3A_311 : vector<128x1xf32> to vector<128x1024xf32>
      %sub3A_314 = vector.broadcast %get3A_196 : vector<1x1024xf32> to vector<128x1024xf32>
      %sub3A_315 = arith.subf %sub3A_313, %sub3A_314 : vector<128x1024xf32>
      %sub3A_316 = vector.broadcast %slice3A_312 : vector<128x1xf32> to vector<128x1024xf32>
      %sub3A_317 = vector.broadcast %get3A_202 : vector<1x1024xf32> to vector<128x1024xf32>
      %sub3A_318 = arith.subf %sub3A_316, %sub3A_317 : vector<128x1024xf32>
      %mul3A_319 = arith.mulf %sub3A_315, %sub3A_315 : vector<128x1024xf32>
      %mul3A_320 = arith.mulf %sub3A_318, %sub3A_318 : vector<128x1024xf32>
      %add3A_321 = arith.addf %mul3A_319, %mul3A_320 : vector<128x1024xf32>
      %gt3A_322 = arith.constant 0.000000e+00 : f32
      %gt3A_323 = vector.broadcast %gt3A_322 : f32 to vector<1x1024xf32>
      %gt3A_324 = arith.cmpf ogt, %get3A_208, %gt3A_323 : vector<1x1024xf32>
      %broadcast_in_dim3A_325 = vector.shape_cast %gt3A_324 : vector<1x1024xi1> to vector<1x1024xi1>
      %broadcast_in_dim3A_326 = vector.broadcast %broadcast_in_dim3A_325 : vector<1x1024xi1> to vector<128x1024xi1>
      %broadcast_in_dim3A_327 = vector.broadcast %while3A_71 : f32 to vector<128x1024xf32>
      %select_n3A_328 = arith.select %broadcast_in_dim3A_326, %add3A_321, %broadcast_in_dim3A_327 : vector<128x1024xi1>, vector<128x1024xf32>
      %reduce_min3A_329 = arith.constant dense<0x7F800000> : vector<128xf32>
      %reduce_min3A_330 = vector.multi_reduction <minimumf>, %select_n3A_328, %reduce_min3A_329 [1] : vector<128x1024xf32> to vector<128xf32>
      %broadcast_in_dim3A_331 = vector.shape_cast %reduce_min3A_330 : vector<128xf32> to vector<128x1xf32>
      %slice3A_332 = vector.extract_strided_slice %transpose3A {offsets = [0, 6], sizes = [128, 1], strides = [1, 1]} : vector<128x8xf32> to vector<128x1xf32>
      %slice3A_333 = vector.extract_strided_slice %transpose3A_190 {offsets = [0, 6], sizes = [128, 1], strides = [1, 1]} : vector<128x8xf32> to vector<128x1xf32>
      %sub3A_334 = vector.broadcast %slice3A_332 : vector<128x1xf32> to vector<128x1024xf32>
      %sub3A_335 = vector.broadcast %get3A_196 : vector<1x1024xf32> to vector<128x1024xf32>
      %sub3A_336 = arith.subf %sub3A_334, %sub3A_335 : vector<128x1024xf32>
      %sub3A_337 = vector.broadcast %slice3A_333 : vector<128x1xf32> to vector<128x1024xf32>
      %sub3A_338 = vector.broadcast %get3A_202 : vector<1x1024xf32> to vector<128x1024xf32>
      %sub3A_339 = arith.subf %sub3A_337, %sub3A_338 : vector<128x1024xf32>
      %mul3A_340 = arith.mulf %sub3A_336, %sub3A_336 : vector<128x1024xf32>
      %mul3A_341 = arith.mulf %sub3A_339, %sub3A_339 : vector<128x1024xf32>
      %add3A_342 = arith.addf %mul3A_340, %mul3A_341 : vector<128x1024xf32>
      %gt3A_343 = arith.constant 0.000000e+00 : f32
      %gt3A_344 = vector.broadcast %gt3A_343 : f32 to vector<1x1024xf32>
      %gt3A_345 = arith.cmpf ogt, %get3A_208, %gt3A_344 : vector<1x1024xf32>
      %broadcast_in_dim3A_346 = vector.shape_cast %gt3A_345 : vector<1x1024xi1> to vector<1x1024xi1>
      %broadcast_in_dim3A_347 = vector.broadcast %broadcast_in_dim3A_346 : vector<1x1024xi1> to vector<128x1024xi1>
      %broadcast_in_dim3A_348 = vector.broadcast %while3A_71 : f32 to vector<128x1024xf32>
      %select_n3A_349 = arith.select %broadcast_in_dim3A_347, %add3A_342, %broadcast_in_dim3A_348 : vector<128x1024xi1>, vector<128x1024xf32>
      %reduce_min3A_350 = arith.constant dense<0x7F800000> : vector<128xf32>
      %reduce_min3A_351 = vector.multi_reduction <minimumf>, %select_n3A_349, %reduce_min3A_350 [1] : vector<128x1024xf32> to vector<128xf32>
      %broadcast_in_dim3A_352 = vector.shape_cast %reduce_min3A_351 : vector<128xf32> to vector<128x1xf32>
      %slice3A_353 = vector.extract_strided_slice %transpose3A {offsets = [0, 7], sizes = [128, 1], strides = [1, 1]} : vector<128x8xf32> to vector<128x1xf32>
      %slice3A_354 = vector.extract_strided_slice %transpose3A_190 {offsets = [0, 7], sizes = [128, 1], strides = [1, 1]} : vector<128x8xf32> to vector<128x1xf32>
      %sub3A_355 = vector.broadcast %slice3A_353 : vector<128x1xf32> to vector<128x1024xf32>
      %sub3A_356 = vector.broadcast %get3A_196 : vector<1x1024xf32> to vector<128x1024xf32>
      %sub3A_357 = arith.subf %sub3A_355, %sub3A_356 : vector<128x1024xf32>
      %sub3A_358 = vector.broadcast %slice3A_354 : vector<128x1xf32> to vector<128x1024xf32>
      %sub3A_359 = vector.broadcast %get3A_202 : vector<1x1024xf32> to vector<128x1024xf32>
      %sub3A_360 = arith.subf %sub3A_358, %sub3A_359 : vector<128x1024xf32>
      %mul3A_361 = arith.mulf %sub3A_357, %sub3A_357 : vector<128x1024xf32>
      %mul3A_362 = arith.mulf %sub3A_360, %sub3A_360 : vector<128x1024xf32>
      %add3A_363 = arith.addf %mul3A_361, %mul3A_362 : vector<128x1024xf32>
      %gt3A_364 = arith.constant 0.000000e+00 : f32
      %gt3A_365 = vector.broadcast %gt3A_364 : f32 to vector<1x1024xf32>
      %gt3A_366 = arith.cmpf ogt, %get3A_208, %gt3A_365 : vector<1x1024xf32>
      %broadcast_in_dim3A_367 = vector.shape_cast %gt3A_366 : vector<1x1024xi1> to vector<1x1024xi1>
      %broadcast_in_dim3A_368 = vector.broadcast %broadcast_in_dim3A_367 : vector<1x1024xi1> to vector<128x1024xi1>
      %broadcast_in_dim3A_369 = vector.broadcast %while3A_71 : f32 to vector<128x1024xf32>
      %select_n3A_370 = arith.select %broadcast_in_dim3A_368, %add3A_363, %broadcast_in_dim3A_369 : vector<128x1024xi1>, vector<128x1024xf32>
      %reduce_min3A_371 = arith.constant dense<0x7F800000> : vector<128xf32>
      %reduce_min3A_372 = vector.multi_reduction <minimumf>, %select_n3A_370, %reduce_min3A_371 [1] : vector<128x1024xf32> to vector<128xf32>
      %broadcast_in_dim3A_373 = vector.shape_cast %reduce_min3A_372 : vector<128xf32> to vector<128x1xf32>
      %concatenate3A = tpu.concatenate %broadcast_in_dim3A_226, %broadcast_in_dim3A_247, %broadcast_in_dim3A_268, %broadcast_in_dim3A_289, %broadcast_in_dim3A_310, %broadcast_in_dim3A_331, %broadcast_in_dim3A_352, %broadcast_in_dim3A_373 in 1 : vector<128x1xf32>, vector<128x1xf32>, vector<128x1xf32>, vector<128x1xf32>, vector<128x1xf32>, vector<128x1xf32>, vector<128x1xf32>, vector<128x1xf32> -> vector<128x8xf32>
      %transpose3A_374 = tpu.transpose %concatenate3A, [1, 0] : vector<128x8xf32> -> vector<8x128xf32>
      %swap3A_375 = arith.index_cast %while3A_152 : i32 to index
      %swap3A_376 = arith.constant 0 : index
      %swap3A_377 = arith.constant 0 : index
      %swap3A_378 = vector.load %arg14[%swap3A_375, %swap3A_376, %swap3A_377] : memref<2601x8x128xf32, #tpu.memory_space<vmem>>, vector<1x8x128xf32>
      %swap3A_379 = vector.shape_cast %swap3A_378 : vector<1x8x128xf32> to vector<8x128xf32>
      %swap3A_380 = vector.shape_cast %transpose3A_374 : vector<8x128xf32> to vector<1x8x128xf32>
      tpu.vector_store %arg14[%swap3A_375, %swap3A_376, %swap3A_377], %swap3A_380 {strides = array<i32>} : memref<2601x8x128xf32, #tpu.memory_space<vmem>>, vector<1x8x128xf32>,
      %get3A_381 = arith.constant 0 : index
      %get3A_382 = arith.index_cast %sub3A_177 : i32 to index
      %get3A_383 = arith.constant 0 : index
      %get3A_384 = arith.constant 0 : index
      %get3A_385 = vector.load %arg4[%get3A_381, %get3A_382, %get3A_383, %get3A_384] : memref<1x51x8x128xf32, #tpu.memory_space<vmem>>, vector<1x1x8x128xf32>
      %get3A_386 = vector.shape_cast %get3A_385 : vector<1x1x8x128xf32> to vector<8x128xf32>
      %transpose3A_387 = tpu.transpose %get3A_386, [1, 0] : vector<8x128xf32> -> vector<128x8xf32>
      %get3A_388 = arith.constant 0 : index
      %get3A_389 = arith.index_cast %sub3A_177 : i32 to index
      %get3A_390 = arith.constant 0 : index
      %get3A_391 = arith.constant 0 : index
      %get3A_392 = vector.load %arg5[%get3A_388, %get3A_389, %get3A_390, %get3A_391] : memref<1x51x8x128xf32, #tpu.memory_space<vmem>>, vector<1x1x8x128xf32>
      %get3A_393 = vector.shape_cast %get3A_392 : vector<1x1x8x128xf32> to vector<8x128xf32>
      %transpose3A_394 = tpu.transpose %get3A_393, [1, 0] : vector<8x128xf32> -> vector<128x8xf32>
      %get3A_395 = arith.constant 0 : index
      %get3A_396 = arith.index_cast %select_n3A_175 : i32 to index
      %get3A_397 = arith.constant 0 : index
      %get3A_398 = arith.constant 0 : index
      %get3A_399 = vector.load %arg7[%get3A_395, %get3A_396, %get3A_397, %get3A_398] : memref<1x51x1x1024xf32, #tpu.memory_space<vmem>>, vector<1x1x1x1024xf32>
      %get3A_400 = vector.shape_cast %get3A_399 : vector<1x1x1x1024xf32> to vector<1x1024xf32>
      %get3A_401 = arith.constant 0 : index
      %get3A_402 = arith.index_cast %select_n3A_175 : i32 to index
      %get3A_403 = arith.constant 0 : index
      %get3A_404 = arith.constant 0 : index
      %get3A_405 = vector.load %arg8[%get3A_401, %get3A_402, %get3A_403, %get3A_404] : memref<1x51x1x1024xf32, #tpu.memory_space<vmem>>, vector<1x1x1x1024xf32>
      %get3A_406 = vector.shape_cast %get3A_405 : vector<1x1x1x1024xf32> to vector<1x1024xf32>
      %get3A_407 = arith.constant 0 : index
      %get3A_408 = arith.index_cast %select_n3A_175 : i32 to index
      %get3A_409 = arith.constant 0 : index
      %get3A_410 = arith.constant 0 : index
      %get3A_411 = vector.load %arg9[%get3A_407, %get3A_408, %get3A_409, %get3A_410] : memref<1x51x1x1024xf32, #tpu.memory_space<vmem>>, vector<1x1x1x1024xf32>
      %get3A_412 = vector.shape_cast %get3A_411 : vector<1x1x1x1024xf32> to vector<1x1024xf32>
      %slice3A_413 = vector.extract_strided_slice %transpose3A_387 {offsets = [0, 0], sizes = [128, 1], strides = [1, 1]} : vector<128x8xf32> to vector<128x1xf32>
      %slice3A_414 = vector.extract_strided_slice %transpose3A_394 {offsets = [0, 0], sizes = [128, 1], strides = [1, 1]} : vector<128x8xf32> to vector<128x1xf32>
      %sub3A_415 = vector.broadcast %slice3A_413 : vector<128x1xf32> to vector<128x1024xf32>
      %sub3A_416 = vector.broadcast %get3A_400 : vector<1x1024xf32> to vector<128x1024xf32>
      %sub3A_417 = arith.subf %sub3A_415, %sub3A_416 : vector<128x1024xf32>
      %sub3A_418 = vector.broadcast %slice3A_414 : vector<128x1xf32> to vector<128x1024xf32>
      %sub3A_419 = vector.broadcast %get3A_406 : vector<1x1024xf32> to vector<128x1024xf32>
      %sub3A_420 = arith.subf %sub3A_418, %sub3A_419 : vector<128x1024xf32>
      %mul3A_421 = arith.mulf %sub3A_417, %sub3A_417 : vector<128x1024xf32>
      %mul3A_422 = arith.mulf %sub3A_420, %sub3A_420 : vector<128x1024xf32>
      %add3A_423 = arith.addf %mul3A_421, %mul3A_422 : vector<128x1024xf32>
      %gt3A_424 = arith.constant 0.000000e+00 : f32
      %gt3A_425 = vector.broadcast %gt3A_424 : f32 to vector<1x1024xf32>
      %gt3A_426 = arith.cmpf ogt, %get3A_412, %gt3A_425 : vector<1x1024xf32>
      %broadcast_in_dim3A_427 = vector.shape_cast %gt3A_426 : vector<1x1024xi1> to vector<1x1024xi1>
      %broadcast_in_dim3A_428 = vector.broadcast %broadcast_in_dim3A_427 : vector<1x1024xi1> to vector<128x1024xi1>
      %broadcast_in_dim3A_429 = vector.broadcast %while3A_71 : f32 to vector<128x1024xf32>
      %select_n3A_430 = arith.select %broadcast_in_dim3A_428, %add3A_423, %broadcast_in_dim3A_429 : vector<128x1024xi1>, vector<128x1024xf32>
      %reduce_min3A_431 = arith.constant dense<0x7F800000> : vector<128xf32>
      %reduce_min3A_432 = vector.multi_reduction <minimumf>, %select_n3A_430, %reduce_min3A_431 [1] : vector<128x1024xf32> to vector<128xf32>
      %broadcast_in_dim3A_433 = vector.shape_cast %reduce_min3A_432 : vector<128xf32> to vector<128x1xf32>
      %slice3A_434 = vector.extract_strided_slice %transpose3A_387 {offsets = [0, 1], sizes = [128, 1], strides = [1, 1]} : vector<128x8xf32> to vector<128x1xf32>
      %slice3A_435 = vector.extract_strided_slice %transpose3A_394 {offsets = [0, 1], sizes = [128, 1], strides = [1, 1]} : vector<128x8xf32> to vector<128x1xf32>
      %sub3A_436 = vector.broadcast %slice3A_434 : vector<128x1xf32> to vector<128x1024xf32>
      %sub3A_437 = vector.broadcast %get3A_400 : vector<1x1024xf32> to vector<128x1024xf32>
      %sub3A_438 = arith.subf %sub3A_436, %sub3A_437 : vector<128x1024xf32>
      %sub3A_439 = vector.broadcast %slice3A_435 : vector<128x1xf32> to vector<128x1024xf32>
      %sub3A_440 = vector.broadcast %get3A_406 : vector<1x1024xf32> to vector<128x1024xf32>
      %sub3A_441 = arith.subf %sub3A_439, %sub3A_440 : vector<128x1024xf32>
      %mul3A_442 = arith.mulf %sub3A_438, %sub3A_438 : vector<128x1024xf32>
      %mul3A_443 = arith.mulf %sub3A_441, %sub3A_441 : vector<128x1024xf32>
      %add3A_444 = arith.addf %mul3A_442, %mul3A_443 : vector<128x1024xf32>
      %gt3A_445 = arith.constant 0.000000e+00 : f32
      %gt3A_446 = vector.broadcast %gt3A_445 : f32 to vector<1x1024xf32>
      %gt3A_447 = arith.cmpf ogt, %get3A_412, %gt3A_446 : vector<1x1024xf32>
      %broadcast_in_dim3A_448 = vector.shape_cast %gt3A_447 : vector<1x1024xi1> to vector<1x1024xi1>
      %broadcast_in_dim3A_449 = vector.broadcast %broadcast_in_dim3A_448 : vector<1x1024xi1> to vector<128x1024xi1>
      %broadcast_in_dim3A_450 = vector.broadcast %while3A_71 : f32 to vector<128x1024xf32>
      %select_n3A_451 = arith.select %broadcast_in_dim3A_449, %add3A_444, %broadcast_in_dim3A_450 : vector<128x1024xi1>, vector<128x1024xf32>
      %reduce_min3A_452 = arith.constant dense<0x7F800000> : vector<128xf32>
      %reduce_min3A_453 = vector.multi_reduction <minimumf>, %select_n3A_451, %reduce_min3A_452 [1] : vector<128x1024xf32> to vector<128xf32>
      %broadcast_in_dim3A_454 = vector.shape_cast %reduce_min3A_453 : vector<128xf32> to vector<128x1xf32>
      %slice3A_455 = vector.extract_strided_slice %transpose3A_387 {offsets = [0, 2], sizes = [128, 1], strides = [1, 1]} : vector<128x8xf32> to vector<128x1xf32>
      %slice3A_456 = vector.extract_strided_slice %transpose3A_394 {offsets = [0, 2], sizes = [128, 1], strides = [1, 1]} : vector<128x8xf32> to vector<128x1xf32>
      %sub3A_457 = vector.broadcast %slice3A_455 : vector<128x1xf32> to vector<128x1024xf32>
      %sub3A_458 = vector.broadcast %get3A_400 : vector<1x1024xf32> to vector<128x1024xf32>
      %sub3A_459 = arith.subf %sub3A_457, %sub3A_458 : vector<128x1024xf32>
      %sub3A_460 = vector.broadcast %slice3A_456 : vector<128x1xf32> to vector<128x1024xf32>
      %sub3A_461 = vector.broadcast %get3A_406 : vector<1x1024xf32> to vector<128x1024xf32>
      %sub3A_462 = arith.subf %sub3A_460, %sub3A_461 : vector<128x1024xf32>
      %mul3A_463 = arith.mulf %sub3A_459, %sub3A_459 : vector<128x1024xf32>
      %mul3A_464 = arith.mulf %sub3A_462, %sub3A_462 : vector<128x1024xf32>
      %add3A_465 = arith.addf %mul3A_463, %mul3A_464 : vector<128x1024xf32>
      %gt3A_466 = arith.constant 0.000000e+00 : f32
      %gt3A_467 = vector.broadcast %gt3A_466 : f32 to vector<1x1024xf32>
      %gt3A_468 = arith.cmpf ogt, %get3A_412, %gt3A_467 : vector<1x1024xf32>
      %broadcast_in_dim3A_469 = vector.shape_cast %gt3A_468 : vector<1x1024xi1> to vector<1x1024xi1>
      %broadcast_in_dim3A_470 = vector.broadcast %broadcast_in_dim3A_469 : vector<1x1024xi1> to vector<128x1024xi1>
      %broadcast_in_dim3A_471 = vector.broadcast %while3A_71 : f32 to vector<128x1024xf32>
      %select_n3A_472 = arith.select %broadcast_in_dim3A_470, %add3A_465, %broadcast_in_dim3A_471 : vector<128x1024xi1>, vector<128x1024xf32>
      %reduce_min3A_473 = arith.constant dense<0x7F800000> : vector<128xf32>
      %reduce_min3A_474 = vector.multi_reduction <minimumf>, %select_n3A_472, %reduce_min3A_473 [1] : vector<128x1024xf32> to vector<128xf32>
      %broadcast_in_dim3A_475 = vector.shape_cast %reduce_min3A_474 : vector<128xf32> to vector<128x1xf32>
      %slice3A_476 = vector.extract_strided_slice %transpose3A_387 {offsets = [0, 3], sizes = [128, 1], strides = [1, 1]} : vector<128x8xf32> to vector<128x1xf32>
      %slice3A_477 = vector.extract_strided_slice %transpose3A_394 {offsets = [0, 3], sizes = [128, 1], strides = [1, 1]} : vector<128x8xf32> to vector<128x1xf32>
      %sub3A_478 = vector.broadcast %slice3A_476 : vector<128x1xf32> to vector<128x1024xf32>
      %sub3A_479 = vector.broadcast %get3A_400 : vector<1x1024xf32> to vector<128x1024xf32>
      %sub3A_480 = arith.subf %sub3A_478, %sub3A_479 : vector<128x1024xf32>
      %sub3A_481 = vector.broadcast %slice3A_477 : vector<128x1xf32> to vector<128x1024xf32>
      %sub3A_482 = vector.broadcast %get3A_406 : vector<1x1024xf32> to vector<128x1024xf32>
      %sub3A_483 = arith.subf %sub3A_481, %sub3A_482 : vector<128x1024xf32>
      %mul3A_484 = arith.mulf %sub3A_480, %sub3A_480 : vector<128x1024xf32>
      %mul3A_485 = arith.mulf %sub3A_483, %sub3A_483 : vector<128x1024xf32>
      %add3A_486 = arith.addf %mul3A_484, %mul3A_485 : vector<128x1024xf32>
      %gt3A_487 = arith.constant 0.000000e+00 : f32
      %gt3A_488 = vector.broadcast %gt3A_487 : f32 to vector<1x1024xf32>
      %gt3A_489 = arith.cmpf ogt, %get3A_412, %gt3A_488 : vector<1x1024xf32>
      %broadcast_in_dim3A_490 = vector.shape_cast %gt3A_489 : vector<1x1024xi1> to vector<1x1024xi1>
      %broadcast_in_dim3A_491 = vector.broadcast %broadcast_in_dim3A_490 : vector<1x1024xi1> to vector<128x1024xi1>
      %broadcast_in_dim3A_492 = vector.broadcast %while3A_71 : f32 to vector<128x1024xf32>
      %select_n3A_493 = arith.select %broadcast_in_dim3A_491, %add3A_486, %broadcast_in_dim3A_492 : vector<128x1024xi1>, vector<128x1024xf32>
      %reduce_min3A_494 = arith.constant dense<0x7F800000> : vector<128xf32>
      %reduce_min3A_495 = vector.multi_reduction <minimumf>, %select_n3A_493, %reduce_min3A_494 [1] : vector<128x1024xf32> to vector<128xf32>
      %broadcast_in_dim3A_496 = vector.shape_cast %reduce_min3A_495 : vector<128xf32> to vector<128x1xf32>
      %slice3A_497 = vector.extract_strided_slice %transpose3A_387 {offsets = [0, 4], sizes = [128, 1], strides = [1, 1]} : vector<128x8xf32> to vector<128x1xf32>
      %slice3A_498 = vector.extract_strided_slice %transpose3A_394 {offsets = [0, 4], sizes = [128, 1], strides = [1, 1]} : vector<128x8xf32> to vector<128x1xf32>
      %sub3A_499 = vector.broadcast %slice3A_497 : vector<128x1xf32> to vector<128x1024xf32>
      %sub3A_500 = vector.broadcast %get3A_400 : vector<1x1024xf32> to vector<128x1024xf32>
      %sub3A_501 = arith.subf %sub3A_499, %sub3A_500 : vector<128x1024xf32>
      %sub3A_502 = vector.broadcast %slice3A_498 : vector<128x1xf32> to vector<128x1024xf32>
      %sub3A_503 = vector.broadcast %get3A_406 : vector<1x1024xf32> to vector<128x1024xf32>
      %sub3A_504 = arith.subf %sub3A_502, %sub3A_503 : vector<128x1024xf32>
      %mul3A_505 = arith.mulf %sub3A_501, %sub3A_501 : vector<128x1024xf32>
      %mul3A_506 = arith.mulf %sub3A_504, %sub3A_504 : vector<128x1024xf32>
      %add3A_507 = arith.addf %mul3A_505, %mul3A_506 : vector<128x1024xf32>
      %gt3A_508 = arith.constant 0.000000e+00 : f32
      %gt3A_509 = vector.broadcast %gt3A_508 : f32 to vector<1x1024xf32>
      %gt3A_510 = arith.cmpf ogt, %get3A_412, %gt3A_509 : vector<1x1024xf32>
      %broadcast_in_dim3A_511 = vector.shape_cast %gt3A_510 : vector<1x1024xi1> to vector<1x1024xi1>
      %broadcast_in_dim3A_512 = vector.broadcast %broadcast_in_dim3A_511 : vector<1x1024xi1> to vector<128x1024xi1>
      %broadcast_in_dim3A_513 = vector.broadcast %while3A_71 : f32 to vector<128x1024xf32>
      %select_n3A_514 = arith.select %broadcast_in_dim3A_512, %add3A_507, %broadcast_in_dim3A_513 : vector<128x1024xi1>, vector<128x1024xf32>
      %reduce_min3A_515 = arith.constant dense<0x7F800000> : vector<128xf32>
      %reduce_min3A_516 = vector.multi_reduction <minimumf>, %select_n3A_514, %reduce_min3A_515 [1] : vector<128x1024xf32> to vector<128xf32>
      %broadcast_in_dim3A_517 = vector.shape_cast %reduce_min3A_516 : vector<128xf32> to vector<128x1xf32>
      %slice3A_518 = vector.extract_strided_slice %transpose3A_387 {offsets = [0, 5], sizes = [128, 1], strides = [1, 1]} : vector<128x8xf32> to vector<128x1xf32>
      %slice3A_519 = vector.extract_strided_slice %transpose3A_394 {offsets = [0, 5], sizes = [128, 1], strides = [1, 1]} : vector<128x8xf32> to vector<128x1xf32>
      %sub3A_520 = vector.broadcast %slice3A_518 : vector<128x1xf32> to vector<128x1024xf32>
      %sub3A_521 = vector.broadcast %get3A_400 : vector<1x1024xf32> to vector<128x1024xf32>
      %sub3A_522 = arith.subf %sub3A_520, %sub3A_521 : vector<128x1024xf32>
      %sub3A_523 = vector.broadcast %slice3A_519 : vector<128x1xf32> to vector<128x1024xf32>
      %sub3A_524 = vector.broadcast %get3A_406 : vector<1x1024xf32> to vector<128x1024xf32>
      %sub3A_525 = arith.subf %sub3A_523, %sub3A_524 : vector<128x1024xf32>
      %mul3A_526 = arith.mulf %sub3A_522, %sub3A_522 : vector<128x1024xf32>
      %mul3A_527 = arith.mulf %sub3A_525, %sub3A_525 : vector<128x1024xf32>
      %add3A_528 = arith.addf %mul3A_526, %mul3A_527 : vector<128x1024xf32>
      %gt3A_529 = arith.constant 0.000000e+00 : f32
      %gt3A_530 = vector.broadcast %gt3A_529 : f32 to vector<1x1024xf32>
      %gt3A_531 = arith.cmpf ogt, %get3A_412, %gt3A_530 : vector<1x1024xf32>
      %broadcast_in_dim3A_532 = vector.shape_cast %gt3A_531 : vector<1x1024xi1> to vector<1x1024xi1>
      %broadcast_in_dim3A_533 = vector.broadcast %broadcast_in_dim3A_532 : vector<1x1024xi1> to vector<128x1024xi1>
      %broadcast_in_dim3A_534 = vector.broadcast %while3A_71 : f32 to vector<128x1024xf32>
      %select_n3A_535 = arith.select %broadcast_in_dim3A_533, %add3A_528, %broadcast_in_dim3A_534 : vector<128x1024xi1>, vector<128x1024xf32>
      %reduce_min3A_536 = arith.constant dense<0x7F800000> : vector<128xf32>
      %reduce_min3A_537 = vector.multi_reduction <minimumf>, %select_n3A_535, %reduce_min3A_536 [1] : vector<128x1024xf32> to vector<128xf32>
      %broadcast_in_dim3A_538 = vector.shape_cast %reduce_min3A_537 : vector<128xf32> to vector<128x1xf32>
      %slice3A_539 = vector.extract_strided_slice %transpose3A_387 {offsets = [0, 6], sizes = [128, 1], strides = [1, 1]} : vector<128x8xf32> to vector<128x1xf32>
      %slice3A_540 = vector.extract_strided_slice %transpose3A_394 {offsets = [0, 6], sizes = [128, 1], strides = [1, 1]} : vector<128x8xf32> to vector<128x1xf32>
      %sub3A_541 = vector.broadcast %slice3A_539 : vector<128x1xf32> to vector<128x1024xf32>
      %sub3A_542 = vector.broadcast %get3A_400 : vector<1x1024xf32> to vector<128x1024xf32>
      %sub3A_543 = arith.subf %sub3A_541, %sub3A_542 : vector<128x1024xf32>
      %sub3A_544 = vector.broadcast %slice3A_540 : vector<128x1xf32> to vector<128x1024xf32>
      %sub3A_545 = vector.broadcast %get3A_406 : vector<1x1024xf32> to vector<128x1024xf32>
      %sub3A_546 = arith.subf %sub3A_544, %sub3A_545 : vector<128x1024xf32>
      %mul3A_547 = arith.mulf %sub3A_543, %sub3A_543 : vector<128x1024xf32>
      %mul3A_548 = arith.mulf %sub3A_546, %sub3A_546 : vector<128x1024xf32>
      %add3A_549 = arith.addf %mul3A_547, %mul3A_548 : vector<128x1024xf32>
      %gt3A_550 = arith.constant 0.000000e+00 : f32
      %gt3A_551 = vector.broadcast %gt3A_550 : f32 to vector<1x1024xf32>
      %gt3A_552 = arith.cmpf ogt, %get3A_412, %gt3A_551 : vector<1x1024xf32>
      %broadcast_in_dim3A_553 = vector.shape_cast %gt3A_552 : vector<1x1024xi1> to vector<1x1024xi1>
      %broadcast_in_dim3A_554 = vector.broadcast %broadcast_in_dim3A_553 : vector<1x1024xi1> to vector<128x1024xi1>
      %broadcast_in_dim3A_555 = vector.broadcast %while3A_71 : f32 to vector<128x1024xf32>
      %select_n3A_556 = arith.select %broadcast_in_dim3A_554, %add3A_549, %broadcast_in_dim3A_555 : vector<128x1024xi1>, vector<128x1024xf32>
      %reduce_min3A_557 = arith.constant dense<0x7F800000> : vector<128xf32>
      %reduce_min3A_558 = vector.multi_reduction <minimumf>, %select_n3A_556, %reduce_min3A_557 [1] : vector<128x1024xf32> to vector<128xf32>
      %broadcast_in_dim3A_559 = vector.shape_cast %reduce_min3A_558 : vector<128xf32> to vector<128x1xf32>
      %slice3A_560 = vector.extract_strided_slice %transpose3A_387 {offsets = [0, 7], sizes = [128, 1], strides = [1, 1]} : vector<128x8xf32> to vector<128x1xf32>
      %slice3A_561 = vector.extract_strided_slice %transpose3A_394 {offsets = [0, 7], sizes = [128, 1], strides = [1, 1]} : vector<128x8xf32> to vector<128x1xf32>
      %sub3A_562 = vector.broadcast %slice3A_560 : vector<128x1xf32> to vector<128x1024xf32>
      %sub3A_563 = vector.broadcast %get3A_400 : vector<1x1024xf32> to vector<128x1024xf32>
      %sub3A_564 = arith.subf %sub3A_562, %sub3A_563 : vector<128x1024xf32>
      %sub3A_565 = vector.broadcast %slice3A_561 : vector<128x1xf32> to vector<128x1024xf32>
      %sub3A_566 = vector.broadcast %get3A_406 : vector<1x1024xf32> to vector<128x1024xf32>
      %sub3A_567 = arith.subf %sub3A_565, %sub3A_566 : vector<128x1024xf32>
      %mul3A_568 = arith.mulf %sub3A_564, %sub3A_564 : vector<128x1024xf32>
      %mul3A_569 = arith.mulf %sub3A_567, %sub3A_567 : vector<128x1024xf32>
      %add3A_570 = arith.addf %mul3A_568, %mul3A_569 : vector<128x1024xf32>
      %gt3A_571 = arith.constant 0.000000e+00 : f32
      %gt3A_572 = vector.broadcast %gt3A_571 : f32 to vector<1x1024xf32>
      %gt3A_573 = arith.cmpf ogt, %get3A_412, %gt3A_572 : vector<1x1024xf32>
      %broadcast_in_dim3A_574 = vector.shape_cast %gt3A_573 : vector<1x1024xi1> to vector<1x1024xi1>
      %broadcast_in_dim3A_575 = vector.broadcast %broadcast_in_dim3A_574 : vector<1x1024xi1> to vector<128x1024xi1>
      %broadcast_in_dim3A_576 = vector.broadcast %while3A_71 : f32 to vector<128x1024xf32>
      %select_n3A_577 = arith.select %broadcast_in_dim3A_575, %add3A_570, %broadcast_in_dim3A_576 : vector<128x1024xi1>, vector<128x1024xf32>
      %reduce_min3A_578 = arith.constant dense<0x7F800000> : vector<128xf32>
      %reduce_min3A_579 = vector.multi_reduction <minimumf>, %select_n3A_577, %reduce_min3A_578 [1] : vector<128x1024xf32> to vector<128xf32>
      %broadcast_in_dim3A_580 = vector.shape_cast %reduce_min3A_579 : vector<128xf32> to vector<128x1xf32>
      %concatenate3A_581 = tpu.concatenate %broadcast_in_dim3A_433, %broadcast_in_dim3A_454, %broadcast_in_dim3A_475, %broadcast_in_dim3A_496, %broadcast_in_dim3A_517, %broadcast_in_dim3A_538, %broadcast_in_dim3A_559, %broadcast_in_dim3A_580 in 1 : vector<128x1xf32>, vector<128x1xf32>, vector<128x1xf32>, vector<128x1xf32>, vector<128x1xf32>, vector<128x1xf32>, vector<128x1xf32>, vector<128x1xf32> -> vector<128x8xf32>
      %transpose3A_582 = tpu.transpose %concatenate3A_581, [1, 0] : vector<128x8xf32> -> vector<8x128xf32>
      %swap3A_583 = arith.index_cast %while3A_152 : i32 to index
      %swap3A_584 = arith.constant 0 : index
      %swap3A_585 = arith.constant 0 : index
      %swap3A_586 = vector.load %arg15[%swap3A_583, %swap3A_584, %swap3A_585] : memref<2601x8x128xf32, #tpu.memory_space<vmem>>, vector<1x8x128xf32>
      %swap3A_587 = vector.shape_cast %swap3A_586 : vector<1x8x128xf32> to vector<8x128xf32>
      %swap3A_588 = vector.shape_cast %transpose3A_582 : vector<8x128xf32> to vector<1x8x128xf32>
      tpu.vector_store %arg15[%swap3A_583, %swap3A_584, %swap3A_585], %swap3A_588 {strides = array<i32>} : memref<2601x8x128xf32, #tpu.memory_space<vmem>>, vector<1x8x128xf32>,
    }
    %while3A_80 = arith.constant 1 : i32
    scf.for %while3A_152 = %while3A_78 to %while3A_74 step %while3A_80  : i32 {
      %div3A_153 = arith.divsi %while3A_152, %select_n3A_70 : i32
      %sign3A_154 = arith.constant 0 : i32
      %sign3A_155 = arith.cmpi sgt, %while3A_152, %sign3A_154 : i32
      %sign3A_156 = arith.extui %sign3A_155 : i1 to i32
      %sign3A_157 = arith.constant 0 : i32
      %sign3A_158 = arith.cmpi slt, %while3A_152, %sign3A_157 : i32
      %sign3A_159 = arith.extui %sign3A_158 : i1 to i32
      %sign3A_160 = arith.subi %sign3A_156, %sign3A_159 : i32
      %sign3A_161 = arith.constant 0 : i32
      %sign3A_162 = arith.cmpi sgt, %select_n3A_70, %sign3A_161 : i32
      %sign3A_163 = arith.extui %sign3A_162 : i1 to i32
      %sign3A_164 = arith.constant 0 : i32
      %sign3A_165 = arith.cmpi slt, %select_n3A_70, %sign3A_164 : i32
      %sign3A_166 = arith.extui %sign3A_165 : i1 to i32
      %sign3A_167 = arith.subi %sign3A_163, %sign3A_166 : i32
      %ne3A_168 = arith.cmpi ne, %sign3A_160, %sign3A_167 : i32
      %rem3A_169 = arith.remsi %while3A_152, %select_n3A_70 : i32
      %ne3A_170 = arith.constant 0 : i32
      %ne3A_171 = arith.cmpi ne, %rem3A_169, %ne3A_170 : i32
      %and3A_172 = arith.andi %ne3A_168, %ne3A_171 : i1
      %sub3A_173 = arith.constant 1 : i32
      %sub3A_174 = arith.subi %div3A_153, %sub3A_173 : i32
      %select_n3A_175 = arith.select %and3A_172, %sub3A_174, %div3A_153 : i32
      %mul3A_176 = arith.muli %select_n3A_175, %select_n3A_70 : i32
      %sub3A_177 = arith.subi %while3A_152, %mul3A_176 : i32
      %get3A_178 = arith.constant 0 : index
      %get3A_179 = arith.index_cast %select_n3A_175 : i32 to index
      %get3A_180 = arith.constant 0 : index
      %get3A_181 = arith.constant 0 : index
      %get3A_182 = vector.load %arg1[%get3A_178, %get3A_179, %get3A_180, %get3A_181] : memref<1x51x8x128xf32, #tpu.memory_space<vmem>>, vector<1x1x8x128xf32>
      %get3A_183 = vector.shape_cast %get3A_182 : vector<1x1x8x128xf32> to vector<8x128xf32>
      %transpose3A = tpu.transpose %get3A_183, [1, 0] : vector<8x128xf32> -> vector<128x8xf32>
      %get3A_184 = arith.constant 0 : index
      %get3A_185 = arith.index_cast %select_n3A_175 : i32 to index
      %get3A_186 = arith.constant 0 : index
      %get3A_187 = arith.constant 0 : index
      %get3A_188 = vector.load %arg2[%get3A_184, %get3A_185, %get3A_186, %get3A_187] : memref<1x51x8x128xf32, #tpu.memory_space<vmem>>, vector<1x1x8x128xf32>
      %get3A_189 = vector.shape_cast %get3A_188 : vector<1x1x8x128xf32> to vector<8x128xf32>
      %transpose3A_190 = tpu.transpose %get3A_189, [1, 0] : vector<8x128xf32> -> vector<128x8xf32>
      %get3A_191 = arith.constant 0 : index
      %get3A_192 = arith.index_cast %sub3A_177 : i32 to index
      %get3A_193 = arith.constant 0 : index
      %get3A_194 = arith.constant 0 : index
      %get3A_195 = vector.load %arg10[%get3A_191, %get3A_192, %get3A_193, %get3A_194] : memref<1x51x1x1024xf32, #tpu.memory_space<vmem>>, vector<1x1x1x1024xf32>
      %get3A_196 = vector.shape_cast %get3A_195 : vector<1x1x1x1024xf32> to vector<1x1024xf32>
      %get3A_197 = arith.constant 0 : index
      %get3A_198 = arith.index_cast %sub3A_177 : i32 to index
      %get3A_199 = arith.constant 0 : index
      %get3A_200 = arith.constant 0 : index
      %get3A_201 = vector.load %arg11[%get3A_197, %get3A_198, %get3A_199, %get3A_200] : memref<1x51x1x1024xf32, #tpu.memory_space<vmem>>, vector<1x1x1x1024xf32>
      %get3A_202 = vector.shape_cast %get3A_201 : vector<1x1x1x1024xf32> to vector<1x1024xf32>
      %get3A_203 = arith.constant 0 : index
      %get3A_204 = arith.index_cast %sub3A_177 : i32 to index
      %get3A_205 = arith.constant 0 : index
      %get3A_206 = arith.constant 0 : index
      %get3A_207 = vector.load %arg12[%get3A_203, %get3A_204, %get3A_205, %get3A_206] : memref<1x51x1x1024xf32, #tpu.memory_space<vmem>>, vector<1x1x1x1024xf32>
      %get3A_208 = vector.shape_cast %get3A_207 : vector<1x1x1x1024xf32> to vector<1x1024xf32>
      %slice3A = vector.extract_strided_slice %transpose3A {offsets = [0, 0], sizes = [128, 1], strides = [1, 1]} : vector<128x8xf32> to vector<128x1xf32>
      %slice3A_209 = vector.extract_strided_slice %transpose3A_190 {offsets = [0, 0], sizes = [128, 1], strides = [1, 1]} : vector<128x8xf32> to vector<128x1xf32>
      %sub3A_210 = vector.broadcast %slice3A : vector<128x1xf32> to vector<128x1024xf32>
      %sub3A_211 = vector.broadcast %get3A_196 : vector<1x1024xf32> to vector<128x1024xf32>
      %sub3A_212 = arith.subf %sub3A_210, %sub3A_211 : vector<128x1024xf32>
      %sub3A_213 = vector.broadcast %slice3A_209 : vector<128x1xf32> to vector<128x1024xf32>
      %sub3A_214 = vector.broadcast %get3A_202 : vector<1x1024xf32> to vector<128x1024xf32>
      %sub3A_215 = arith.subf %sub3A_213, %sub3A_214 : vector<128x1024xf32>
      %mul3A_216 = arith.mulf %sub3A_212, %sub3A_212 : vector<128x1024xf32>
      %mul3A_217 = arith.mulf %sub3A_215, %sub3A_215 : vector<128x1024xf32>
      %add3A_218 = arith.addf %mul3A_216, %mul3A_217 : vector<128x1024xf32>
      %gt3A_219 = arith.constant 0.000000e+00 : f32
      %gt3A_220 = vector.broadcast %gt3A_219 : f32 to vector<1x1024xf32>
      %gt3A_221 = arith.cmpf ogt, %get3A_208, %gt3A_220 : vector<1x1024xf32>
      %broadcast_in_dim3A = vector.shape_cast %gt3A_221 : vector<1x1024xi1> to vector<1x1024xi1>
      %broadcast_in_dim3A_222 = vector.broadcast %broadcast_in_dim3A : vector<1x1024xi1> to vector<128x1024xi1>
      %broadcast_in_dim3A_223 = vector.broadcast %while3A_71 : f32 to vector<128x1024xf32>
      %select_n3A_224 = arith.select %broadcast_in_dim3A_222, %add3A_218, %broadcast_in_dim3A_223 : vector<128x1024xi1>, vector<128x1024xf32>
      %reduce_min3A = arith.constant dense<0x7F800000> : vector<128xf32>
      %reduce_min3A_225 = vector.multi_reduction <minimumf>, %select_n3A_224, %reduce_min3A [1] : vector<128x1024xf32> to vector<128xf32>
      %broadcast_in_dim3A_226 = vector.shape_cast %reduce_min3A_225 : vector<128xf32> to vector<128x1xf32>
      %slice3A_227 = vector.extract_strided_slice %transpose3A {offsets = [0, 1], sizes = [128, 1], strides = [1, 1]} : vector<128x8xf32> to vector<128x1xf32>
      %slice3A_228 = vector.extract_strided_slice %transpose3A_190 {offsets = [0, 1], sizes = [128, 1], strides = [1, 1]} : vector<128x8xf32> to vector<128x1xf32>
      %sub3A_229 = vector.broadcast %slice3A_227 : vector<128x1xf32> to vector<128x1024xf32>
      %sub3A_230 = vector.broadcast %get3A_196 : vector<1x1024xf32> to vector<128x1024xf32>
      %sub3A_231 = arith.subf %sub3A_229, %sub3A_230 : vector<128x1024xf32>
      %sub3A_232 = vector.broadcast %slice3A_228 : vector<128x1xf32> to vector<128x1024xf32>
      %sub3A_233 = vector.broadcast %get3A_202 : vector<1x1024xf32> to vector<128x1024xf32>
      %sub3A_234 = arith.subf %sub3A_232, %sub3A_233 : vector<128x1024xf32>
      %mul3A_235 = arith.mulf %sub3A_231, %sub3A_231 : vector<128x1024xf32>
      %mul3A_236 = arith.mulf %sub3A_234, %sub3A_234 : vector<128x1024xf32>
      %add3A_237 = arith.addf %mul3A_235, %mul3A_236 : vector<128x1024xf32>
      %gt3A_238 = arith.constant 0.000000e+00 : f32
      %gt3A_239 = vector.broadcast %gt3A_238 : f32 to vector<1x1024xf32>
      %gt3A_240 = arith.cmpf ogt, %get3A_208, %gt3A_239 : vector<1x1024xf32>
      %broadcast_in_dim3A_241 = vector.shape_cast %gt3A_240 : vector<1x1024xi1> to vector<1x1024xi1>
      %broadcast_in_dim3A_242 = vector.broadcast %broadcast_in_dim3A_241 : vector<1x1024xi1> to vector<128x1024xi1>
      %broadcast_in_dim3A_243 = vector.broadcast %while3A_71 : f32 to vector<128x1024xf32>
      %select_n3A_244 = arith.select %broadcast_in_dim3A_242, %add3A_237, %broadcast_in_dim3A_243 : vector<128x1024xi1>, vector<128x1024xf32>
      %reduce_min3A_245 = arith.constant dense<0x7F800000> : vector<128xf32>
      %reduce_min3A_246 = vector.multi_reduction <minimumf>, %select_n3A_244, %reduce_min3A_245 [1] : vector<128x1024xf32> to vector<128xf32>
      %broadcast_in_dim3A_247 = vector.shape_cast %reduce_min3A_246 : vector<128xf32> to vector<128x1xf32>
      %slice3A_248 = vector.extract_strided_slice %transpose3A {offsets = [0, 2], sizes = [128, 1], strides = [1, 1]} : vector<128x8xf32> to vector<128x1xf32>
      %slice3A_249 = vector.extract_strided_slice %transpose3A_190 {offsets = [0, 2], sizes = [128, 1], strides = [1, 1]} : vector<128x8xf32> to vector<128x1xf32>
      %sub3A_250 = vector.broadcast %slice3A_248 : vector<128x1xf32> to vector<128x1024xf32>
      %sub3A_251 = vector.broadcast %get3A_196 : vector<1x1024xf32> to vector<128x1024xf32>
      %sub3A_252 = arith.subf %sub3A_250, %sub3A_251 : vector<128x1024xf32>
      %sub3A_253 = vector.broadcast %slice3A_249 : vector<128x1xf32> to vector<128x1024xf32>
      %sub3A_254 = vector.broadcast %get3A_202 : vector<1x1024xf32> to vector<128x1024xf32>
      %sub3A_255 = arith.subf %sub3A_253, %sub3A_254 : vector<128x1024xf32>
      %mul3A_256 = arith.mulf %sub3A_252, %sub3A_252 : vector<128x1024xf32>
      %mul3A_257 = arith.mulf %sub3A_255, %sub3A_255 : vector<128x1024xf32>
      %add3A_258 = arith.addf %mul3A_256, %mul3A_257 : vector<128x1024xf32>
      %gt3A_259 = arith.constant 0.000000e+00 : f32
      %gt3A_260 = vector.broadcast %gt3A_259 : f32 to vector<1x1024xf32>
      %gt3A_261 = arith.cmpf ogt, %get3A_208, %gt3A_260 : vector<1x1024xf32>
      %broadcast_in_dim3A_262 = vector.shape_cast %gt3A_261 : vector<1x1024xi1> to vector<1x1024xi1>
      %broadcast_in_dim3A_263 = vector.broadcast %broadcast_in_dim3A_262 : vector<1x1024xi1> to vector<128x1024xi1>
      %broadcast_in_dim3A_264 = vector.broadcast %while3A_71 : f32 to vector<128x1024xf32>
      %select_n3A_265 = arith.select %broadcast_in_dim3A_263, %add3A_258, %broadcast_in_dim3A_264 : vector<128x1024xi1>, vector<128x1024xf32>
      %reduce_min3A_266 = arith.constant dense<0x7F800000> : vector<128xf32>
      %reduce_min3A_267 = vector.multi_reduction <minimumf>, %select_n3A_265, %reduce_min3A_266 [1] : vector<128x1024xf32> to vector<128xf32>
      %broadcast_in_dim3A_268 = vector.shape_cast %reduce_min3A_267 : vector<128xf32> to vector<128x1xf32>
      %slice3A_269 = vector.extract_strided_slice %transpose3A {offsets = [0, 3], sizes = [128, 1], strides = [1, 1]} : vector<128x8xf32> to vector<128x1xf32>
      %slice3A_270 = vector.extract_strided_slice %transpose3A_190 {offsets = [0, 3], sizes = [128, 1], strides = [1, 1]} : vector<128x8xf32> to vector<128x1xf32>
      %sub3A_271 = vector.broadcast %slice3A_269 : vector<128x1xf32> to vector<128x1024xf32>
      %sub3A_272 = vector.broadcast %get3A_196 : vector<1x1024xf32> to vector<128x1024xf32>
      %sub3A_273 = arith.subf %sub3A_271, %sub3A_272 : vector<128x1024xf32>
      %sub3A_274 = vector.broadcast %slice3A_270 : vector<128x1xf32> to vector<128x1024xf32>
      %sub3A_275 = vector.broadcast %get3A_202 : vector<1x1024xf32> to vector<128x1024xf32>
      %sub3A_276 = arith.subf %sub3A_274, %sub3A_275 : vector<128x1024xf32>
      %mul3A_277 = arith.mulf %sub3A_273, %sub3A_273 : vector<128x1024xf32>
      %mul3A_278 = arith.mulf %sub3A_276, %sub3A_276 : vector<128x1024xf32>
      %add3A_279 = arith.addf %mul3A_277, %mul3A_278 : vector<128x1024xf32>
      %gt3A_280 = arith.constant 0.000000e+00 : f32
      %gt3A_281 = vector.broadcast %gt3A_280 : f32 to vector<1x1024xf32>
      %gt3A_282 = arith.cmpf ogt, %get3A_208, %gt3A_281 : vector<1x1024xf32>
      %broadcast_in_dim3A_283 = vector.shape_cast %gt3A_282 : vector<1x1024xi1> to vector<1x1024xi1>
      %broadcast_in_dim3A_284 = vector.broadcast %broadcast_in_dim3A_283 : vector<1x1024xi1> to vector<128x1024xi1>
      %broadcast_in_dim3A_285 = vector.broadcast %while3A_71 : f32 to vector<128x1024xf32>
      %select_n3A_286 = arith.select %broadcast_in_dim3A_284, %add3A_279, %broadcast_in_dim3A_285 : vector<128x1024xi1>, vector<128x1024xf32>
      %reduce_min3A_287 = arith.constant dense<0x7F800000> : vector<128xf32>
      %reduce_min3A_288 = vector.multi_reduction <minimumf>, %select_n3A_286, %reduce_min3A_287 [1] : vector<128x1024xf32> to vector<128xf32>
      %broadcast_in_dim3A_289 = vector.shape_cast %reduce_min3A_288 : vector<128xf32> to vector<128x1xf32>
      %slice3A_290 = vector.extract_strided_slice %transpose3A {offsets = [0, 4], sizes = [128, 1], strides = [1, 1]} : vector<128x8xf32> to vector<128x1xf32>
      %slice3A_291 = vector.extract_strided_slice %transpose3A_190 {offsets = [0, 4], sizes = [128, 1], strides = [1, 1]} : vector<128x8xf32> to vector<128x1xf32>
      %sub3A_292 = vector.broadcast %slice3A_290 : vector<128x1xf32> to vector<128x1024xf32>
      %sub3A_293 = vector.broadcast %get3A_196 : vector<1x1024xf32> to vector<128x1024xf32>
      %sub3A_294 = arith.subf %sub3A_292, %sub3A_293 : vector<128x1024xf32>
      %sub3A_295 = vector.broadcast %slice3A_291 : vector<128x1xf32> to vector<128x1024xf32>
      %sub3A_296 = vector.broadcast %get3A_202 : vector<1x1024xf32> to vector<128x1024xf32>
      %sub3A_297 = arith.subf %sub3A_295, %sub3A_296 : vector<128x1024xf32>
      %mul3A_298 = arith.mulf %sub3A_294, %sub3A_294 : vector<128x1024xf32>
      %mul3A_299 = arith.mulf %sub3A_297, %sub3A_297 : vector<128x1024xf32>
      %add3A_300 = arith.addf %mul3A_298, %mul3A_299 : vector<128x1024xf32>
      %gt3A_301 = arith.constant 0.000000e+00 : f32
      %gt3A_302 = vector.broadcast %gt3A_301 : f32 to vector<1x1024xf32>
      %gt3A_303 = arith.cmpf ogt, %get3A_208, %gt3A_302 : vector<1x1024xf32>
      %broadcast_in_dim3A_304 = vector.shape_cast %gt3A_303 : vector<1x1024xi1> to vector<1x1024xi1>
      %broadcast_in_dim3A_305 = vector.broadcast %broadcast_in_dim3A_304 : vector<1x1024xi1> to vector<128x1024xi1>
      %broadcast_in_dim3A_306 = vector.broadcast %while3A_71 : f32 to vector<128x1024xf32>
      %select_n3A_307 = arith.select %broadcast_in_dim3A_305, %add3A_300, %broadcast_in_dim3A_306 : vector<128x1024xi1>, vector<128x1024xf32>
      %reduce_min3A_308 = arith.constant dense<0x7F800000> : vector<128xf32>
      %reduce_min3A_309 = vector.multi_reduction <minimumf>, %select_n3A_307, %reduce_min3A_308 [1] : vector<128x1024xf32> to vector<128xf32>
      %broadcast_in_dim3A_310 = vector.shape_cast %reduce_min3A_309 : vector<128xf32> to vector<128x1xf32>
      %slice3A_311 = vector.extract_strided_slice %transpose3A {offsets = [0, 5], sizes = [128, 1], strides = [1, 1]} : vector<128x8xf32> to vector<128x1xf32>
      %slice3A_312 = vector.extract_strided_slice %transpose3A_190 {offsets = [0, 5], sizes = [128, 1], strides = [1, 1]} : vector<128x8xf32> to vector<128x1xf32>
      %sub3A_313 = vector.broadcast %slice3A_311 : vector<128x1xf32> to vector<128x1024xf32>
      %sub3A_314 = vector.broadcast %get3A_196 : vector<1x1024xf32> to vector<128x1024xf32>
      %sub3A_315 = arith.subf %sub3A_313, %sub3A_314 : vector<128x1024xf32>
      %sub3A_316 = vector.broadcast %slice3A_312 : vector<128x1xf32> to vector<128x1024xf32>
      %sub3A_317 = vector.broadcast %get3A_202 : vector<1x1024xf32> to vector<128x1024xf32>
      %sub3A_318 = arith.subf %sub3A_316, %sub3A_317 : vector<128x1024xf32>
      %mul3A_319 = arith.mulf %sub3A_315, %sub3A_315 : vector<128x1024xf32>
      %mul3A_320 = arith.mulf %sub3A_318, %sub3A_318 : vector<128x1024xf32>
      %add3A_321 = arith.addf %mul3A_319, %mul3A_320 : vector<128x1024xf32>
      %gt3A_322 = arith.constant 0.000000e+00 : f32
      %gt3A_323 = vector.broadcast %gt3A_322 : f32 to vector<1x1024xf32>
      %gt3A_324 = arith.cmpf ogt, %get3A_208, %gt3A_323 : vector<1x1024xf32>
      %broadcast_in_dim3A_325 = vector.shape_cast %gt3A_324 : vector<1x1024xi1> to vector<1x1024xi1>
      %broadcast_in_dim3A_326 = vector.broadcast %broadcast_in_dim3A_325 : vector<1x1024xi1> to vector<128x1024xi1>
      %broadcast_in_dim3A_327 = vector.broadcast %while3A_71 : f32 to vector<128x1024xf32>
      %select_n3A_328 = arith.select %broadcast_in_dim3A_326, %add3A_321, %broadcast_in_dim3A_327 : vector<128x1024xi1>, vector<128x1024xf32>
      %reduce_min3A_329 = arith.constant dense<0x7F800000> : vector<128xf32>
      %reduce_min3A_330 = vector.multi_reduction <minimumf>, %select_n3A_328, %reduce_min3A_329 [1] : vector<128x1024xf32> to vector<128xf32>
      %broadcast_in_dim3A_331 = vector.shape_cast %reduce_min3A_330 : vector<128xf32> to vector<128x1xf32>
      %slice3A_332 = vector.extract_strided_slice %transpose3A {offsets = [0, 6], sizes = [128, 1], strides = [1, 1]} : vector<128x8xf32> to vector<128x1xf32>
      %slice3A_333 = vector.extract_strided_slice %transpose3A_190 {offsets = [0, 6], sizes = [128, 1], strides = [1, 1]} : vector<128x8xf32> to vector<128x1xf32>
      %sub3A_334 = vector.broadcast %slice3A_332 : vector<128x1xf32> to vector<128x1024xf32>
      %sub3A_335 = vector.broadcast %get3A_196 : vector<1x1024xf32> to vector<128x1024xf32>
      %sub3A_336 = arith.subf %sub3A_334, %sub3A_335 : vector<128x1024xf32>
      %sub3A_337 = vector.broadcast %slice3A_333 : vector<128x1xf32> to vector<128x1024xf32>
      %sub3A_338 = vector.broadcast %get3A_202 : vector<1x1024xf32> to vector<128x1024xf32>
      %sub3A_339 = arith.subf %sub3A_337, %sub3A_338 : vector<128x1024xf32>
      %mul3A_340 = arith.mulf %sub3A_336, %sub3A_336 : vector<128x1024xf32>
      %mul3A_341 = arith.mulf %sub3A_339, %sub3A_339 : vector<128x1024xf32>
      %add3A_342 = arith.addf %mul3A_340, %mul3A_341 : vector<128x1024xf32>
      %gt3A_343 = arith.constant 0.000000e+00 : f32
      %gt3A_344 = vector.broadcast %gt3A_343 : f32 to vector<1x1024xf32>
      %gt3A_345 = arith.cmpf ogt, %get3A_208, %gt3A_344 : vector<1x1024xf32>
      %broadcast_in_dim3A_346 = vector.shape_cast %gt3A_345 : vector<1x1024xi1> to vector<1x1024xi1>
      %broadcast_in_dim3A_347 = vector.broadcast %broadcast_in_dim3A_346 : vector<1x1024xi1> to vector<128x1024xi1>
      %broadcast_in_dim3A_348 = vector.broadcast %while3A_71 : f32 to vector<128x1024xf32>
      %select_n3A_349 = arith.select %broadcast_in_dim3A_347, %add3A_342, %broadcast_in_dim3A_348 : vector<128x1024xi1>, vector<128x1024xf32>
      %reduce_min3A_350 = arith.constant dense<0x7F800000> : vector<128xf32>
      %reduce_min3A_351 = vector.multi_reduction <minimumf>, %select_n3A_349, %reduce_min3A_350 [1] : vector<128x1024xf32> to vector<128xf32>
      %broadcast_in_dim3A_352 = vector.shape_cast %reduce_min3A_351 : vector<128xf32> to vector<128x1xf32>
      %slice3A_353 = vector.extract_strided_slice %transpose3A {offsets = [0, 7], sizes = [128, 1], strides = [1, 1]} : vector<128x8xf32> to vector<128x1xf32>
      %slice3A_354 = vector.extract_strided_slice %transpose3A_190 {offsets = [0, 7], sizes = [128, 1], strides = [1, 1]} : vector<128x8xf32> to vector<128x1xf32>
      %sub3A_355 = vector.broadcast %slice3A_353 : vector<128x1xf32> to vector<128x1024xf32>
      %sub3A_356 = vector.broadcast %get3A_196 : vector<1x1024xf32> to vector<128x1024xf32>
      %sub3A_357 = arith.subf %sub3A_355, %sub3A_356 : vector<128x1024xf32>
      %sub3A_358 = vector.broadcast %slice3A_354 : vector<128x1xf32> to vector<128x1024xf32>
      %sub3A_359 = vector.broadcast %get3A_202 : vector<1x1024xf32> to vector<128x1024xf32>
      %sub3A_360 = arith.subf %sub3A_358, %sub3A_359 : vector<128x1024xf32>
      %mul3A_361 = arith.mulf %sub3A_357, %sub3A_357 : vector<128x1024xf32>
      %mul3A_362 = arith.mulf %sub3A_360, %sub3A_360 : vector<128x1024xf32>
      %add3A_363 = arith.addf %mul3A_361, %mul3A_362 : vector<128x1024xf32>
      %gt3A_364 = arith.constant 0.000000e+00 : f32
      %gt3A_365 = vector.broadcast %gt3A_364 : f32 to vector<1x1024xf32>
      %gt3A_366 = arith.cmpf ogt, %get3A_208, %gt3A_365 : vector<1x1024xf32>
      %broadcast_in_dim3A_367 = vector.shape_cast %gt3A_366 : vector<1x1024xi1> to vector<1x1024xi1>
      %broadcast_in_dim3A_368 = vector.broadcast %broadcast_in_dim3A_367 : vector<1x1024xi1> to vector<128x1024xi1>
      %broadcast_in_dim3A_369 = vector.broadcast %while3A_71 : f32 to vector<128x1024xf32>
      %select_n3A_370 = arith.select %broadcast_in_dim3A_368, %add3A_363, %broadcast_in_dim3A_369 : vector<128x1024xi1>, vector<128x1024xf32>
      %reduce_min3A_371 = arith.constant dense<0x7F800000> : vector<128xf32>
      %reduce_min3A_372 = vector.multi_reduction <minimumf>, %select_n3A_370, %reduce_min3A_371 [1] : vector<128x1024xf32> to vector<128xf32>
      %broadcast_in_dim3A_373 = vector.shape_cast %reduce_min3A_372 : vector<128xf32> to vector<128x1xf32>
      %concatenate3A = tpu.concatenate %broadcast_in_dim3A_226, %broadcast_in_dim3A_247, %broadcast_in_dim3A_268, %broadcast_in_dim3A_289, %broadcast_in_dim3A_310, %broadcast_in_dim3A_331, %broadcast_in_dim3A_352, %broadcast_in_dim3A_373 in 1 : vector<128x1xf32>, vector<128x1xf32>, vector<128x1xf32>, vector<128x1xf32>, vector<128x1xf32>, vector<128x1xf32>, vector<128x1xf32>, vector<128x1xf32> -> vector<128x8xf32>
      %transpose3A_374 = tpu.transpose %concatenate3A, [1, 0] : vector<128x8xf32> -> vector<8x128xf32>
      %swap3A_375 = arith.index_cast %while3A_152 : i32 to index
      %swap3A_376 = arith.constant 0 : index
      %swap3A_377 = arith.constant 0 : index
      %swap3A_378 = vector.load %arg14[%swap3A_375, %swap3A_376, %swap3A_377] : memref<2601x8x128xf32, #tpu.memory_space<vmem>>, vector<1x8x128xf32>
      %swap3A_379 = vector.shape_cast %swap3A_378 : vector<1x8x128xf32> to vector<8x128xf32>
      %swap3A_380 = vector.shape_cast %transpose3A_374 : vector<8x128xf32> to vector<1x8x128xf32>
      tpu.vector_store %arg14[%swap3A_375, %swap3A_376, %swap3A_377], %swap3A_380 {strides = array<i32>} : memref<2601x8x128xf32, #tpu.memory_space<vmem>>, vector<1x8x128xf32>,
      %get3A_381 = arith.constant 0 : index
      %get3A_382 = arith.index_cast %sub3A_177 : i32 to index
      %get3A_383 = arith.constant 0 : index
      %get3A_384 = arith.constant 0 : index
      %get3A_385 = vector.load %arg4[%get3A_381, %get3A_382, %get3A_383, %get3A_384] : memref<1x51x8x128xf32, #tpu.memory_space<vmem>>, vector<1x1x8x128xf32>
      %get3A_386 = vector.shape_cast %get3A_385 : vector<1x1x8x128xf32> to vector<8x128xf32>
      %transpose3A_387 = tpu.transpose %get3A_386, [1, 0] : vector<8x128xf32> -> vector<128x8xf32>
      %get3A_388 = arith.constant 0 : index
      %get3A_389 = arith.index_cast %sub3A_177 : i32 to index
      %get3A_390 = arith.constant 0 : index
      %get3A_391 = arith.constant 0 : index
      %get3A_392 = vector.load %arg5[%get3A_388, %get3A_389, %get3A_390, %get3A_391] : memref<1x51x8x128xf32, #tpu.memory_space<vmem>>, vector<1x1x8x128xf32>
      %get3A_393 = vector.shape_cast %get3A_392 : vector<1x1x8x128xf32> to vector<8x128xf32>
      %transpose3A_394 = tpu.transpose %get3A_393, [1, 0] : vector<8x128xf32> -> vector<128x8xf32>
      %get3A_395 = arith.constant 0 : index
      %get3A_396 = arith.index_cast %select_n3A_175 : i32 to index
      %get3A_397 = arith.constant 0 : index
      %get3A_398 = arith.constant 0 : index
      %get3A_399 = vector.load %arg7[%get3A_395, %get3A_396, %get3A_397, %get3A_398] : memref<1x51x1x1024xf32, #tpu.memory_space<vmem>>, vector<1x1x1x1024xf32>
      %get3A_400 = vector.shape_cast %get3A_399 : vector<1x1x1x1024xf32> to vector<1x1024xf32>
      %get3A_401 = arith.constant 0 : index
      %get3A_402 = arith.index_cast %select_n3A_175 : i32 to index
      %get3A_403 = arith.constant 0 : index
      %get3A_404 = arith.constant 0 : index
      %get3A_405 = vector.load %arg8[%get3A_401, %get3A_402, %get3A_403, %get3A_404] : memref<1x51x1x1024xf32, #tpu.memory_space<vmem>>, vector<1x1x1x1024xf32>
      %get3A_406 = vector.shape_cast %get3A_405 : vector<1x1x1x1024xf32> to vector<1x1024xf32>
      %get3A_407 = arith.constant 0 : index
      %get3A_408 = arith.index_cast %select_n3A_175 : i32 to index
      %get3A_409 = arith.constant 0 : index
      %get3A_410 = arith.constant 0 : index
      %get3A_411 = vector.load %arg9[%get3A_407, %get3A_408, %get3A_409, %get3A_410] : memref<1x51x1x1024xf32, #tpu.memory_space<vmem>>, vector<1x1x1x1024xf32>
      %get3A_412 = vector.shape_cast %get3A_411 : vector<1x1x1x1024xf32> to vector<1x1024xf32>
      %slice3A_413 = vector.extract_strided_slice %transpose3A_387 {offsets = [0, 0], sizes = [128, 1], strides = [1, 1]} : vector<128x8xf32> to vector<128x1xf32>
      %slice3A_414 = vector.extract_strided_slice %transpose3A_394 {offsets = [0, 0], sizes = [128, 1], strides = [1, 1]} : vector<128x8xf32> to vector<128x1xf32>
      %sub3A_415 = vector.broadcast %slice3A_413 : vector<128x1xf32> to vector<128x1024xf32>
      %sub3A_416 = vector.broadcast %get3A_400 : vector<1x1024xf32> to vector<128x1024xf32>
      %sub3A_417 = arith.subf %sub3A_415, %sub3A_416 : vector<128x1024xf32>
      %sub3A_418 = vector.broadcast %slice3A_414 : vector<128x1xf32> to vector<128x1024xf32>
      %sub3A_419 = vector.broadcast %get3A_406 : vector<1x1024xf32> to vector<128x1024xf32>
      %sub3A_420 = arith.subf %sub3A_418, %sub3A_419 : vector<128x1024xf32>
      %mul3A_421 = arith.mulf %sub3A_417, %sub3A_417 : vector<128x1024xf32>
      %mul3A_422 = arith.mulf %sub3A_420, %sub3A_420 : vector<128x1024xf32>
      %add3A_423 = arith.addf %mul3A_421, %mul3A_422 : vector<128x1024xf32>
      %gt3A_424 = arith.constant 0.000000e+00 : f32
      %gt3A_425 = vector.broadcast %gt3A_424 : f32 to vector<1x1024xf32>
      %gt3A_426 = arith.cmpf ogt, %get3A_412, %gt3A_425 : vector<1x1024xf32>
      %broadcast_in_dim3A_427 = vector.shape_cast %gt3A_426 : vector<1x1024xi1> to vector<1x1024xi1>
      %broadcast_in_dim3A_428 = vector.broadcast %broadcast_in_dim3A_427 : vector<1x1024xi1> to vector<128x1024xi1>
      %broadcast_in_dim3A_429 = vector.broadcast %while3A_71 : f32 to vector<128x1024xf32>
      %select_n3A_430 = arith.select %broadcast_in_dim3A_428, %add3A_423, %broadcast_in_dim3A_429 : vector<128x1024xi1>, vector<128x1024xf32>
      %reduce_min3A_431 = arith.constant dense<0x7F800000> : vector<128xf32>
      %reduce_min3A_432 = vector.multi_reduction <minimumf>, %select_n3A_430, %reduce_min3A_431 [1] : vector<128x1024xf32> to vector<128xf32>
      %broadcast_in_dim3A_433 = vector.shape_cast %reduce_min3A_432 : vector<128xf32> to vector<128x1xf32>
      %slice3A_434 = vector.extract_strided_slice %transpose3A_387 {offsets = [0, 1], sizes = [128, 1], strides = [1, 1]} : vector<128x8xf32> to vector<128x1xf32>
      %slice3A_435 = vector.extract_strided_slice %transpose3A_394 {offsets = [0, 1], sizes = [128, 1], strides = [1, 1]} : vector<128x8xf32> to vector<128x1xf32>
      %sub3A_436 = vector.broadcast %slice3A_434 : vector<128x1xf32> to vector<128x1024xf32>
      %sub3A_437 = vector.broadcast %get3A_400 : vector<1x1024xf32> to vector<128x1024xf32>
      %sub3A_438 = arith.subf %sub3A_436, %sub3A_437 : vector<128x1024xf32>
      %sub3A_439 = vector.broadcast %slice3A_435 : vector<128x1xf32> to vector<128x1024xf32>
      %sub3A_440 = vector.broadcast %get3A_406 : vector<1x1024xf32> to vector<128x1024xf32>
      %sub3A_441 = arith.subf %sub3A_439, %sub3A_440 : vector<128x1024xf32>
      %mul3A_442 = arith.mulf %sub3A_438, %sub3A_438 : vector<128x1024xf32>
      %mul3A_443 = arith.mulf %sub3A_441, %sub3A_441 : vector<128x1024xf32>
      %add3A_444 = arith.addf %mul3A_442, %mul3A_443 : vector<128x1024xf32>
      %gt3A_445 = arith.constant 0.000000e+00 : f32
      %gt3A_446 = vector.broadcast %gt3A_445 : f32 to vector<1x1024xf32>
      %gt3A_447 = arith.cmpf ogt, %get3A_412, %gt3A_446 : vector<1x1024xf32>
      %broadcast_in_dim3A_448 = vector.shape_cast %gt3A_447 : vector<1x1024xi1> to vector<1x1024xi1>
      %broadcast_in_dim3A_449 = vector.broadcast %broadcast_in_dim3A_448 : vector<1x1024xi1> to vector<128x1024xi1>
      %broadcast_in_dim3A_450 = vector.broadcast %while3A_71 : f32 to vector<128x1024xf32>
      %select_n3A_451 = arith.select %broadcast_in_dim3A_449, %add3A_444, %broadcast_in_dim3A_450 : vector<128x1024xi1>, vector<128x1024xf32>
      %reduce_min3A_452 = arith.constant dense<0x7F800000> : vector<128xf32>
      %reduce_min3A_453 = vector.multi_reduction <minimumf>, %select_n3A_451, %reduce_min3A_452 [1] : vector<128x1024xf32> to vector<128xf32>
      %broadcast_in_dim3A_454 = vector.shape_cast %reduce_min3A_453 : vector<128xf32> to vector<128x1xf32>
      %slice3A_455 = vector.extract_strided_slice %transpose3A_387 {offsets = [0, 2], sizes = [128, 1], strides = [1, 1]} : vector<128x8xf32> to vector<128x1xf32>
      %slice3A_456 = vector.extract_strided_slice %transpose3A_394 {offsets = [0, 2], sizes = [128, 1], strides = [1, 1]} : vector<128x8xf32> to vector<128x1xf32>
      %sub3A_457 = vector.broadcast %slice3A_455 : vector<128x1xf32> to vector<128x1024xf32>
      %sub3A_458 = vector.broadcast %get3A_400 : vector<1x1024xf32> to vector<128x1024xf32>
      %sub3A_459 = arith.subf %sub3A_457, %sub3A_458 : vector<128x1024xf32>
      %sub3A_460 = vector.broadcast %slice3A_456 : vector<128x1xf32> to vector<128x1024xf32>
      %sub3A_461 = vector.broadcast %get3A_406 : vector<1x1024xf32> to vector<128x1024xf32>
      %sub3A_462 = arith.subf %sub3A_460, %sub3A_461 : vector<128x1024xf32>
      %mul3A_463 = arith.mulf %sub3A_459, %sub3A_459 : vector<128x1024xf32>
      %mul3A_464 = arith.mulf %sub3A_462, %sub3A_462 : vector<128x1024xf32>
      %add3A_465 = arith.addf %mul3A_463, %mul3A_464 : vector<128x1024xf32>
      %gt3A_466 = arith.constant 0.000000e+00 : f32
      %gt3A_467 = vector.broadcast %gt3A_466 : f32 to vector<1x1024xf32>
      %gt3A_468 = arith.cmpf ogt, %get3A_412, %gt3A_467 : vector<1x1024xf32>
      %broadcast_in_dim3A_469 = vector.shape_cast %gt3A_468 : vector<1x1024xi1> to vector<1x1024xi1>
      %broadcast_in_dim3A_470 = vector.broadcast %broadcast_in_dim3A_469 : vector<1x1024xi1> to vector<128x1024xi1>
      %broadcast_in_dim3A_471 = vector.broadcast %while3A_71 : f32 to vector<128x1024xf32>
      %select_n3A_472 = arith.select %broadcast_in_dim3A_470, %add3A_465, %broadcast_in_dim3A_471 : vector<128x1024xi1>, vector<128x1024xf32>
      %reduce_min3A_473 = arith.constant dense<0x7F800000> : vector<128xf32>
      %reduce_min3A_474 = vector.multi_reduction <minimumf>, %select_n3A_472, %reduce_min3A_473 [1] : vector<128x1024xf32> to vector<128xf32>
      %broadcast_in_dim3A_475 = vector.shape_cast %reduce_min3A_474 : vector<128xf32> to vector<128x1xf32>
      %slice3A_476 = vector.extract_strided_slice %transpose3A_387 {offsets = [0, 3], sizes = [128, 1], strides = [1, 1]} : vector<128x8xf32> to vector<128x1xf32>
      %slice3A_477 = vector.extract_strided_slice %transpose3A_394 {offsets = [0, 3], sizes = [128, 1], strides = [1, 1]} : vector<128x8xf32> to vector<128x1xf32>
      %sub3A_478 = vector.broadcast %slice3A_476 : vector<128x1xf32> to vector<128x1024xf32>
      %sub3A_479 = vector.broadcast %get3A_400 : vector<1x1024xf32> to vector<128x1024xf32>
      %sub3A_480 = arith.subf %sub3A_478, %sub3A_479 : vector<128x1024xf32>
      %sub3A_481 = vector.broadcast %slice3A_477 : vector<128x1xf32> to vector<128x1024xf32>
      %sub3A_482 = vector.broadcast %get3A_406 : vector<1x1024xf32> to vector<128x1024xf32>
      %sub3A_483 = arith.subf %sub3A_481, %sub3A_482 : vector<128x1024xf32>
      %mul3A_484 = arith.mulf %sub3A_480, %sub3A_480 : vector<128x1024xf32>
      %mul3A_485 = arith.mulf %sub3A_483, %sub3A_483 : vector<128x1024xf32>
      %add3A_486 = arith.addf %mul3A_484, %mul3A_485 : vector<128x1024xf32>
      %gt3A_487 = arith.constant 0.000000e+00 : f32
      %gt3A_488 = vector.broadcast %gt3A_487 : f32 to vector<1x1024xf32>
      %gt3A_489 = arith.cmpf ogt, %get3A_412, %gt3A_488 : vector<1x1024xf32>
      %broadcast_in_dim3A_490 = vector.shape_cast %gt3A_489 : vector<1x1024xi1> to vector<1x1024xi1>
      %broadcast_in_dim3A_491 = vector.broadcast %broadcast_in_dim3A_490 : vector<1x1024xi1> to vector<128x1024xi1>
      %broadcast_in_dim3A_492 = vector.broadcast %while3A_71 : f32 to vector<128x1024xf32>
      %select_n3A_493 = arith.select %broadcast_in_dim3A_491, %add3A_486, %broadcast_in_dim3A_492 : vector<128x1024xi1>, vector<128x1024xf32>
      %reduce_min3A_494 = arith.constant dense<0x7F800000> : vector<128xf32>
      %reduce_min3A_495 = vector.multi_reduction <minimumf>, %select_n3A_493, %reduce_min3A_494 [1] : vector<128x1024xf32> to vector<128xf32>
      %broadcast_in_dim3A_496 = vector.shape_cast %reduce_min3A_495 : vector<128xf32> to vector<128x1xf32>
      %slice3A_497 = vector.extract_strided_slice %transpose3A_387 {offsets = [0, 4], sizes = [128, 1], strides = [1, 1]} : vector<128x8xf32> to vector<128x1xf32>
      %slice3A_498 = vector.extract_strided_slice %transpose3A_394 {offsets = [0, 4], sizes = [128, 1], strides = [1, 1]} : vector<128x8xf32> to vector<128x1xf32>
      %sub3A_499 = vector.broadcast %slice3A_497 : vector<128x1xf32> to vector<128x1024xf32>
      %sub3A_500 = vector.broadcast %get3A_400 : vector<1x1024xf32> to vector<128x1024xf32>
      %sub3A_501 = arith.subf %sub3A_499, %sub3A_500 : vector<128x1024xf32>
      %sub3A_502 = vector.broadcast %slice3A_498 : vector<128x1xf32> to vector<128x1024xf32>
      %sub3A_503 = vector.broadcast %get3A_406 : vector<1x1024xf32> to vector<128x1024xf32>
      %sub3A_504 = arith.subf %sub3A_502, %sub3A_503 : vector<128x1024xf32>
      %mul3A_505 = arith.mulf %sub3A_501, %sub3A_501 : vector<128x1024xf32>
      %mul3A_506 = arith.mulf %sub3A_504, %sub3A_504 : vector<128x1024xf32>
      %add3A_507 = arith.addf %mul3A_505, %mul3A_506 : vector<128x1024xf32>
      %gt3A_508 = arith.constant 0.000000e+00 : f32
      %gt3A_509 = vector.broadcast %gt3A_508 : f32 to vector<1x1024xf32>
      %gt3A_510 = arith.cmpf ogt, %get3A_412, %gt3A_509 : vector<1x1024xf32>
      %broadcast_in_dim3A_511 = vector.shape_cast %gt3A_510 : vector<1x1024xi1> to vector<1x1024xi1>
      %broadcast_in_dim3A_512 = vector.broadcast %broadcast_in_dim3A_511 : vector<1x1024xi1> to vector<128x1024xi1>
      %broadcast_in_dim3A_513 = vector.broadcast %while3A_71 : f32 to vector<128x1024xf32>
      %select_n3A_514 = arith.select %broadcast_in_dim3A_512, %add3A_507, %broadcast_in_dim3A_513 : vector<128x1024xi1>, vector<128x1024xf32>
      %reduce_min3A_515 = arith.constant dense<0x7F800000> : vector<128xf32>
      %reduce_min3A_516 = vector.multi_reduction <minimumf>, %select_n3A_514, %reduce_min3A_515 [1] : vector<128x1024xf32> to vector<128xf32>
      %broadcast_in_dim3A_517 = vector.shape_cast %reduce_min3A_516 : vector<128xf32> to vector<128x1xf32>
      %slice3A_518 = vector.extract_strided_slice %transpose3A_387 {offsets = [0, 5], sizes = [128, 1], strides = [1, 1]} : vector<128x8xf32> to vector<128x1xf32>
      %slice3A_519 = vector.extract_strided_slice %transpose3A_394 {offsets = [0, 5], sizes = [128, 1], strides = [1, 1]} : vector<128x8xf32> to vector<128x1xf32>
      %sub3A_520 = vector.broadcast %slice3A_518 : vector<128x1xf32> to vector<128x1024xf32>
      %sub3A_521 = vector.broadcast %get3A_400 : vector<1x1024xf32> to vector<128x1024xf32>
      %sub3A_522 = arith.subf %sub3A_520, %sub3A_521 : vector<128x1024xf32>
      %sub3A_523 = vector.broadcast %slice3A_519 : vector<128x1xf32> to vector<128x1024xf32>
      %sub3A_524 = vector.broadcast %get3A_406 : vector<1x1024xf32> to vector<128x1024xf32>
      %sub3A_525 = arith.subf %sub3A_523, %sub3A_524 : vector<128x1024xf32>
      %mul3A_526 = arith.mulf %sub3A_522, %sub3A_522 : vector<128x1024xf32>
      %mul3A_527 = arith.mulf %sub3A_525, %sub3A_525 : vector<128x1024xf32>
      %add3A_528 = arith.addf %mul3A_526, %mul3A_527 : vector<128x1024xf32>
      %gt3A_529 = arith.constant 0.000000e+00 : f32
      %gt3A_530 = vector.broadcast %gt3A_529 : f32 to vector<1x1024xf32>
      %gt3A_531 = arith.cmpf ogt, %get3A_412, %gt3A_530 : vector<1x1024xf32>
      %broadcast_in_dim3A_532 = vector.shape_cast %gt3A_531 : vector<1x1024xi1> to vector<1x1024xi1>
      %broadcast_in_dim3A_533 = vector.broadcast %broadcast_in_dim3A_532 : vector<1x1024xi1> to vector<128x1024xi1>
      %broadcast_in_dim3A_534 = vector.broadcast %while3A_71 : f32 to vector<128x1024xf32>
      %select_n3A_535 = arith.select %broadcast_in_dim3A_533, %add3A_528, %broadcast_in_dim3A_534 : vector<128x1024xi1>, vector<128x1024xf32>
      %reduce_min3A_536 = arith.constant dense<0x7F800000> : vector<128xf32>
      %reduce_min3A_537 = vector.multi_reduction <minimumf>, %select_n3A_535, %reduce_min3A_536 [1] : vector<128x1024xf32> to vector<128xf32>
      %broadcast_in_dim3A_538 = vector.shape_cast %reduce_min3A_537 : vector<128xf32> to vector<128x1xf32>
      %slice3A_539 = vector.extract_strided_slice %transpose3A_387 {offsets = [0, 6], sizes = [128, 1], strides = [1, 1]} : vector<128x8xf32> to vector<128x1xf32>
      %slice3A_540 = vector.extract_strided_slice %transpose3A_394 {offsets = [0, 6], sizes = [128, 1], strides = [1, 1]} : vector<128x8xf32> to vector<128x1xf32>
      %sub3A_541 = vector.broadcast %slice3A_539 : vector<128x1xf32> to vector<128x1024xf32>
      %sub3A_542 = vector.broadcast %get3A_400 : vector<1x1024xf32> to vector<128x1024xf32>
      %sub3A_543 = arith.subf %sub3A_541, %sub3A_542 : vector<128x1024xf32>
      %sub3A_544 = vector.broadcast %slice3A_540 : vector<128x1xf32> to vector<128x1024xf32>
      %sub3A_545 = vector.broadcast %get3A_406 : vector<1x1024xf32> to vector<128x1024xf32>
      %sub3A_546 = arith.subf %sub3A_544, %sub3A_545 : vector<128x1024xf32>
      %mul3A_547 = arith.mulf %sub3A_543, %sub3A_543 : vector<128x1024xf32>
      %mul3A_548 = arith.mulf %sub3A_546, %sub3A_546 : vector<128x1024xf32>
      %add3A_549 = arith.addf %mul3A_547, %mul3A_548 : vector<128x1024xf32>
      %gt3A_550 = arith.constant 0.000000e+00 : f32
      %gt3A_551 = vector.broadcast %gt3A_550 : f32 to vector<1x1024xf32>
      %gt3A_552 = arith.cmpf ogt, %get3A_412, %gt3A_551 : vector<1x1024xf32>
      %broadcast_in_dim3A_553 = vector.shape_cast %gt3A_552 : vector<1x1024xi1> to vector<1x1024xi1>
      %broadcast_in_dim3A_554 = vector.broadcast %broadcast_in_dim3A_553 : vector<1x1024xi1> to vector<128x1024xi1>
      %broadcast_in_dim3A_555 = vector.broadcast %while3A_71 : f32 to vector<128x1024xf32>
      %select_n3A_556 = arith.select %broadcast_in_dim3A_554, %add3A_549, %broadcast_in_dim3A_555 : vector<128x1024xi1>, vector<128x1024xf32>
      %reduce_min3A_557 = arith.constant dense<0x7F800000> : vector<128xf32>
      %reduce_min3A_558 = vector.multi_reduction <minimumf>, %select_n3A_556, %reduce_min3A_557 [1] : vector<128x1024xf32> to vector<128xf32>
      %broadcast_in_dim3A_559 = vector.shape_cast %reduce_min3A_558 : vector<128xf32> to vector<128x1xf32>
      %slice3A_560 = vector.extract_strided_slice %transpose3A_387 {offsets = [0, 7], sizes = [128, 1], strides = [1, 1]} : vector<128x8xf32> to vector<128x1xf32>
      %slice3A_561 = vector.extract_strided_slice %transpose3A_394 {offsets = [0, 7], sizes = [128, 1], strides = [1, 1]} : vector<128x8xf32> to vector<128x1xf32>
      %sub3A_562 = vector.broadcast %slice3A_560 : vector<128x1xf32> to vector<128x1024xf32>
      %sub3A_563 = vector.broadcast %get3A_400 : vector<1x1024xf32> to vector<128x1024xf32>
      %sub3A_564 = arith.subf %sub3A_562, %sub3A_563 : vector<128x1024xf32>
      %sub3A_565 = vector.broadcast %slice3A_561 : vector<128x1xf32> to vector<128x1024xf32>
      %sub3A_566 = vector.broadcast %get3A_406 : vector<1x1024xf32> to vector<128x1024xf32>
      %sub3A_567 = arith.subf %sub3A_565, %sub3A_566 : vector<128x1024xf32>
      %mul3A_568 = arith.mulf %sub3A_564, %sub3A_564 : vector<128x1024xf32>
      %mul3A_569 = arith.mulf %sub3A_567, %sub3A_567 : vector<128x1024xf32>
      %add3A_570 = arith.addf %mul3A_568, %mul3A_569 : vector<128x1024xf32>
      %gt3A_571 = arith.constant 0.000000e+00 : f32
      %gt3A_572 = vector.broadcast %gt3A_571 : f32 to vector<1x1024xf32>
      %gt3A_573 = arith.cmpf ogt, %get3A_412, %gt3A_572 : vector<1x1024xf32>
      %broadcast_in_dim3A_574 = vector.shape_cast %gt3A_573 : vector<1x1024xi1> to vector<1x1024xi1>
      %broadcast_in_dim3A_575 = vector.broadcast %broadcast_in_dim3A_574 : vector<1x1024xi1> to vector<128x1024xi1>
      %broadcast_in_dim3A_576 = vector.broadcast %while3A_71 : f32 to vector<128x1024xf32>
      %select_n3A_577 = arith.select %broadcast_in_dim3A_575, %add3A_570, %broadcast_in_dim3A_576 : vector<128x1024xi1>, vector<128x1024xf32>
      %reduce_min3A_578 = arith.constant dense<0x7F800000> : vector<128xf32>
      %reduce_min3A_579 = vector.multi_reduction <minimumf>, %select_n3A_577, %reduce_min3A_578 [1] : vector<128x1024xf32> to vector<128xf32>
      %broadcast_in_dim3A_580 = vector.shape_cast %reduce_min3A_579 : vector<128xf32> to vector<128x1xf32>
      %concatenate3A_581 = tpu.concatenate %broadcast_in_dim3A_433, %broadcast_in_dim3A_454, %broadcast_in_dim3A_475, %broadcast_in_dim3A_496, %broadcast_in_dim3A_517, %broadcast_in_dim3A_538, %broadcast_in_dim3A_559, %broadcast_in_dim3A_580 in 1 : vector<128x1xf32>, vector<128x1xf32>, vector<128x1xf32>, vector<128x1xf32>, vector<128x1xf32>, vector<128x1xf32>, vector<128x1xf32>, vector<128x1xf32> -> vector<128x8xf32>
      %transpose3A_582 = tpu.transpose %concatenate3A_581, [1, 0] : vector<128x8xf32> -> vector<8x128xf32>
      %swap3A_583 = arith.index_cast %while3A_152 : i32 to index
      %swap3A_584 = arith.constant 0 : index
      %swap3A_585 = arith.constant 0 : index
      %swap3A_586 = vector.load %arg15[%swap3A_583, %swap3A_584, %swap3A_585] : memref<2601x8x128xf32, #tpu.memory_space<vmem>>, vector<1x8x128xf32>
      %swap3A_587 = vector.shape_cast %swap3A_586 : vector<1x8x128xf32> to vector<8x128xf32>
      %swap3A_588 = vector.shape_cast %transpose3A_582 : vector<8x128xf32> to vector<1x8x128xf32>
      tpu.vector_store %arg15[%swap3A_583, %swap3A_584, %swap3A_585], %swap3A_588 {strides = array<i32>} : memref<2601x8x128xf32, #tpu.memory_space<vmem>>, vector<1x8x128xf32>,
    }
    %mul3A_81 = arith.muli %convert_element_type3A_11, %select_n3A_70 : i32
    %mul3A_82 = arith.muli %convert_element_type3A_23, %select_n3A : i32
    %add3A_83 = arith.addi %mul3A_81, %mul3A_82 : i32
    %convert_element_type3A_84 = arith.sitofp %add3A_83 : i32 to f32
    %sub3A_85 = arith.constant 1.000000e+00 : f32
    %sub3A_86 = arith.subf %convert_element_type3A_84, %sub3A_85 : f32
    %mul3A_87 = arith.constant 0.949999988 : f32
    %mul3A_88 = arith.mulf %mul3A_87, %sub3A_86 : f32
    %floor3A = math.floor %mul3A_88 : f32
    %ceil3A = math.ceil %mul3A_88 : f32
    %sub3A_89 = arith.subf %mul3A_88, %floor3A : f32
    %sub3A_90 = arith.constant 1.000000e+00 : f32
    %sub3A_91 = arith.subf %sub3A_90, %sub3A_89 : f32
    %sub3A_92 = arith.constant 1.000000e+00 : f32
    %sub3A_93 = arith.subf %convert_element_type3A_84, %sub3A_92 : f32
    %min3A = arith.minimumf %floor3A, %sub3A_93 : f32
    %max3A = arith.constant 0.000000e+00 : f32
    %max3A_94 = arith.maximumf %max3A, %min3A : f32
    %convert_element_type3A_95 = arith.fptosi %max3A_94 : f32 to i32
    %sub3A_96 = arith.constant 1.000000e+00 : f32
    %sub3A_97 = arith.subf %convert_element_type3A_84, %sub3A_96 : f32
    %min3A_98 = arith.minimumf %ceil3A, %sub3A_97 : f32
    %max3A_99 = arith.constant 0.000000e+00 : f32
    %max3A_100 = arith.maximumf %max3A_99, %min3A_98 : f32
    %convert_element_type3A_101 = arith.fptosi %max3A_100 : f32 to i32
    %add3A_102 = arith.constant 1 : i32
    %add3A_103 = arith.addi %convert_element_type3A_95, %add3A_102 : i32
    %convert_element_type3A_104 = arith.sitofp %add3A_103 : i32 to f32
    %add3A_105 = arith.constant 1 : i32
    %add3A_106 = arith.addi %convert_element_type3A_101, %add3A_105 : i32
    %convert_element_type3A_107 = arith.sitofp %add3A_106 : i32 to f32
    %scan3A = arith.constant 0 : i32
    %scan3A_108 = arith.constant 99458 : i32
    %scan3A_109 = arith.constant 0 : i32
    %scan3A_110 = arith.constant 99458 : i32
    %scan3A_111 = arith.constant 0 : i32
    %scan3A_112 = arith.constant 17 : i32
    %scan3A_113 = arith.addi %scan3A_111, %scan3A_112 : i32
    %scan3A_114 = arith.constant 1 : i32
    %scan3A_115:4 = scf.for %scan3A_152 = %scan3A_111 to %scan3A_113 step %scan3A_114 iter_args(%scan3A_153 = %scan3A, %scan3A_154 = %scan3A_108, %scan3A_155 = %scan3A_109, %scan3A_156 = %scan3A_110) -> (i32, i32, i32, i32)  : i32 {
      %add3A_157 = arith.addi %scan3A_153, %scan3A_154 : i32
      %jit3A_158 = arith.constant 2 : i32
      %div3A_159 = arith.divsi %add3A_157, %jit3A_158 : i32
      %sign3A_160 = arith.constant 0 : i32
      %sign3A_161 = arith.cmpi sgt, %add3A_157, %sign3A_160 : i32
      %sign3A_162 = arith.extui %sign3A_161 : i1 to i32
      %sign3A_163 = arith.constant 0 : i32
      %sign3A_164 = arith.cmpi slt, %add3A_157, %sign3A_163 : i32
      %sign3A_165 = arith.extui %sign3A_164 : i1 to i32
      %sign3A_166 = arith.subi %sign3A_162, %sign3A_165 : i32
      %sign3A_167 = arith.constant 0 : i32
      %sign3A_168 = arith.cmpi sgt, %jit3A_158, %sign3A_167 : i32
      %sign3A_169 = arith.extui %sign3A_168 : i1 to i32
      %sign3A_170 = arith.constant 0 : i32
      %sign3A_171 = arith.cmpi slt, %jit3A_158, %sign3A_170 : i32
      %sign3A_172 = arith.extui %sign3A_171 : i1 to i32
      %sign3A_173 = arith.subi %sign3A_169, %sign3A_172 : i32
      %ne3A_174 = arith.cmpi ne, %sign3A_166, %sign3A_173 : i32
      %rem3A_175 = arith.remsi %add3A_157, %jit3A_158 : i32
      %ne3A_176 = arith.constant 0 : i32
      %ne3A_177 = arith.cmpi ne, %rem3A_175, %ne3A_176 : i32
      %and3A_178 = arith.andi %ne3A_174, %ne3A_177 : i1
      %sub3A_179 = arith.constant 1 : i32
      %sub3A_180 = arith.subi %div3A_159, %sub3A_179 : i32
      %select_n3A_181 = arith.select %and3A_178, %sub3A_180, %div3A_159 : i32
      %add3A_182 = arith.addi %scan3A_155, %scan3A_156 : i32
      %jit3A_183 = arith.constant 2 : i32
      %div3A_184 = arith.divsi %add3A_182, %jit3A_183 : i32
      %sign3A_185 = arith.constant 0 : i32
      %sign3A_186 = arith.cmpi sgt, %add3A_182, %sign3A_185 : i32
      %sign3A_187 = arith.extui %sign3A_186 : i1 to i32
      %sign3A_188 = arith.constant 0 : i32
      %sign3A_189 = arith.cmpi slt, %add3A_182, %sign3A_188 : i32
      %sign3A_190 = arith.extui %sign3A_189 : i1 to i32
      %sign3A_191 = arith.subi %sign3A_187, %sign3A_190 : i32
      %sign3A_192 = arith.constant 0 : i32
      %sign3A_193 = arith.cmpi sgt, %jit3A_183, %sign3A_192 : i32
      %sign3A_194 = arith.extui %sign3A_193 : i1 to i32
      %sign3A_195 = arith.constant 0 : i32
      %sign3A_196 = arith.cmpi slt, %jit3A_183, %sign3A_195 : i32
      %sign3A_197 = arith.extui %sign3A_196 : i1 to i32
      %sign3A_198 = arith.subi %sign3A_194, %sign3A_197 : i32
      %ne3A_199 = arith.cmpi ne, %sign3A_191, %sign3A_198 : i32
      %rem3A_200 = arith.remsi %add3A_182, %jit3A_183 : i32
      %ne3A_201 = arith.constant 0 : i32
      %ne3A_202 = arith.cmpi ne, %rem3A_200, %ne3A_201 : i32
      %and3A_203 = arith.andi %ne3A_199, %ne3A_202 : i1
      %sub3A_204 = arith.constant 1 : i32
      %sub3A_205 = arith.subi %div3A_184, %sub3A_204 : i32
      %select_n3A_206 = arith.select %and3A_203, %sub3A_205, %div3A_184 : i32
      %convert_element_type3A_207 = arith.sitofp %select_n3A_181 : i32 to f32
      %convert_element_type3A_208 = arith.sitofp %select_n3A_206 : i32 to f32
      %broadcast_in_dim3A = arith.constant 0.000000e+00 : f32
      %broadcast_in_dim3A_209 = vector.broadcast %broadcast_in_dim3A : f32 to vector<8x128xf32>
      %while3A_210 = arith.constant 0 : i32
      %while3A_211 = arith.subi %mul3A, %while3A_210 : i32
      %while3A_212 = arith.addi %while3A_210, %while3A_211 : i32
      %while3A_213 = arith.constant 1 : i32
      %while3A_214 = arith.divsi %while3A_211, %while3A_213 : i32
      %while3A_215 = arith.muli %while3A_214, %while3A_213 : i32
      %while3A_216 = arith.addi %while3A_210, %while3A_215 : i32
      %while3A_217 = arith.constant 1 : i32
      %while3A_218:2 = scf.for %while3A_240 = %while3A_210 to %while3A_216 step %while3A_217 iter_args(%while3A_241 = %broadcast_in_dim3A_209, %while3A_242 = %broadcast_in_dim3A_209) -> (vector<8x128xf32>, vector<8x128xf32>)  : i32 {
        %div3A_243 = arith.divsi %while3A_240, %select_n3A_70 : i32
        %sign3A_244 = arith.constant 0 : i32
        %sign3A_245 = arith.cmpi sgt, %while3A_240, %sign3A_244 : i32
        %sign3A_246 = arith.extui %sign3A_245 : i1 to i32
        %sign3A_247 = arith.constant 0 : i32
        %sign3A_248 = arith.cmpi slt, %while3A_240, %sign3A_247 : i32
        %sign3A_249 = arith.extui %sign3A_248 : i1 to i32
        %sign3A_250 = arith.subi %sign3A_246, %sign3A_249 : i32
        %sign3A_251 = arith.constant 0 : i32
        %sign3A_252 = arith.cmpi sgt, %select_n3A_70, %sign3A_251 : i32
        %sign3A_253 = arith.extui %sign3A_252 : i1 to i32
        %sign3A_254 = arith.constant 0 : i32
        %sign3A_255 = arith.cmpi slt, %select_n3A_70, %sign3A_254 : i32
        %sign3A_256 = arith.extui %sign3A_255 : i1 to i32
        %sign3A_257 = arith.subi %sign3A_253, %sign3A_256 : i32
        %ne3A_258 = arith.cmpi ne, %sign3A_250, %sign3A_257 : i32
        %rem3A_259 = arith.remsi %while3A_240, %select_n3A_70 : i32
        %ne3A_260 = arith.constant 0 : i32
        %ne3A_261 = arith.cmpi ne, %rem3A_259, %ne3A_260 : i32
        %and3A_262 = arith.andi %ne3A_258, %ne3A_261 : i1
        %sub3A_263 = arith.constant 1 : i32
        %sub3A_264 = arith.subi %div3A_243, %sub3A_263 : i32
        %select_n3A_265 = arith.select %and3A_262, %sub3A_264, %div3A_243 : i32
        %mul3A_266 = arith.muli %select_n3A_265, %select_n3A_70 : i32
        %sub3A_267 = arith.subi %while3A_240, %mul3A_266 : i32
        %get3A_268 = arith.index_cast %while3A_240 : i32 to index
        %get3A_269 = arith.constant 0 : index
        %get3A_270 = arith.constant 0 : index
        %get3A_271 = vector.load %arg14[%get3A_268, %get3A_269, %get3A_270] : memref<2601x8x128xf32, #tpu.memory_space<vmem>>, vector<1x8x128xf32>
        %get3A_272 = vector.shape_cast %get3A_271 : vector<1x8x128xf32> to vector<8x128xf32>
        %get3A_273 = arith.index_cast %while3A_240 : i32 to index
        %get3A_274 = arith.constant 0 : index
        %get3A_275 = arith.constant 0 : index
        %get3A_276 = vector.load %arg15[%get3A_273, %get3A_274, %get3A_275] : memref<2601x8x128xf32, #tpu.memory_space<vmem>>, vector<1x8x128xf32>
        %get3A_277 = vector.shape_cast %get3A_276 : vector<1x8x128xf32> to vector<8x128xf32>
        %get3A_278 = arith.constant 0 : index
        %get3A_279 = arith.index_cast %select_n3A_265 : i32 to index
        %get3A_280 = arith.constant 0 : index
        %get3A_281 = arith.constant 0 : index
        %get3A_282 = vector.load %arg3[%get3A_278, %get3A_279, %get3A_280, %get3A_281] : memref<1x51x8x128xf32, #tpu.memory_space<vmem>>, vector<1x1x8x128xf32>
        %get3A_283 = vector.shape_cast %get3A_282 : vector<1x1x8x128xf32> to vector<8x128xf32>
        %gt3A_284 = arith.constant 0.000000e+00 : f32
        %gt3A_285 = vector.broadcast %gt3A_284 : f32 to vector<8x128xf32>
        %gt3A_286 = arith.cmpf ogt, %get3A_283, %gt3A_285 : vector<8x128xf32>
        %get3A_287 = arith.constant 0 : index
        %get3A_288 = arith.index_cast %sub3A_267 : i32 to index
        %get3A_289 = arith.constant 0 : index
        %get3A_290 = arith.constant 0 : index
        %get3A_291 = vector.load %arg6[%get3A_287, %get3A_288, %get3A_289, %get3A_290] : memref<1x51x8x128xf32, #tpu.memory_space<vmem>>, vector<1x1x8x128xf32>
        %get3A_292 = vector.shape_cast %get3A_291 : vector<1x1x8x128xf32> to vector<8x128xf32>
        %gt3A_293 = arith.constant 0.000000e+00 : f32
        %gt3A_294 = vector.broadcast %gt3A_293 : f32 to vector<8x128xf32>
        %gt3A_295 = arith.cmpf ogt, %get3A_292, %gt3A_294 : vector<8x128xf32>
        %le3A = vector.broadcast %convert_element_type3A_207 : f32 to vector<8x128xf32>
        %le3A_296 = arith.cmpf ole, %get3A_272, %le3A : vector<8x128xf32>
        %and3A_297 = arith.andi %gt3A_286, %le3A_296 : vector<8x128xi1>
        %jit3A_298 = arith.constant 1.000000e+00 : f32
        %jit3A_299 = arith.constant 0.000000e+00 : f32
        %broadcast_in_dim3A_300 = vector.broadcast %jit3A_298 : f32 to vector<8x128xf32>
        %broadcast_in_dim3A_301 = vector.broadcast %jit3A_299 : f32 to vector<8x128xf32>
        %select_n3A_302 = arith.select %and3A_297, %broadcast_in_dim3A_300, %broadcast_in_dim3A_301 : vector<8x128xi1>, vector<8x128xf32>
        %add3A_303 = arith.addf %while3A_241, %select_n3A_302 : vector<8x128xf32>
        %le3A_304 = vector.broadcast %convert_element_type3A_207 : f32 to vector<8x128xf32>
        %le3A_305 = arith.cmpf ole, %get3A_277, %le3A_304 : vector<8x128xf32>
        %and3A_306 = arith.andi %gt3A_295, %le3A_305 : vector<8x128xi1>
        %jit3A_307 = arith.constant 1.000000e+00 : f32
        %jit3A_308 = arith.constant 0.000000e+00 : f32
        %broadcast_in_dim3A_309 = vector.broadcast %jit3A_307 : f32 to vector<8x128xf32>
        %broadcast_in_dim3A_310 = vector.broadcast %jit3A_308 : f32 to vector<8x128xf32>
        %select_n3A_311 = arith.select %and3A_306, %broadcast_in_dim3A_309, %broadcast_in_dim3A_310 : vector<8x128xi1>, vector<8x128xf32>
        %add3A_312 = arith.addf %add3A_303, %select_n3A_311 : vector<8x128xf32>
        %le3A_313 = vector.broadcast %convert_element_type3A_208 : f32 to vector<8x128xf32>
        %le3A_314 = arith.cmpf ole, %get3A_272, %le3A_313 : vector<8x128xf32>
        %and3A_315 = arith.andi %gt3A_286, %le3A_314 : vector<8x128xi1>
        %jit3A_316 = arith.constant 1.000000e+00 : f32
        %jit3A_317 = arith.constant 0.000000e+00 : f32
        %broadcast_in_dim3A_318 = vector.broadcast %jit3A_316 : f32 to vector<8x128xf32>
        %broadcast_in_dim3A_319 = vector.broadcast %jit3A_317 : f32 to vector<8x128xf32>
        %select_n3A_320 = arith.select %and3A_315, %broadcast_in_dim3A_318, %broadcast_in_dim3A_319 : vector<8x128xi1>, vector<8x128xf32>
        %add3A_321 = arith.addf %while3A_242, %select_n3A_320 : vector<8x128xf32>
        %le3A_322 = vector.broadcast %convert_element_type3A_208 : f32 to vector<8x128xf32>
        %le3A_323 = arith.cmpf ole, %get3A_277, %le3A_322 : vector<8x128xf32>
        %and3A_324 = arith.andi %gt3A_295, %le3A_323 : vector<8x128xi1>
        %jit3A_325 = arith.constant 1.000000e+00 : f32
        %jit3A_326 = arith.constant 0.000000e+00 : f32
        %broadcast_in_dim3A_327 = vector.broadcast %jit3A_325 : f32 to vector<8x128xf32>
        %broadcast_in_dim3A_328 = vector.broadcast %jit3A_326 : f32 to vector<8x128xf32>
        %select_n3A_329 = arith.select %and3A_324, %broadcast_in_dim3A_327, %broadcast_in_dim3A_328 : vector<8x128xi1>, vector<8x128xf32>
        %add3A_330 = arith.addf %add3A_321, %select_n3A_329 : vector<8x128xf32>
        scf.yield %add3A_312, %add3A_330 : vector<8x128xf32>, vector<8x128xf32>
      }
      %while3A_219 = arith.constant 1 : i32
      %while3A_220:2 = scf.for %while3A_240 = %while3A_216 to %while3A_212 step %while3A_219 iter_args(%while3A_241 = %while3A_218#0, %while3A_242 = %while3A_218#1) -> (vector<8x128xf32>, vector<8x128xf32>)  : i32 {
        %div3A_243 = arith.divsi %while3A_240, %select_n3A_70 : i32
        %sign3A_244 = arith.constant 0 : i32
        %sign3A_245 = arith.cmpi sgt, %while3A_240, %sign3A_244 : i32
        %sign3A_246 = arith.extui %sign3A_245 : i1 to i32
        %sign3A_247 = arith.constant 0 : i32
        %sign3A_248 = arith.cmpi slt, %while3A_240, %sign3A_247 : i32
        %sign3A_249 = arith.extui %sign3A_248 : i1 to i32
        %sign3A_250 = arith.subi %sign3A_246, %sign3A_249 : i32
        %sign3A_251 = arith.constant 0 : i32
        %sign3A_252 = arith.cmpi sgt, %select_n3A_70, %sign3A_251 : i32
        %sign3A_253 = arith.extui %sign3A_252 : i1 to i32
        %sign3A_254 = arith.constant 0 : i32
        %sign3A_255 = arith.cmpi slt, %select_n3A_70, %sign3A_254 : i32
        %sign3A_256 = arith.extui %sign3A_255 : i1 to i32
        %sign3A_257 = arith.subi %sign3A_253, %sign3A_256 : i32
        %ne3A_258 = arith.cmpi ne, %sign3A_250, %sign3A_257 : i32
        %rem3A_259 = arith.remsi %while3A_240, %select_n3A_70 : i32
        %ne3A_260 = arith.constant 0 : i32
        %ne3A_261 = arith.cmpi ne, %rem3A_259, %ne3A_260 : i32
        %and3A_262 = arith.andi %ne3A_258, %ne3A_261 : i1
        %sub3A_263 = arith.constant 1 : i32
        %sub3A_264 = arith.subi %div3A_243, %sub3A_263 : i32
        %select_n3A_265 = arith.select %and3A_262, %sub3A_264, %div3A_243 : i32
        %mul3A_266 = arith.muli %select_n3A_265, %select_n3A_70 : i32
        %sub3A_267 = arith.subi %while3A_240, %mul3A_266 : i32
        %get3A_268 = arith.index_cast %while3A_240 : i32 to index
        %get3A_269 = arith.constant 0 : index
        %get3A_270 = arith.constant 0 : index
        %get3A_271 = vector.load %arg14[%get3A_268, %get3A_269, %get3A_270] : memref<2601x8x128xf32, #tpu.memory_space<vmem>>, vector<1x8x128xf32>
        %get3A_272 = vector.shape_cast %get3A_271 : vector<1x8x128xf32> to vector<8x128xf32>
        %get3A_273 = arith.index_cast %while3A_240 : i32 to index
        %get3A_274 = arith.constant 0 : index
        %get3A_275 = arith.constant 0 : index
        %get3A_276 = vector.load %arg15[%get3A_273, %get3A_274, %get3A_275] : memref<2601x8x128xf32, #tpu.memory_space<vmem>>, vector<1x8x128xf32>
        %get3A_277 = vector.shape_cast %get3A_276 : vector<1x8x128xf32> to vector<8x128xf32>
        %get3A_278 = arith.constant 0 : index
        %get3A_279 = arith.index_cast %select_n3A_265 : i32 to index
        %get3A_280 = arith.constant 0 : index
        %get3A_281 = arith.constant 0 : index
        %get3A_282 = vector.load %arg3[%get3A_278, %get3A_279, %get3A_280, %get3A_281] : memref<1x51x8x128xf32, #tpu.memory_space<vmem>>, vector<1x1x8x128xf32>
        %get3A_283 = vector.shape_cast %get3A_282 : vector<1x1x8x128xf32> to vector<8x128xf32>
        %gt3A_284 = arith.constant 0.000000e+00 : f32
        %gt3A_285 = vector.broadcast %gt3A_284 : f32 to vector<8x128xf32>
        %gt3A_286 = arith.cmpf ogt, %get3A_283, %gt3A_285 : vector<8x128xf32>
        %get3A_287 = arith.constant 0 : index
        %get3A_288 = arith.index_cast %sub3A_267 : i32 to index
        %get3A_289 = arith.constant 0 : index
        %get3A_290 = arith.constant 0 : index
        %get3A_291 = vector.load %arg6[%get3A_287, %get3A_288, %get3A_289, %get3A_290] : memref<1x51x8x128xf32, #tpu.memory_space<vmem>>, vector<1x1x8x128xf32>
        %get3A_292 = vector.shape_cast %get3A_291 : vector<1x1x8x128xf32> to vector<8x128xf32>
        %gt3A_293 = arith.constant 0.000000e+00 : f32
        %gt3A_294 = vector.broadcast %gt3A_293 : f32 to vector<8x128xf32>
        %gt3A_295 = arith.cmpf ogt, %get3A_292, %gt3A_294 : vector<8x128xf32>
        %le3A = vector.broadcast %convert_element_type3A_207 : f32 to vector<8x128xf32>
        %le3A_296 = arith.cmpf ole, %get3A_272, %le3A : vector<8x128xf32>
        %and3A_297 = arith.andi %gt3A_286, %le3A_296 : vector<8x128xi1>
        %jit3A_298 = arith.constant 1.000000e+00 : f32
        %jit3A_299 = arith.constant 0.000000e+00 : f32
        %broadcast_in_dim3A_300 = vector.broadcast %jit3A_298 : f32 to vector<8x128xf32>
        %broadcast_in_dim3A_301 = vector.broadcast %jit3A_299 : f32 to vector<8x128xf32>
        %select_n3A_302 = arith.select %and3A_297, %broadcast_in_dim3A_300, %broadcast_in_dim3A_301 : vector<8x128xi1>, vector<8x128xf32>
        %add3A_303 = arith.addf %while3A_241, %select_n3A_302 : vector<8x128xf32>
        %le3A_304 = vector.broadcast %convert_element_type3A_207 : f32 to vector<8x128xf32>
        %le3A_305 = arith.cmpf ole, %get3A_277, %le3A_304 : vector<8x128xf32>
        %and3A_306 = arith.andi %gt3A_295, %le3A_305 : vector<8x128xi1>
        %jit3A_307 = arith.constant 1.000000e+00 : f32
        %jit3A_308 = arith.constant 0.000000e+00 : f32
        %broadcast_in_dim3A_309 = vector.broadcast %jit3A_307 : f32 to vector<8x128xf32>
        %broadcast_in_dim3A_310 = vector.broadcast %jit3A_308 : f32 to vector<8x128xf32>
        %select_n3A_311 = arith.select %and3A_306, %broadcast_in_dim3A_309, %broadcast_in_dim3A_310 : vector<8x128xi1>, vector<8x128xf32>
        %add3A_312 = arith.addf %add3A_303, %select_n3A_311 : vector<8x128xf32>
        %le3A_313 = vector.broadcast %convert_element_type3A_208 : f32 to vector<8x128xf32>
        %le3A_314 = arith.cmpf ole, %get3A_272, %le3A_313 : vector<8x128xf32>
        %and3A_315 = arith.andi %gt3A_286, %le3A_314 : vector<8x128xi1>
        %jit3A_316 = arith.constant 1.000000e+00 : f32
        %jit3A_317 = arith.constant 0.000000e+00 : f32
        %broadcast_in_dim3A_318 = vector.broadcast %jit3A_316 : f32 to vector<8x128xf32>
        %broadcast_in_dim3A_319 = vector.broadcast %jit3A_317 : f32 to vector<8x128xf32>
        %select_n3A_320 = arith.select %and3A_315, %broadcast_in_dim3A_318, %broadcast_in_dim3A_319 : vector<8x128xi1>, vector<8x128xf32>
        %add3A_321 = arith.addf %while3A_242, %select_n3A_320 : vector<8x128xf32>
        %le3A_322 = vector.broadcast %convert_element_type3A_208 : f32 to vector<8x128xf32>
        %le3A_323 = arith.cmpf ole, %get3A_277, %le3A_322 : vector<8x128xf32>
        %and3A_324 = arith.andi %gt3A_295, %le3A_323 : vector<8x128xi1>
        %jit3A_325 = arith.constant 1.000000e+00 : f32
        %jit3A_326 = arith.constant 0.000000e+00 : f32
        %broadcast_in_dim3A_327 = vector.broadcast %jit3A_325 : f32 to vector<8x128xf32>
        %broadcast_in_dim3A_328 = vector.broadcast %jit3A_326 : f32 to vector<8x128xf32>
        %select_n3A_329 = arith.select %and3A_324, %broadcast_in_dim3A_327, %broadcast_in_dim3A_328 : vector<8x128xi1>, vector<8x128xf32>
        %add3A_330 = arith.addf %add3A_321, %select_n3A_329 : vector<8x128xf32>
        scf.yield %add3A_312, %add3A_330 : vector<8x128xf32>, vector<8x128xf32>
      }
      %reduce_sum3A_221 = vector.shape_cast %while3A_220#0 : vector<8x128xf32> to vector<1x8x128xf32>
      %reduce_sum3A_222 = arith.constant dense<0.000000e+00> : vector<1xf32>
      %reduce_sum3A_223 = vector.multi_reduction <add>, %reduce_sum3A_221, %reduce_sum3A_222 [1, 2] : vector<1x8x128xf32> to vector<1xf32>
      %reduce_sum3A_224 = vector.shape_cast %reduce_sum3A_223 : vector<1xf32> to vector<1x1x1xf32>
      %reduce_sum3A_225 = vector.extract %reduce_sum3A_224[0, 0, 0] : f32 from vector<1x1x1xf32>
      %reduce_sum3A_226 = vector.shape_cast %while3A_220#1 : vector<8x128xf32> to vector<1x8x128xf32>
      %reduce_sum3A_227 = arith.constant dense<0.000000e+00> : vector<1xf32>
      %reduce_sum3A_228 = vector.multi_reduction <add>, %reduce_sum3A_226, %reduce_sum3A_227 [1, 2] : vector<1x8x128xf32> to vector<1xf32>
      %reduce_sum3A_229 = vector.shape_cast %reduce_sum3A_228 : vector<1xf32> to vector<1x1x1xf32>
      %reduce_sum3A_230 = vector.extract %reduce_sum3A_229[0, 0, 0] : f32 from vector<1x1x1xf32>
      %ge3A = arith.cmpf oge, %reduce_sum3A_225, %convert_element_type3A_104 : f32
      %ge3A_231 = arith.cmpf oge, %reduce_sum3A_230, %convert_element_type3A_107 : f32
      %select_n3A_232 = arith.select %ge3A, %select_n3A_181, %scan3A_154 : i32
      %add3A_233 = arith.constant 1 : i32
      %add3A_234 = arith.addi %select_n3A_181, %add3A_233 : i32
      %select_n3A_235 = arith.select %ge3A, %scan3A_153, %add3A_234 : i32
      %select_n3A_236 = arith.select %ge3A_231, %select_n3A_206, %scan3A_156 : i32
      %add3A_237 = arith.constant 1 : i32
      %add3A_238 = arith.addi %select_n3A_206, %add3A_237 : i32
      %select_n3A_239 = arith.select %ge3A_231, %scan3A_155, %add3A_238 : i32
      scf.yield %select_n3A_235, %select_n3A_232, %select_n3A_239, %select_n3A_236 : i32, i32, i32, i32
    }
    %convert_element_type3A_116 = arith.sitofp %scan3A_115#0 : i32 to f32
    %sqrt3A = math.sqrt %convert_element_type3A_116 : f32
    %mul3A_117 = arith.mulf %sqrt3A, %sub3A_91 : f32
    %convert_element_type3A_118 = arith.sitofp %scan3A_115#2 : i32 to f32
    %sqrt3A_119 = math.sqrt %convert_element_type3A_118 : f32
    %mul3A_120 = arith.mulf %sqrt3A_119, %sub3A_89 : f32
    %add3A_121 = arith.addf %mul3A_117, %mul3A_120 : f32
    %gt3A = arith.constant 0 : i32
    %gt3A_122 = arith.cmpi sgt, %convert_element_type3A_11, %gt3A : i32
    %gt3A_123 = arith.constant 0 : i32
    %gt3A_124 = arith.cmpi sgt, %convert_element_type3A_23, %gt3A_123 : i32
    %and3A_125 = arith.andi %gt3A_122, %gt3A_124 : i1
    %get3A_126 = arith.constant 0 : index
    %get3A_127 = memref.load %arg16[%get3A_126] : memref<2xf32, #tpu.memory_space<smem>>
    %jit3A_128 = arith.constant 0.000000e+00 : f32
    %select_n3A_129 = arith.select %and3A_125, %add3A_121, %jit3A_128 : f32
    %add3A_130 = arith.addf %get3A_127, %select_n3A_129 : f32
    %swap3A = arith.constant 0 : index
    %swap3A_131 = memref.load %arg16[%swap3A] : memref<2xf32, #tpu.memory_space<smem>>
    memref.store %add3A_130, %arg16[%swap3A] : memref<2xf32, #tpu.memory_space<smem>>
    %get3A_132 = arith.constant 1 : index
    %get3A_133 = memref.load %arg16[%get3A_132] : memref<2xf32, #tpu.memory_space<smem>>
    %jit3A_134 = arith.constant 1.000000e+00 : f32
    %jit3A_135 = arith.constant 0.000000e+00 : f32
    %select_n3A_136 = arith.select %and3A_125, %jit3A_134, %jit3A_135 : f32
    %add3A_137 = arith.addf %get3A_133, %select_n3A_136 : f32
    %swap3A_138 = arith.constant 1 : index
    %swap3A_139 = memref.load %arg16[%swap3A_138] : memref<2xf32, #tpu.memory_space<smem>>
    memref.store %add3A_137, %arg16[%swap3A_138] : memref<2xf32, #tpu.memory_space<smem>>
    %get3A_140 = arith.constant 0 : index
    %get3A_141 = memref.load %arg16[%get3A_140] : memref<2xf32, #tpu.memory_space<smem>>
    %get3A_142 = arith.constant 1 : index
    %get3A_143 = memref.load %arg16[%get3A_142] : memref<2xf32, #tpu.memory_space<smem>>
    %gt3A_144 = arith.constant 0.000000e+00 : f32
    %gt3A_145 = arith.cmpf ogt, %get3A_143, %gt3A_144 : f32
    %div3A_146 = arith.divf %get3A_141, %get3A_143 : f32
    %jit3A_147 = arith.constant 0x7F800000 : f32
    %select_n3A_148 = arith.select %gt3A_145, %div3A_146, %jit3A_147 : f32
    %reshape3A = vector.broadcast %select_n3A_148 : f32 to vector<1x1xf32>
    %swap3A_149 = arith.constant 0 : index
    %swap3A_150 = arith.constant 0 : index
    %swap3A_151 = vector.load %arg13[%swap3A_149, %swap3A_150] : memref<1x1xf32, #tpu.memory_space<vmem>>, vector<1x1xf32>
    tpu.vector_store %arg13[%swap3A_149, %swap3A_150], %reshape3A {strides = array<i32>} : memref<1x1xf32, #tpu.memory_space<vmem>>, vector<1x1xf32>,
    return
  }
  func.func @transform_0(%arg0: i32) -> (i32, i32, i32, i32) {
    %c0_i32 = arith.constant 0 : i32
    %c0_i32_0 = arith.constant 0 : i32
    %c0_i32_1 = arith.constant 0 : i32
    %c0_i32_2 = arith.constant 0 : i32
    return %arg0, %c0_i32, %c0_i32_0, %c0_i32_1 : i32, i32, i32, i32
  }
  func.func @transform_1(%arg0: i32) -> (i32, i32, i32, i32) {
    %c0_i32 = arith.constant 0 : i32
    %c0_i32_0 = arith.constant 0 : i32
    %c0_i32_1 = arith.constant 0 : i32
    %c0_i32_2 = arith.constant 0 : i32
    return %arg0, %c0_i32, %c0_i32_0, %c0_i32_1 : i32, i32, i32, i32
  }
  func.func @transform_2(%arg0: i32) -> (i32, i32, i32, i32) {
    %c0_i32 = arith.constant 0 : i32
    %c0_i32_0 = arith.constant 0 : i32
    %c0_i32_1 = arith.constant 0 : i32
    %c0_i32_2 = arith.constant 0 : i32
    return %arg0, %c0_i32, %c0_i32_0, %c0_i32_1 : i32, i32, i32, i32
  }
  func.func @transform_3(%arg0: i32) -> (i32, i32, i32, i32) {
    %c0_i32 = arith.constant 0 : i32
    %c0_i32_0 = arith.constant 0 : i32
    %c0_i32_1 = arith.constant 0 : i32
    %c0_i32_2 = arith.constant 0 : i32
    return %arg0, %c0_i32, %c0_i32_0, %c0_i32_1 : i32, i32, i32, i32
  }
  func.func @transform_4(%arg0: i32) -> (i32, i32, i32, i32) {
    %c0_i32 = arith.constant 0 : i32
    %c0_i32_0 = arith.constant 0 : i32
    %c0_i32_1 = arith.constant 0 : i32
    %c0_i32_2 = arith.constant 0 : i32
    return %arg0, %c0_i32, %c0_i32_0, %c0_i32_1 : i32, i32, i32, i32
  }
  func.func @transform_5(%arg0: i32) -> (i32, i32, i32, i32) {
    %c0_i32 = arith.constant 0 : i32
    %c0_i32_0 = arith.constant 0 : i32
    %c0_i32_1 = arith.constant 0 : i32
    %c0_i32_2 = arith.constant 0 : i32
    return %arg0, %c0_i32, %c0_i32_0, %c0_i32_1 : i32, i32, i32, i32
  }
  func.func @transform_6(%arg0: i32) -> (i32, i32, i32, i32) {
    %c0_i32 = arith.constant 0 : i32
    %c0_i32_0 = arith.constant 0 : i32
    %c0_i32_1 = arith.constant 0 : i32
    %c0_i32_2 = arith.constant 0 : i32
    return %arg0, %c0_i32, %c0_i32_0, %c0_i32_1 : i32, i32, i32, i32
  }
  func.func @transform_7(%arg0: i32) -> (i32, i32, i32, i32) {
    %c0_i32 = arith.constant 0 : i32
    %c0_i32_0 = arith.constant 0 : i32
    %c0_i32_1 = arith.constant 0 : i32
    %c0_i32_2 = arith.constant 0 : i32
    return %arg0, %c0_i32, %c0_i32_0, %c0_i32_1 : i32, i32, i32, i32
  }
  func.func @transform_8(%arg0: i32) -> (i32, i32, i32, i32) {
    %c0_i32 = arith.constant 0 : i32
    %c0_i32_0 = arith.constant 0 : i32
    %c0_i32_1 = arith.constant 0 : i32
    %c0_i32_2 = arith.constant 0 : i32
    return %arg0, %c0_i32, %c0_i32_0, %c0_i32_1 : i32, i32, i32, i32
  }
  func.func @transform_9(%arg0: i32) -> (i32, i32, i32, i32) {
    %c0_i32 = arith.constant 0 : i32
    %c0_i32_0 = arith.constant 0 : i32
    %c0_i32_1 = arith.constant 0 : i32
    %c0_i32_2 = arith.constant 0 : i32
    return %arg0, %c0_i32, %c0_i32_0, %c0_i32_1 : i32, i32, i32, i32
  }
  func.func @transform_10(%arg0: i32) -> (i32, i32, i32, i32) {
    %c0_i32 = arith.constant 0 : i32
    %c0_i32_0 = arith.constant 0 : i32
    %c0_i32_1 = arith.constant 0 : i32
    %c0_i32_2 = arith.constant 0 : i32
    return %arg0, %c0_i32, %c0_i32_0, %c0_i32_1 : i32, i32, i32, i32
  }
  func.func @transform_11(%arg0: i32) -> (i32, i32, i32, i32) {
    %c0_i32 = arith.constant 0 : i32
    %c0_i32_0 = arith.constant 0 : i32
    %c0_i32_1 = arith.constant 0 : i32
    %c0_i32_2 = arith.constant 0 : i32
    return %arg0, %c0_i32, %c0_i32_0, %c0_i32_1 : i32, i32, i32, i32
  }
  func.func @transform_12(%arg0: i32) -> (i32, i32) {
    %c0_i32 = arith.constant 0 : i32
    %c0_i32_0 = arith.constant 0 : i32
    %c0_i32_1 = arith.constant 0 : i32
    return %c0_i32, %c0_i32_0 : i32, i32
  }
}

</mosaic_0001>

<sc_bundles>
// kernel: gather_offload_async_start.1
scs
__scs_entry_jumppad:
0x0: {  	(pc) =	sbr.rel $0x88, $3  }
0x1: {  	(tag) =	ssettag $0x0;
	lr =	simm.s32 $0x1  }
0x2: {  	[smem:$0x3F9F] =	sst lr;
	_ =	strace $0xD0000000  }
0x3: {  	_ = 	snop  }
0x4: {  	_ = 	snop  }
0x5: {  	_ = 	snop  }
0x6: {  	_ = 	snop  }
0x7: {  	_ = 	snop  }
__scs_overlays_trampoline_lowered:
0x8: {  	[smem:$0x3FAE] =	sst s0  }
0x9: {  	[smem:$0x3FAF] =	sst s1  }
0xa: {  	[smem:$0x3FB0] =	sst s2  }
0xb: {  	[smem:$0x3FB1] =	sst s3  }
0xc: {  	[smem:$0x3FB2] =	sst s4  }
0xd: {  	[smem:$0x3FB3] =	sst s5  }
0xe: {  	[smem:$0x3FB4] =	sst s6  }
0xf: {  	[smem:$0x3FB5] =	sst s7  }
0x10: {  	[smem:$0x3FB6] =	sst s8  }
0x11: {  	[smem:$0x3FB7] =	sst s9;
	s0 =	simm.s32 @!p0 $0x0  }
0x12: {  	s1 =	sld [smem:$0x3F9D];
	s0 =	simm.s32 @p0 $0x1  }
0x13: {  	[smem:$0x3FB8] =	sst s0;
	s0 =	simm.s32 @!p1 $0x0  }
0x14: {  	s2 =	sld [smem:$0x3F9C];
	s0 =	simm.s32 @p1 $0x1  }
0x15: {  	[smem:$0x3FB9] =	sst s0;
	s0 =	simm.s32 @!p2 $0x0  }
0x16: {  	s3 =	sld [smem:$0x3FDB];
	s0 =	simm.s32 @p2 $0x1  }
0x17: {  	s4 =	simm.s32 $0x1BF5;
	[smem:$0x3FBB] =	sst s0  }
0x18: {  	s0 =	sld [smem:$0x3F9E];
	_ =	swait.ge [sflag:s4], $0x0  }
0x19: {  	s7 =	sld [smem:$0x3F9F]  }
0x1a: {  	s8 =	sadd.s32 $0xFFFFE003, lr  }
0x1b: {  	s9 =	sadd.s32 $0xFFFFFEF7, lr;
	s5 =	simm.s32 $0xFFFFFFFF;
	p2 =	slt.u32 s8, $0xFFFFF086  }
0x1c: {  	p1 =	slt.u32 s9, $0xF7A;
	s5 =	simm.s32 @!p2 $0x0  }
0x1d: {  	s5 =	simm.s32 @p1 $0x1;
	p0 =	seq.s32 s7, s2  }
0x1e: {  	s7 =	smul.u32 @!p0 $0xF7A, s2;
	p2 =	seq.s32 @!p0 s5, $0x0  }
0x1f: {  	s9 =	smul.u32 $0xF7A, s1;
	s8 =	simm.s32 @!p0 $0x1BF5;
	p2 =	por !p2, p0  }
0x20: {  	[sflag:s8] =	ssyncset.s32 @!p0 $0xFFFFF086;
	s6 =	sadd.s32 @!p0 s3, s7;
	s7 =	simm.s32 @!p0 $0x108  }
0x21: {  	s3 =	sadd.s32 s3, s9;
	s6 =	sadd.s32 @!p0 $0x88, s6;
	s7 =	simm.s32 @p2 $0x1082  }
0x22: {  	[simem:s7], [sflag:s8] =	dma.local @!p0 [hbm:s6], $0xF7A  }
0x23: {  	s9 =	sor.u32 $0xD0000000, s2;
	s6 =	simm.s32 $0x108;
	_ =	swait.ge @!p0 [sflag:s8], $0x0  }
0x24: {  	s3 =	sadd.s32 $0x88, s3;
	s6 =	simm.s32 @!p1 $0x1082;
	[sflag:s4] =	ssyncset.s32 $0xFFFFF086  }
0x25: {  	[simem:s6], [sflag:s4] =	dma.local [hbm:s3], $0xF7A  }
0x26: {  	[smem:$0x3F9F] =	sst s1;
	(tag) =	ssettag s2;
	_ =	strace s9  }
0x27: {  	s1 =	sld [smem:$0x3FAF]  }
0x28: {  	s2 =	sld [smem:$0x3FB0]  }
0x29: {  	s4 =	sld [smem:$0x3FB2]  }
0x2a: {  	p0 =	seq.s32 s5, $0x0;
	s5 =	sld [smem:$0x3FB3]  }
0x2b: {  	s6 =	sld [smem:$0x3FB4]  }
0x2c: {  	s7 =	sld [smem:$0x3FB5]  }
0x2d: {  	s3 =	simm.s32 $0x108;
	s8 =	sld [smem:$0x3FB6]  }
0x2e: {  	s3 =	simm.s32 @!p0 $0x1082;
	s9 =	sld [smem:$0x3FB7]  }
0x2f: {  	lr =	sadd.s32 s0, s3;
	s0 =	sld [smem:$0x3FAE]  }
0x30: {  	s3 =	sld [smem:$0x3FB1]  }
0x31: {  	[smem:$0x3FBA] =	sst s10  }
0x32: {  	s10 =	sld [smem:$0x3FB8];
	_ =	sdelay $0x3  }
0x33: {  	p0 =	seq.s32 s10, $0x1;
	s10 =	sld [smem:$0x3FBA];
	_ =	sdelay $0x3  }
0x34: {  	[smem:$0x3FBA] =	sst s10  }
0x35: {  	s10 =	sld [smem:$0x3FB9];
	_ =	sdelay $0x3  }
0x36: {  	p1 =	seq.s32 s10, $0x1;
	s10 =	sld [smem:$0x3FBA];
	_ =	sdelay $0x3  }
0x37: {  	[smem:$0x3FBA] =	sst s10  }
0x38: {  	s10 =	sld [smem:$0x3FBB]  }
0x39: {  	_ = 	snop;
	(pc) =	sbr.ind lr, $3  }
0x3a: {  	_ = 	snop  }
0x3b: {  	_ = 	snop  }
0x3c: {  	p2 =	seq.s32 s10, $0x1;
	s10 =	sld [smem:$0x3FBA]  }
0x3d: {  	_ =	shalt  }
0x3e: {  	_ =	shalt  }
0x3f: {  	_ =	shalt  }
0x40: {  	_ =	shalt  }
0x41: {  	_ =	shalt  }
0x42: {  	_ =	shalt  }
0x43: {  	_ =	shalt  }
0x44: {  	_ =	shalt  }
0x45: {  	_ =	shalt  }
0x46: {  	_ =	shalt  }
0x47: {  	_ =	shalt  }
0x48: {  	_ =	shalt  }
0x49: {  	_ =	shalt  }
0x4a: {  	_ =	shalt  }
0x4b: {  	_ =	shalt  }
0x4c: {  	_ =	shalt  }
0x4d: {  	_ =	shalt  }
0x4e: {  	_ =	shalt  }
0x4f: {  	_ =	shalt  }
0x50: {  	_ =	shalt  }
0x51: {  	_ =	shalt  }
0x52: {  	_ =	shalt  }
0x53: {  	_ =	shalt  }
0x54: {  	_ =	shalt  }
0x55: {  	_ =	shalt  }
0x56: {  	_ =	shalt  }
0x57: {  	_ =	shalt  }
0x58: {  	_ =	shalt  }
0x59: {  	_ =	shalt  }
0x5a: {  	_ =	shalt  }
0x5b: {  	_ =	shalt  }
0x5c: {  	_ =	shalt  }
0x5d: {  	_ =	shalt  }
0x5e: {  	_ =	shalt  }
0x5f: {  	_ =	shalt  }
0x60: {  	_ =	shalt  }
0x61: {  	_ =	shalt  }
0x62: {  	_ =	shalt  }
0x63: {  	_ =	shalt  }
0x64: {  	_ =	shalt  }
0x65: {  	_ =	shalt  }
0x66: {  	_ =	shalt  }
0x67: {  	_ =	shalt  }
0x68: {  	_ =	shalt  }
0x69: {  	_ =	shalt  }
0x6a: {  	_ =	shalt  }
0x6b: {  	_ =	shalt  }
0x6c: {  	_ =	shalt  }
0x6d: {  	_ =	shalt  }
0x6e: {  	_ =	shalt  }
0x6f: {  	_ =	shalt  }
0x70: {  	_ =	shalt  }
0x71: {  	_ =	shalt  }
0x72: {  	_ =	shalt  }
0x73: {  	_ =	shalt  }
0x74: {  	_ =	shalt  }
0x75: {  	_ =	shalt  }
0x76: {  	_ =	shalt  }
0x77: {  	_ =	shalt  }
0x78: {  	_ =	shalt  }
0x79: {  	_ =	shalt  }
0x7a: {  	_ =	shalt  }
0x7b: {  	_ =	shalt  }
0x7c: {  	_ =	shalt  }
0x7d: {  	_ =	shalt  }
0x7e: {  	_ =	shalt  }
0x7f: {  	_ =	shalt  }
0x80: {  	_ =	shalt  }
0x81: {  	_ =	shalt  }
0x82: {  	_ =	shalt  }
0x83: {  	_ =	shalt  }
0x84: {  	_ =	shalt  }
0x85: {  	_ =	shalt  }
0x86: {  	_ =	shalt  }
0x87: {  	_ =	shalt  }
.Lfunc_end0:
.L_simem_size_0:
called_computation.1_lowered:
.L_overlay_start_0:
0x88: {  	s2 =	sld [smem:$0x3FD9]  }
0x89: {  	s3 =	sld [smem:$0x3FFE];
	_ =	sdelay $0x1  }
0x8a: {  	s1 =	srdreg.scid  }
0x8b: {  	s0 =	sand.u32 $0x1, s1  }
0x8c: {  	s16 =	sshll.u32 s0, $0xA;
	s2 =	sadd.s32 s3, s2  }
0x8d: {  	s2 =	sadd.s32 s2, s16  }
0x8e: {  	[smem:$0x3FC6] =	sst s2  }
0x8f: {  	_ = 	snop  }
0x90: {  	(tm) =	ssettm $0x1  }
0x91: {  	s17 =	sld [smem:$0x3FFB];
	_ =	sdelay $0x3  }
0x92: {  	_ =	strace s17  }
0x93: {  	s2 =	sld [smem:$0x3FFC];
	_ =	sdelay $0x3  }
0x94: {  	_ =	strace s2  }
0x95: {  	s2 =	sld [smem:$0x3FFD];
	_ =	sdelay $0x3  }
0x96: {  	_ =	strace s2  }
0x97: {  	_ =	strace $0x8FFFFFFF  }
0x98: {  	s18 =	sld [smem:$0x3FDB];
	_ =	sdelay $0x1  }
0x99: {  	s19 =	simm.s32 $_scs_section_size  }
0x9a: {  	s4 =	simm.s32 $_size__tile_overlayer_lowered;
	s5 =	simm.s32 $_tile_overlayer_lowered  }
0x9b: {  	s22 =	simm.s32 $0x1BFF;
	s21 =	sshll.u32 s5, $0x1;
	s2 =	sadd.s32 s19, s18  }
0x9c: {  	s6 =	simm.s32 $0x0;
	s20 =	sshll.u32 s4, $0x1;
	s4 =	sadd.s32 s21, s2  }
0x9d: {  	[timem:s6], [sflag:s22] =	dma.local [hbm:s4], s20  }
0x9e: {  	_ =	swait.ge [sflag:s22], s20  }
0x9f: {  	s3 =	ssub.s32 $0x0, s20;
	[sflag:s22] =	ssyncset.done $0x0  }
0xa0: {  	[sflag:s22] =	ssyncadd.s32 s3;
	_ =	sdelay $0x1  }
0xa1: {  	s23 =	simm.s32 $0x1B8B  }
0xa2: {  	_ =	swait.ge [sflag:s23], $0x1  }
0xa3: {  	[sflag:s23] =	ssyncset.done $0x0  }
0xa4: {  	s25 =	simm.s32 $0x1B8E;
	s24 =	sld [smem:$0x3FFE];
	[sflag:s23] =	ssyncadd.s32 $0xFFFFFFFF  }
0xa5: {  	s26 =	simm.s32 $execute0_lowered;
	[smem:$0x3FD2] =	sst s25  }
0xa6: {  	s4 =	sshll.u32 s26, $0x1;
	_ =	strace $0x80000049;
	[dreg:$0x1] =	wrdreg $0xFFFFFFFF  }
0xa7: {  	s28 =	simm.s32 $_size_execute0_lowered;
	s2 =	sadd.s32 s2, s4;
	[dreg:$0x0] =	wrdreg $0x0  }
0xa8: {  	s4 =	sshll.u32 s28, $0x1;
	[dreg:$0x2] =	wrdreg s2  }
0xa9: {  	[dreg:$0x3] =	wrdreg s4  }
0xaa: {  	[dreg:$0x4] =	wrdreg $0xC0  }
0xab: {  	_ =	task [dreg:s6], $0x5FFFF  }
0xac: {  	[dreg:$0x1] =	wrdreg $0xFFFFFFFF  }
0xad: {  	[dreg:$0x0] =	wrdreg $0x60  }
0xae: {  	[dreg:$0x2] =	wrdreg s24  }
0xaf: {  	[dreg:$0x3] =	wrdreg $0x9  }
0xb0: {  	_ =	task.clear_ibuf [dreg:s6], $0x4FFFF;
	_ =	strace $0x90000049  }
0xb1: {  	s29 =	simm.s32 $0x9;
	_ =	strace $0x8000004B  }
0xb2: {  	_ =	swait.ge [sflag:s29], $0x1  }
0xb3: {  	[sflag:s29] =	ssyncadd.s32 $0xFFFFFFFF  }
0xb4: {  	_ =	strace $0x9000004B  }
0xb5: {  	_ =	sfence  }
0xb6: {  	s30 =	sld [smem:$0x0];
	_ =	sdelay $0x2  }
0xb7: {  	s31 =	sshll.u32 s1, $0xD;
	s1 =	sshrl.u32 s1, $0x2  }
0xb8: {  	s3 =	sand.u32 $0x4000, s31;
	s1 =	sadd.s32 s1, s30  }
0xb9: {  	s0 =	sor.u32 s3, s0;
	s1 =	sshll.u32 s1, $0x11  }
0xba: {  	s0 =	sor.u32 s1, s0  }
0xbb: {  	s0 =	sadd.s32 $0x8F2B, s0  }
0xbc: {  	[sflag:s0] =	ssyncadd.remote.s32 $0x1  }
0xbd: {  	_ =	sfence.sel $0xFFFF  }
0xbe: {  	[dreg:$0x0] =	wrdreg $0xFFFFFFFF;
	(pc) =	sbr.abs _section_cstart, $3  }
0xbf: {  	[dreg:$0x1] =	wrdreg $0xFFFFFFFF  }
0xc0: {  	_ =	task.clear_ibuf [dreg:s6], $0x2FFFF;
	_ =	strace $0x9FFFFFFF  }
0xc1: {  	(tm) =	ssettm $0x7FFFFFFF  }
tec
execute0_lowered:
.L_overlay_start_1:
0x0: {  	(tag) =	ssettag $0x1  }
0x1: {  	s0 =	srdreg.scid  }
0x2: {  	s1 =	sshll.u32 s0, $0x4  }
0x3: {  	s0 =	stileid.u32;
	s1 =	sand.u32 $0x10, s1  }
0x4: {  	s1 =	sor.u32 s0, s1  }
0x5: {  	s2 =	smin.u32 s1, $0x1C  }
0x6: {  	p0 =	slt.u32 s1, $0x1C;
	s1 =	simm.s32 $0xE00;
	s2 =	smul.u32 $0xE00, s2  }
0x7: {  	s1 =	simm.s32 @!p0 $0x0  }
0x8: {  	s1 =	sadd.s32 s1, s2  }
0x9: {  	s9 =	rddreg [dreg:$0x0];
	s3 =	smin.u32 s1, $0x18800  }
0xa: {  	s11 =	simm.s32 $0x1;
	s6 =	simm.s32 $0x2;
	s7 =	ssub.s32 s3, s2  }
0xb: {  	s31 =	simm.s32 $0x4;
	s12 =	simm.s32 $0xFFFFF200;
	p0 =	sgt.s32 s7, $0x0  }
0xc: {  	s13 =	simm.s32 $0xFFFFFFFF;
	s14 =	simm.s32 $0xFFFFEC00;
	s7 =	simm.s32 @!p0 $0x0  }
0xd: {  	s15 =	simm.s32 $0xFFFFFFFE;
	s19 =	simm.s32 $0x0;
	s8 =	smulhi.u32 $0x124925, s7  }
0xe: {  	s16 =	simm.s32 $0x0;
	s18 =	simm.s32 $0x0;
	s4 =	sadd.s32 $0x1E00, s9  }
0xf: {  	s5 =	sadd.s32 $0x3800, s9;
	s9 =	sadd.s32 $0x10A00, s9;
	s10 =	smul.u32 $0xE00, s8  }
.Ltmp0:
0x10: {  	s1 =	rddreg [dreg:$0x1];
	_ =	strace $0x8000004A;
	(pc) =	sbr.rel .LBB2_1-.Ltmp0, $4  }
0x11: {  	s17 =	smov.u32 s2;
	[sflag:s11] =	ssyncpa.u1 $0x0;
	p0 =	sne.s32 s7, s10  }
0x12: {  	[sflag:s6] =	ssyncpa.u1 $0x0;
	s7 =	simm.s32 $0x3;
	s11 =	simm.s32 @!p0 $0x0  }
0x13: {  	[sflag:s7] =	ssyncpa.u1 $0x0;
	p0 =	por $0x0, $0x0;
	s8 =	sadd.s32 s11, s8  }
0x14: {  	v0 =	vlaneseq.u32;
	vm0 =	vmmov $0xffff;
	[sflag:s31] =	ssyncpa.u1 $0x0;
	s11 =	simm.s32 $0x0;
	s10 =	sadd.s32 $0x2, s8  }
.LBB2_9:
0x15: {  	p1 =	slt.u32 s18, $0x3  }
0x16: {  	s19 =	simm.s32 @!p1 $0x4  }
0x17: {  	_ =	swait.ge @!p1 [sflag:s19], $0x380  }
0x18: {  	[sflag:s19] =	ssyncset.done @!p1 $0x0  }
0x19: {  	[sflag:s19] =	ssyncadd.s32 @!p1 $0xFFFFFC80;
	p1 =	sne.s32 s18, s10  }
.Ltmp1:
0x1a: {  	s20 =	sadd.s32 $0xE00, s17;
	s21 =	smov.u32 s2;
	(pc) =	sbr.rel @!p1 .LBB2_10-.Ltmp1, $4  }
0x1b: {  	s31 =	sadd.s32 $0x1, s18;
	s12 =	sadd.s32 $0xE00, s12;
	s13 =	sadd.s32 $0x1, s13  }
0x1c: {  	p0 =	por !p0, !p0;
	s14 =	sadd.s32 $0xE00, s14;
	p2 =	slt.s32 s20, s3  }
0x1d: {  	s15 =	sadd.s32 $0x1, s15;
	s21 =	smov.u32 @p2 s20;
	s19 =	smov.u32 s16  }
0x1e: {  	s16 =	smov.u32 s17;
	s17 =	smov.u32 s21;
	s18 =	smov.u32 s31  }
.LBB2_1:
0x1f: {  	p1 =	sge.u32 s18, s8  }
0x20: {  	s20 =	smulhi.u32 @!p1 $0xAAAAAAAB, s18;
	_ =	sdelay $0x1  }
0x21: {  	s20 =	sshrl.u32 @!p1 s20, $0x1  }
0x22: {  	s20 =	smul.u32 @!p1 $0x3, s20;
	_ =	sdelay $0x1  }
0x23: {  	s20 =	ssub.s32 @!p1 s18, s20  }
0x24: {  	s20 =	smul.u32 @!p1 $0x3800, s20  }
0x25: {  	s21 =	sshrl.u32 @!p1 s17, $0x3  }
0x26: {  	s22 =	sand.u32 @!p1 $0x7, s17;
	s21 =	sadd.s32 @!p1 s5, s21;
	s20 =	sshrl.u32 @!p1 s20, $0x2  }
0x27: {  	[tilespmem:s20], [sflag:$0x2] =	stream.linear.gather @!p1 [hbm4b:s21+s22], $0xE00, $0x38;
	[tilespmem:$0x4D00] =	vst v63  }
0x28: {  	s21 =	sadd.s32 $0xFFFFFFFF, s18  }
0x29: {  	p1 =	sge.u32 s21, s8  }
.Ltmp2:
0x2a: {  	_ = 	snop;
	(pc) =	sbr.rel @p1 .LBB2_5-.Ltmp2, $1  }
0x2b: {  	_ =	sdelay $0x3  }
0x2c: {  	s20 =	smulhi.u32 $0xAAAAAAAB, s13;
	_ =	sdelay $0x1  }
0x2d: {  	s20 =	sshrl.u32 s20, $0x1  }
0x2e: {  	s20 =	smul.u32 $0xFFFF5800, s20;
	_ =	sdelay $0x1  }
0x2f: {  	_ =	swait.ge [sflag:s6], $0xE00;
	s20 =	sshra.s32 s20, $0x2  }
0x30: {  	s22 =	ssub.s32 $0x18800, s16;
	[sflag:s6] =	ssyncset.done $0x0;
	s20 =	sadd.s32 s20, s12  }
0x31: {  	p1 =	slt.s32 s22, $0xE00;
	[sflag:s6] =	ssyncadd.s32 $0xFFFFF200;
	(ifvalue) =	ssetifvalue $0x7FFFFFFF;
	v1 =	vld.msk [tilespmem:s20+$0x0 ss:$0x1], $0xffff  }
0x32: {  	s22 =	simm.s32 @!p1 $0xE00  }
0x33: {  	p1 =	sgt.s32 s22, $0x0  }
0x34: {  	s23 =	sadd.s32 $0xFFFFFFF0, s22;
	s22 =	simm.s32 @!p1 $0x0  }
0x35: {  	p1 =	sgt.s32 s23, $0x0;
	s22 =	smin.u32 s22, $0x10  }
0x36: {  	s24 =	sadd.s32 $0xFFFFFFF0, s23;
	s23 =	simm.s32 @!p1 $0x0;
	v2 =	vmov s22;
	s30 =	sadd.s32 $0x10, s20;
	vm1 =	veq.s32 v1, $0x80000000;
	v3 =	vand.u32 $0x1, v1  }
0x37: {  	s23 =	smin.u32 s23, $0x10;
	vm3 =	vgt.u32 v2, v0;
	v2 =	vld.msk [tilespmem:s30+$0x0 ss:$0x1], $0xffff;
	v1 =	vshll.u32 v1, $0x1;
	v3 =	vsel vm1, $0xFFFFFFFF, v3  }
0x38: {  	v4 =	vmov s23;
	v1 =	vand.u32 $0x3FFFC, v1;
	v5 =	vshrl.u32 v3, $0x2  }
0x39: {  	vm2 =	vgt.u32 v4, v0;
	v1 =	vsel vm1, $0xFFFFFFFC, v1;
	v5 =	vmul.u32 $0x31000, v5  }
0x3a: {  	vm2 =	vmmov vm2;
	v3 =	vand.u32 $0x3, v3;
	v4 =	vand.u32 $0xFFFFFE00, v1  }
0x3b: {  	vm1 =	vmmov vm3;
	v1 =	vand.u32 $0x1FC, v1;
	v4 =	vadd.s32 v4, v5  }
0x3c: {  	p1 =	sgt.s32 s24, $0x0;
	s23 =	smov.u32 s24;
	vm3 =	veq.s32 v2, $0x80000000;
	[tilespmem:s20+$0x0] =	vst v3;
	s20 =	sadd.s32 $0x10, s30;
	v5 =	vand.u32 $0x1, v2;
	v1 =	vor.u32 v1, v4  }
0x3d: {  	s25 =	sadd.s32 $0xFFFFFFF0, s24;
	s23 =	simm.s32 @!p1 $0x0;
	(ifvalue) =	ssetifvalue $0x7FFFFFFF;
	v2 =	vshll.u32 v2, $0x1;
	v4 =	vld.msk [tilespmem:s20+$0x0 ss:$0x1], $0xffff;
	v5 =	vsel vm3, $0xFFFFFFFF, v5;
	v1 =	vshrl.u32 v1, $0x2  }
0x3e: {  	s24 =	smov.u32 s25;
	p1 =	sgt.s32 s25, $0x0;
	s23 =	smin.u32 s23, $0x10;
	v2 =	vand.u32 $0x3FFFC, v2;
	v6 =	vshrl.u32 v5, $0x2;
	v1 =	vnsel vm1, $0x7FFFFFFF, v1  }
0x3f: {  	s21 =	sand.u32 $0x1, s21;
	s24 =	simm.s32 @!p1 $0x0;
	v3 =	vmov s23;
	v7 =	vsel vm3, $0xFFFFFFFC, v2;
	v6 =	vmul.u32 $0x31000, v6  }
0x40: {  	p1 =	seq.s32 s21, $0x1;
	s31 =	smin.u32 s24, $0x10;
	s23 =	simm.s32 $0x3800;
	v5 =	vand.u32 $0x3, v5;
	vm1 =	vgt.u32 v3, v0;
	v3 =	vand.u32 $0xFFFFFE00, v7  }
0x41: {  	s25 =	sadd.s32 $0xFFFFFFF0, s25;
	s23 =	simm.s32 @!p1 $0x2A00;
	s21 =	sadd.s32 $0x10, s20;
	v2 =	vmov s31;
	[tilespmem:s30+$0x0] =	vst v5;
	v7 =	vand.u32 $0x1FC, v7;
	v5 =	vadd.s32 v3, v6  }
0x42: {  	s24 =	simm.s32 $0x30;
	s22 =	sadd.s32 $0x10, s23;
	(ifvalue) =	ssetifvalue $0x7FFFFFFF;
	v3 =	vld.msk [tilespmem:s21+$0x0 ss:$0x1], $0xffff;
	vm3 =	veq.s32 v4, $0x80000000;
	v6 =	vand.u32 $0x1, v4;
	v5 =	vor.u32 v7, v5  }
.LBB2_3:
0x43: {  	[tilespmem:s23], [sflag:$0x3] =	stream.indirect_vreg.gather [hbm4b:s4+s11], $0x1, v1, vm0, $0x4038;
	[tilespmem:$0x4D00] =	vst v63  }
0x44: {  	p1 =	sgt.s32 s25, $0x0;
	s24 =	sadd.s32 $0x10, s24;
	s26 =	smov.u32 s25  }
0x45: {  	v6 =	vsel vm3, $0xFFFFFFFF, v6;
	v4 =	vshll.u32 v4, $0x1;
	v5 =	vshrl.u32 v5, $0x2;
	s26 =	simm.s32 @!p1 $0x0;
	p1 =	slt.u32 s24, $0xDF0  }
.Ltmp3:
0x46: {  	v7 =	vshrl.u32 v6, $0x2;
	v4 =	vand.u32 $0x3FFFC, v4;
	v1 =	vnsel vm2, $0x7FFFFFFF, v5;
	(pc) =	sbr.rel @p1 .LBB2_3-.Ltmp3, $4  }
0x47: {  	s23 =	smov.u32 s22;
	v5 =	vand.u32 $0x3, v6;
	v6 =	vmul.u32 $0x31000, v7;
	v4 =	vsel vm3, $0xFFFFFFFC, v4  }
0x48: {  	vm2 =	vmmov vm1;
	vm1 =	vgt.u32 v2, v0;
	s26 =	smin.u32 s26, $0x10;
	v7 =	vand.u32 $0xFFFFFE00, v4;
	[tilespmem:s20+$0x0] =	vst v5;
	s20 =	smov.u32 s21  }
0x49: {  	v2 =	vmov s26;
	s21 =	sadd.s32 $0x10, s21;
	v5 =	vadd.s32 v7, v6;
	v7 =	vand.u32 $0x1FC, v4;
	(ifvalue) =	ssetifvalue $0x7FFFFFFF  }
0x4a: {  	s25 =	sadd.s32 $0xFFFFFFF0, s25;
	s22 =	sadd.s32 $0x10, s22;
	vm3 =	veq.s32 v3, $0x80000000;
	v6 =	vand.u32 $0x1, v3;
	v5 =	vor.u32 v7, v5;
	v4 =	vmovc v3;
	v3 =	vld.msk [tilespmem:s21+$0x0 ss:$0x1], $0xffff  }
0x4b: {  	_ =	sdelay $0x1  }
0x4c: {  	v4 =	vshll.u32 v4, $0x1;
	v6 =	vsel vm3, $0xFFFFFFFF, v6  }
0x4d: {  	v5 =	vshrl.u32 v5, $0x2;
	vm1 =	vmmov vm1;
	v4 =	vand.u32 $0x3FFFC, v4  }
0x4e: {  	v4 =	vsel vm3, $0xFFFFFFFC, v4;
	vm3 =	veq.s32 v3, $0x80000000;
	v7 =	vand.u32 $0x1, v3  }
0x4f: {  	v8 =	vshrl.u32 v6, $0x2;
	v3 =	vshll.u32 v3, $0x1;
	v7 =	vsel vm3, $0xFFFFFFFF, v7  }
0x50: {  	v8 =	vmul.u32 $0x31000, v8;
	v3 =	vand.u32 $0x3FFFC, v3;
	v9 =	vshrl.u32 v7, $0x2  }
0x51: {  	v3 =	vsel vm3, $0xFFFFFFFC, v3;
	vm3 =	vgt.u32 v2, v0;
	v2 =	vand.u32 $0xFFFFFE00, v4  }
0x52: {  	v4 =	vand.u32 $0x1FC, v4;
	v9 =	vmul.u32 $0x31000, v9;
	v2 =	vadd.s32 v2, v8  }
0x53: {  	v5 =	vnsel vm2, $0x7FFFFFFF, v5;
	v61 =	vand.u32 $0xFFFFFE00, v3;
	v2 =	vor.u32 v4, v2  }
0x54: {  	v3 =	vand.u32 $0x1FC, v3;
	v62 =	vadd.s32 v61, v9;
	v2 =	vshrl.u32 v2, $0x2  }
0x55: {  	v3 =	vor.u32 v3, v62;
	v2 =	vnsel vm1, $0x7FFFFFFF, v2  }
0x56: {  	[tilespmem:s23], [sflag:$0x3] =	stream.indirect_vreg.gather [hbm4b:s4+s11], $0x1, v1, vm0, $0x4038;
	v63 =	vand.u32 $0x3, v6;
	vm1 =	vmmov vm3;
	v1 =	vshrl.u32 v3, $0x2;
	[tilespmem:$0x4D00] =	vst v63  }
0x57: {  	[tilespmem:s20+$0x0] =	vst v63;
	(ifvalue) =	ssetifvalue $0x7FFFFFFF;
	v1 =	vnsel vm1, $0x7FFFFFFF, v1  }
0x58: {  	[tilespmem:s22], [sflag:$0x3] =	stream.indirect_vreg.gather [hbm4b:s4+s11], $0x1, v5, vm0, $0x4038;
	v3 =	vand.u32 $0x3, v7;
	[tilespmem:$0x4D00] =	vst v63  }
0x59: {  	s31 =	sadd.s32 $0x10, s22;
	[tilespmem:s21+$0x0] =	vst v3;
	(ifvalue) =	ssetifvalue $0x7FFFFFFF  }
0x5a: {  	[tilespmem:s31], [sflag:$0x3] =	stream.indirect_vreg.gather [hbm4b:s4+s11], $0x1, v2, vm0, $0x4038;
	[tilespmem:$0x4D00] =	vst v63  }
0x5b: {  	s20 =	sadd.s32 $0x10, s31  }
0x5c: {  	[tilespmem:s20], [sflag:$0x3] =	stream.indirect_vreg.gather [hbm4b:s4+s11], $0x1, v1, vm0, $0x4038;
	[tilespmem:$0x4D00] =	vst v63  }
.LBB2_5:
0x5d: {  	p1 =	slt.u32 s18, $0x2  }
0x5e: {  	p2 =	sge.u32 @!p1 s18, s10  }
0x5f: {  	p1 =	por p1, p2  }
.Ltmp4:
0x60: {  	_ = 	snop;
	(pc) =	sbr.rel @p1 .LBB2_9-.Ltmp4, $1  }
0x61: {  	_ =	sdelay $0x3  }
0x62: {  	s20 =	sadd.s32 $0xFFFFFFFE, s18  }
0x63: {  	s21 =	smulhi.u32 $0xAAAAAAAB, s20  }
0x64: {  	s23 =	sand.u32 $0x1, s18  }
0x65: {  	s28 =	smul.u32 $0x3800, s23;
	s21 =	sshrl.u32 s21, $0x1  }
0x66: {  	_ =	swait.ge [sflag:s7], $0xE00;
	s21 =	smul.u32 $0x3, s21  }
0x67: {  	[sflag:s7] =	ssyncset.done $0x0  }
0x68: {  	[sflag:s7] =	ssyncadd.s32 $0xFFFFF200;
	s20 =	ssub.s32 s20, s21;
	s21 =	sshrl.u32 s28, $0x2  }
0x69: {  	s20 =	smul.u32 $0x3800, s20;
	v1 =	vld [tilespmem:s21+$0x2A00]  }
0x6a: {  	v3 =	vld [tilespmem:s21+$0x2A80]  }
0x6b: {  	v6 =	vld [tilespmem:s21+$0x2B00];
	s22 =	sshrl.u32 s20, $0x2  }
0x6c: {  	v2 =	vld [tilespmem:s22+$0x0]  }
0x6d: {  	v4 =	vld [tilespmem:s22+$0x80]  }
0x6e: {  	v5 =	vld [tilespmem:s22+$0x100]  }
0x6f: {  	v7 =	vld [tilespmem:s22+$0x180];
	_ =	sdelay $0x1  }
0x70: {  	v8 =	vld [tilespmem:s21+$0x2B80]  }
0x71: {  	v9 =	vld [tilespmem:s21+$0x2C00];
	v2 =	vshll.u32 v2, $0x3;
	v4 =	vshll.u32 v4, $0x3  }
0x72: {  	v31 =	vld [tilespmem:s21+$0x2C80];
	v1 =	vshrl.u32 v1, v2;
	v2 =	vshrl.u32 v3, v4;
	v3 =	vshll.u32 v5, $0x3  }
0x73: {  	v30 =	vld [tilespmem:s22+$0x200];
	v32 =	vshll.u32 v7, $0x3;
	v2 =	vshll.u32 v2, $0x8;
	v3 =	vshrl.u32 v6, v3  }
0x74: {  	v33 =	vld [tilespmem:s22+$0x280];
	v1 =	vand.u32 $0xFF, v1;
	v2 =	vand.u32 $0xFF00, v2;
	v3 =	vshll.u32 v3, $0x10  }
0x75: {  	s29 =	smul.u32 $0xE00, s23;
	v34 =	vld [tilespmem:s22+$0x300];
	v1 =	vor.u32 v1, v2;
	v2 =	vand.u32 $0xFF0000, v3;
	v3 =	vshrl.u32 v8, v32  }
0x76: {  	v1 =	vor.u32 v2, v1;
	v2 =	vshll.u32 v3, $0x18;
	v3 =	vld [tilespmem:s21+$0x2D00]  }
0x77: {  	s20 =	sshrl.u32 s29, $0x2;
	v1 =	vor.u32 v2, v1;
	v2 =	vld [tilespmem:s22+$0x380]  }
0x78: {  	[tilespmem:s20+$0x4600] =	vst v1;
	v1 =	vld [tilespmem:s21+$0x2D80]  }
0x79: {  	v35 =	vld [tilespmem:s21+$0x2A10]  }
0x7a: {  	v7 =	vshll.u32 v33, $0x3;
	v4 =	vshll.u32 v30, $0x3;
	v10 =	vld [tilespmem:s22+$0x10]  }
0x7b: {  	v5 =	vshrl.u32 v31, v7;
	v4 =	vshrl.u32 v9, v4;
	v6 =	vshll.u32 v34, $0x3;
	v36 =	vld [tilespmem:s21+$0x2A90]  }
0x7c: {  	v5 =	vshll.u32 v5, $0x8;
	v4 =	vand.u32 $0xFF, v4;
	v37 =	vld [tilespmem:s22+$0x90];
	v3 =	vshrl.u32 v3, v6  }
0x7d: {  	v5 =	vand.u32 $0xFF00, v5;
	v38 =	vld [tilespmem:s22+$0x110];
	v3 =	vshll.u32 v3, $0x10;
	v2 =	vshll.u32 v2, $0x3  }
0x7e: {  	v4 =	vor.u32 v4, v5;
	v39 =	vld [tilespmem:s22+$0x190];
	v3 =	vand.u32 $0xFF0000, v3;
	v1 =	vshrl.u32 v1, v2  }
0x7f: {  	v2 =	vld [tilespmem:s21+$0x2B10];
	v3 =	vor.u32 v3, v4;
	v1 =	vshll.u32 v1, $0x18  }
0x80: {  	v1 =	vor.u32 v1, v3  }
0x81: {  	v3 =	vld [tilespmem:s21+$0x2B90];
	[tilespmem:s20+$0x4680] =	vst v1  }
0x82: {  	v40 =	vshll.u32 v37, $0x3;
	v42 =	vshll.u32 v38, $0x3;
	v41 =	vld [tilespmem:s21+$0x2C10]  }
0x83: {  	v4 =	vshll.u32 v39, $0x3;
	v5 =	vshrl.u32 v36, v40;
	v1 =	vshll.u32 v10, $0x3;
	v43 =	vld [tilespmem:s22+$0x210]  }
0x84: {  	v5 =	vshll.u32 v5, $0x8;
	v1 =	vshrl.u32 v35, v1;
	v44 =	vld [tilespmem:s21+$0x2C90];
	v2 =	vshrl.u32 v2, v42  }
0x85: {  	v5 =	vand.u32 $0xFF00, v5;
	v45 =	vld [tilespmem:s22+$0x290];
	v1 =	vand.u32 $0xFF, v1;
	v2 =	vshll.u32 v2, $0x10  }
0x86: {  	v46 =	vld [tilespmem:s22+$0x310];
	v1 =	vor.u32 v1, v5;
	v2 =	vand.u32 $0xFF0000, v2;
	v3 =	vshrl.u32 v3, v4  }
0x87: {  	v1 =	vor.u32 v2, v1;
	v2 =	vshll.u32 v3, $0x18;
	v3 =	vld [tilespmem:s21+$0x2D10]  }
0x88: {  	v1 =	vor.u32 v2, v1;
	v2 =	vld [tilespmem:s22+$0x390]  }
0x89: {  	[tilespmem:s20+$0x4610] =	vst v1;
	v1 =	vld [tilespmem:s21+$0x2D90]  }
0x8a: {  	v47 =	vld [tilespmem:s21+$0x2A20]  }
0x8b: {  	v8 =	vshll.u32 v43, $0x3;
	v9 =	vshll.u32 v45, $0x3;
	v48 =	vld [tilespmem:s22+$0x20]  }
0x8c: {  	v4 =	vshll.u32 v46, $0x3;
	v6 =	vshrl.u32 v41, v8;
	v7 =	vshrl.u32 v44, v9;
	v49 =	vld [tilespmem:s21+$0x2AA0]  }
0x8d: {  	v6 =	vand.u32 $0xFF, v6;
	v7 =	vshll.u32 v7, $0x8;
	v50 =	vld [tilespmem:s22+$0xA0];
	v3 =	vshrl.u32 v3, v4  }
0x8e: {  	v51 =	vld [tilespmem:s22+$0x120];
	v7 =	vand.u32 $0xFF00, v7;
	v3 =	vshll.u32 v3, $0x10;
	v2 =	vshll.u32 v2, $0x3  }
0x8f: {  	v52 =	vld [tilespmem:s22+$0x1A0];
	v6 =	vor.u32 v6, v7;
	v3 =	vand.u32 $0xFF0000, v3;
	v1 =	vshrl.u32 v1, v2  }
0x90: {  	v2 =	vld [tilespmem:s21+$0x2B20];
	v3 =	vor.u32 v3, v6;
	v1 =	vshll.u32 v1, $0x18  }
0x91: {  	v1 =	vor.u32 v1, v3  }
0x92: {  	v3 =	vld [tilespmem:s21+$0x2BA0];
	[tilespmem:s20+$0x4690] =	vst v1  }
0x93: {  	v4 =	vshll.u32 v50, $0x3;
	v54 =	vshll.u32 v51, $0x3;
	v53 =	vld [tilespmem:s21+$0x2C20]  }
0x94: {  	v6 =	vshll.u32 v52, $0x3;
	v4 =	vshrl.u32 v49, v4;
	v1 =	vshll.u32 v48, $0x3;
	v55 =	vld [tilespmem:s22+$0x220]  }
0x95: {  	v4 =	vshll.u32 v4, $0x8;
	v1 =	vshrl.u32 v47, v1;
	v56 =	vld [tilespmem:s21+$0x2CA0];
	v2 =	vshrl.u32 v2, v54  }
0x96: {  	v4 =	vand.u32 $0xFF00, v4;
	v57 =	vld [tilespmem:s22+$0x2A0];
	v1 =	vand.u32 $0xFF, v1;
	v2 =	vshll.u32 v2, $0x10  }
0x97: {  	v58 =	vld [tilespmem:s22+$0x320];
	v1 =	vor.u32 v1, v4;
	v2 =	vand.u32 $0xFF0000, v2;
	v3 =	vshrl.u32 v3, v6  }
0x98: {  	v1 =	vor.u32 v2, v1;
	v2 =	vshll.u32 v3, $0x18;
	v3 =	vld [tilespmem:s21+$0x2D20]  }
0x99: {  	v1 =	vor.u32 v2, v1;
	v2 =	vld [tilespmem:s22+$0x3A0]  }
0x9a: {  	[tilespmem:s20+$0x4620] =	vst v1;
	v1 =	vld [tilespmem:s21+$0x2DA0]  }
0x9b: {  	v59 =	vld [tilespmem:s21+$0x2A30]  }
0x9c: {  	v60 =	vld [tilespmem:s22+$0x30]  }
0x9d: {  	v8 =	vshll.u32 v55, $0x3;
	v9 =	vshll.u32 v57, $0x3;
	v63 =	vld [tilespmem:s22+$0x130]  }
0x9e: {  	v4 =	vshll.u32 v58, $0x3;
	v7 =	vshrl.u32 v53, v8;
	v5 =	vshrl.u32 v56, v9;
	v62 =	vld [tilespmem:s22+$0xB0]  }
0x9f: {  	v61 =	vld [tilespmem:s21+$0x2AB0];
	v7 =	vand.u32 $0xFF, v7;
	v5 =	vshll.u32 v5, $0x8;
	v3 =	vshrl.u32 v3, v4  }
0xa0: {  	v12 =	vld [tilespmem:s22+$0x1B0];
	v5 =	vand.u32 $0xFF00, v5;
	v3 =	vshll.u32 v3, $0x10;
	v2 =	vshll.u32 v2, $0x3  }
0xa1: {  	v5 =	vor.u32 v7, v5;
	v3 =	vand.u32 $0xFF0000, v3;
	v1 =	vshrl.u32 v1, v2;
	v2 =	vld [tilespmem:s21+$0x2B30]  }
0xa2: {  	v3 =	vor.u32 v3, v5;
	v1 =	vshll.u32 v1, $0x18;
	v14 =	vshll.u32 v63, $0x3;
	v63 =	vld [tilespmem:s22+$0x680]  }
0xa3: {  	v4 =	vshll.u32 v62, $0x3;
	v1 =	vor.u32 v1, v3;
	v3 =	vld [tilespmem:s21+$0x2BB0]  }
0xa4: {  	v4 =	vshrl.u32 v61, v4;
	v61 =	vld [tilespmem:s21+$0x3080]  }
0xa5: {  	[tilespmem:s20+$0x46A0] =	vst v1;
	v1 =	vshll.u32 v60, $0x3;
	v60 =	vld [tilespmem:s22+$0x600]  }
0xa6: {  	v13 =	vld [tilespmem:s21+$0x2C30]  }
0xa7: {  	v5 =	vshll.u32 v12, $0x3;
	v15 =	vld [tilespmem:s22+$0x230]  }
0xa8: {  	v4 =	vshll.u32 v4, $0x8;
	v1 =	vshrl.u32 v59, v1;
	v17 =	vld [tilespmem:s22+$0x2B0];
	v2 =	vshrl.u32 v2, v14  }
0xa9: {  	v4 =	vand.u32 $0xFF00, v4;
	v18 =	vld [tilespmem:s22+$0x330];
	v1 =	vand.u32 $0xFF, v1;
	v2 =	vshll.u32 v2, $0x10  }
0xaa: {  	v16 =	vld [tilespmem:s21+$0x2CB0];
	v1 =	vor.u32 v1, v4;
	v2 =	vand.u32 $0xFF0000, v2;
	v3 =	vshrl.u32 v3, v5  }
0xab: {  	v1 =	vor.u32 v2, v1;
	v2 =	vshll.u32 v3, $0x18;
	v3 =	vld [tilespmem:s21+$0x2D30]  }
0xac: {  	v1 =	vor.u32 v2, v1;
	v2 =	vld [tilespmem:s22+$0x3B0]  }
0xad: {  	v9 =	vshll.u32 v17, $0x3;
	v17 =	vld [tilespmem:s21+$0x2E00]  }
0xae: {  	v4 =	vshll.u32 v18, $0x3;
	v18 =	vld [tilespmem:s22+$0x400]  }
0xaf: {  	[tilespmem:s20+$0x4630] =	vst v1;
	v1 =	vld [tilespmem:s21+$0x2DB0]  }
0xb0: {  	v19 =	vld [tilespmem:s21+$0x2A40]  }
0xb1: {  	v20 =	vld [tilespmem:s22+$0x40]  }
0xb2: {  	v22 =	vld [tilespmem:s22+$0xC0]  }
0xb3: {  	v8 =	vshll.u32 v15, $0x3;
	v23 =	vld [tilespmem:s22+$0x140]  }
0xb4: {  	v7 =	vshrl.u32 v13, v8;
	v24 =	vld [tilespmem:s22+$0x1C0]  }
0xb5: {  	v6 =	vshrl.u32 v16, v9;
	v21 =	vld [tilespmem:s21+$0x2AC0];
	v7 =	vand.u32 $0xFF, v7;
	v2 =	vshll.u32 v2, $0x3  }
0xb6: {  	v6 =	vshll.u32 v6, $0x8;
	v3 =	vshrl.u32 v3, v4;
	v1 =	vshrl.u32 v1, v2;
	v2 =	vld [tilespmem:s21+$0x2B40]  }
0xb7: {  	v6 =	vand.u32 $0xFF00, v6;
	v3 =	vshll.u32 v3, $0x10;
	v4 =	vshll.u32 v22, $0x3;
	v22 =	vld [tilespmem:s21+$0x2F00]  }
0xb8: {  	v6 =	vor.u32 v7, v6;
	v3 =	vand.u32 $0xFF0000, v3;
	v26 =	vshll.u32 v23, $0x3;
	v23 =	vld [tilespmem:s22+$0x580]  }
0xb9: {  	v3 =	vor.u32 v3, v6;
	v1 =	vshll.u32 v1, $0x18;
	v6 =	vshll.u32 v24, $0x3;
	v24 =	vld [tilespmem:s21+$0x2F80]  }
0xba: {  	v1 =	vor.u32 v1, v3;
	v3 =	vld [tilespmem:s21+$0x2BC0]  }
0xbb: {  	v4 =	vshrl.u32 v21, v4;
	v21 =	vld [tilespmem:s22+$0x500]  }
0xbc: {  	[tilespmem:s20+$0x46B0] =	vst v1;
	v1 =	vshll.u32 v20, $0x3;
	v20 =	vld [tilespmem:s22+$0x480]  }
0xbd: {  	v25 =	vld [tilespmem:s21+$0x2C40]  }
0xbe: {  	v27 =	vld [tilespmem:s22+$0x240]  }
0xbf: {  	v28 =	vld [tilespmem:s21+$0x2CC0]  }
0xc0: {  	v4 =	vshll.u32 v4, $0x8;
	v1 =	vshrl.u32 v19, v1;
	v29 =	vld [tilespmem:s22+$0x2C0];
	v2 =	vshrl.u32 v2, v26  }
0xc1: {  	v4 =	vand.u32 $0xFF00, v4;
	v30 =	vld [tilespmem:s22+$0x340];
	v1 =	vand.u32 $0xFF, v1;
	v2 =	vshll.u32 v2, $0x10  }
0xc2: {  	v19 =	vld [tilespmem:s21+$0x2E80];
	v1 =	vor.u32 v1, v4;
	v2 =	vand.u32 $0xFF0000, v2;
	v3 =	vshrl.u32 v3, v6  }
0xc3: {  	v1 =	vor.u32 v2, v1;
	v2 =	vshll.u32 v3, $0x18;
	v3 =	vld [tilespmem:s21+$0x2D40]  }
0xc4: {  	v1 =	vor.u32 v2, v1;
	v2 =	vld [tilespmem:s22+$0x3C0]  }
0xc5: {  	v9 =	vshll.u32 v29, $0x3;
	v29 =	vld [tilespmem:s22+$0x700]  }
0xc6: {  	v18 =	vshll.u32 v18, $0x3;
	v8 =	vshll.u32 v27, $0x3;
	[tilespmem:s20+$0x4640] =	vst v1;
	v1 =	vld [tilespmem:s21+$0x2DC0]  }
0xc7: {  	v17 =	vshrl.u32 v17, v18;
	v20 =	vshll.u32 v20, $0x3;
	v7 =	vshrl.u32 v25, v8;
	v25 =	vld [tilespmem:s21+$0x3000]  }
0xc8: {  	v17 =	vand.u32 $0xFF, v17;
	v59 =	vshll.u32 v21, $0x3;
	v58 =	vshrl.u32 v19, v20;
	v31 =	vld [tilespmem:s21+$0x2A50]  }
0xc9: {  	v62 =	vshll.u32 v23, $0x3;
	v19 =	vshrl.u32 v22, v59;
	v18 =	vshll.u32 v58, $0x8;
	v32 =	vld [tilespmem:s22+$0x50]  }
0xca: {  	v5 =	vshrl.u32 v28, v9;
	v19 =	vshll.u32 v19, $0x10;
	v34 =	vld [tilespmem:s22+$0xD0];
	v18 =	vand.u32 $0xFF00, v18  }
0xcb: {  	v28 =	vshrl.u32 v24, v62;
	v35 =	vld [tilespmem:s22+$0x150];
	v27 =	vand.u32 $0xFF0000, v19;
	v17 =	vor.u32 v17, v18  }
0xcc: {  	v4 =	vshll.u32 v30, $0x3;
	v36 =	vld [tilespmem:s22+$0x1D0];
	v30 =	vshll.u32 v28, $0x18;
	v17 =	vor.u32 v27, v17  }
0xcd: {  	v33 =	vld [tilespmem:s21+$0x2AD0];
	v7 =	vand.u32 $0xFF, v7;
	v2 =	vshll.u32 v2, $0x3;
	v17 =	vor.u32 v30, v17  }
0xce: {  	v5 =	vshll.u32 v5, $0x8;
	v3 =	vshrl.u32 v3, v4;
	v1 =	vshrl.u32 v1, v2;
	v2 =	vld [tilespmem:s21+$0x2B50];
	[tilespmem:s20+$0x4700] =	vst v17  }
0xcf: {  	v5 =	vand.u32 $0xFF00, v5;
	v3 =	vshll.u32 v3, $0x10;
	v4 =	vshll.u32 v34, $0x3;
	v34 =	vld [tilespmem:s21+$0x2E10]  }
0xd0: {  	v5 =	vor.u32 v7, v5;
	v3 =	vand.u32 $0xFF0000, v3;
	v38 =	vshll.u32 v35, $0x3;
	v35 =	vld [tilespmem:s22+$0x410]  }
0xd1: {  	v3 =	vor.u32 v3, v5;
	v1 =	vshll.u32 v1, $0x18;
	v5 =	vshll.u32 v36, $0x3;
	v36 =	vld [tilespmem:s21+$0x2E90]  }
0xd2: {  	v1 =	vor.u32 v1, v3;
	v3 =	vld [tilespmem:s21+$0x2BD0]  }
0xd3: {  	v4 =	vshrl.u32 v33, v4;
	v33 =	vld [tilespmem:s21+$0x3180]  }
0xd4: {  	[tilespmem:s20+$0x46C0] =	vst v1;
	v1 =	vshll.u32 v32, $0x3;
	v32 =	vld [tilespmem:s22+$0x780]  }
0xd5: {  	v37 =	vld [tilespmem:s21+$0x2C50]  }
0xd6: {  	v39 =	vld [tilespmem:s22+$0x250]  }
0xd7: {  	v40 =	vld [tilespmem:s21+$0x2CD0]  }
0xd8: {  	v41 =	vld [tilespmem:s22+$0x2D0]  }
0xd9: {  	v4 =	vshll.u32 v4, $0x8;
	v1 =	vshrl.u32 v31, v1;
	v42 =	vld [tilespmem:s22+$0x350];
	v2 =	vshrl.u32 v2, v38  }
0xda: {  	v4 =	vand.u32 $0xFF00, v4;
	v31 =	vld [tilespmem:s21+$0x3100];
	v1 =	vand.u32 $0xFF, v1;
	v2 =	vshll.u32 v2, $0x10  }
0xdb: {  	v38 =	vld [tilespmem:s22+$0x510];
	v1 =	vor.u32 v1, v4;
	v2 =	vand.u32 $0xFF0000, v2;
	v3 =	vshrl.u32 v3, v5  }
0xdc: {  	v1 =	vor.u32 v2, v1;
	v2 =	vshll.u32 v3, $0x18;
	v3 =	vld [tilespmem:s21+$0x2D50]  }
0xdd: {  	v1 =	vor.u32 v2, v1;
	v2 =	vld [tilespmem:s22+$0x3D0]  }
0xde: {  	v8 =	vshll.u32 v39, $0x3;
	v39 =	vld [tilespmem:s21+$0x2F10]  }
0xdf: {  	v9 =	vshll.u32 v41, $0x3;
	v41 =	vld [tilespmem:s21+$0x2F90]  }
0xe0: {  	v23 =	vshll.u32 v63, $0x3;
	[tilespmem:s20+$0x4650] =	vst v1;
	v1 =	vld [tilespmem:s21+$0x2DD0]  }
0xe1: {  	v21 =	vshrl.u32 v61, v23;
	v7 =	vshrl.u32 v37, v8;
	v37 =	vld [tilespmem:s22+$0x490]  }
0xe2: {  	v21 =	vshll.u32 v21, $0x8;
	v20 =	vshll.u32 v60, $0x3;
	v6 =	vshrl.u32 v40, v9;
	v40 =	vld [tilespmem:s22+$0x590]  }
0xe3: {  	v21 =	vand.u32 $0xFF00, v21;
	v22 =	vshll.u32 v29, $0x3;
	v20 =	vshrl.u32 v25, v20;
	v43 =	vld [tilespmem:s21+$0x2A60]  }
0xe4: {  	v20 =	vand.u32 $0xFF, v20;
	v18 =	vshll.u32 v32, $0x3;
	v19 =	vshrl.u32 v31, v22;
	v44 =	vld [tilespmem:s22+$0x60]  }
0xe5: {  	v20 =	vor.u32 v20, v21;
	v17 =	vshrl.u32 v33, v18;
	v19 =	vshll.u32 v19, $0x10;
	v46 =	vld [tilespmem:s22+$0xE0]  }
0xe6: {  	v4 =	vshll.u32 v42, $0x3;
	v17 =	vshll.u32 v17, $0x18;
	v47 =	vld [tilespmem:s22+$0x160];
	v19 =	vand.u32 $0xFF0000, v19  }
0xe7: {  	v45 =	vld [tilespmem:s21+$0x2AE0];
	v7 =	vand.u32 $0xFF, v7;
	v6 =	vshll.u32 v6, $0x8;
	v19 =	vor.u32 v19, v20  }
0xe8: {  	v48 =	vld [tilespmem:s22+$0x1E0];
	v3 =	vshrl.u32 v3, v4;
	v17 =	vor.u32 v17, v19;
	v2 =	vshll.u32 v2, $0x3  }
0xe9: {  	v6 =	vand.u32 $0xFF00, v6;
	v3 =	vshll.u32 v3, $0x10;
	[tilespmem:s20+$0x4780] =	vst v17;
	v1 =	vshrl.u32 v1, v2;
	v2 =	vld [tilespmem:s21+$0x2B60]  }
0xea: {  	v6 =	vor.u32 v7, v6;
	v3 =	vand.u32 $0xFF0000, v3;
	v4 =	vshll.u32 v46, $0x3;
	v46 =	vld [tilespmem:s22+$0x690]  }
0xeb: {  	v3 =	vor.u32 v3, v6;
	v1 =	vshll.u32 v1, $0x18;
	v50 =	vshll.u32 v47, $0x3;
	v47 =	vld [tilespmem:s22+$0x710]  }
0xec: {  	v42 =	vshll.u32 v35, $0x3;
	v21 =	vshll.u32 v38, $0x3;
	v1 =	vor.u32 v1, v3;
	v3 =	vld [tilespmem:s21+$0x2BE0]  }
0xed: {  	v17 =	vshrl.u32 v34, v42;
	v18 =	vshrl.u32 v39, v21;
	v4 =	vshrl.u32 v45, v4;
	v45 =	vld [tilespmem:s21+$0x3090]  }
0xee: {  	v22 =	vshll.u32 v37, $0x3;
	v17 =	vand.u32 $0xFF, v17;
	[tilespmem:s20+$0x46D0] =	vst v1;
	v1 =	vshll.u32 v44, $0x3;
	v44 =	vld [tilespmem:s22+$0x610]  }
0xef: {  	v18 =	vshll.u32 v18, $0x10;
	v20 =	vshll.u32 v40, $0x3;
	v6 =	vshll.u32 v48, $0x3;
	v49 =	vld [tilespmem:s21+$0x2C60]  }
0xf0: {  	v22 =	vshrl.u32 v36, v22;
	v18 =	vand.u32 $0xFF0000, v18;
	v19 =	vshrl.u32 v41, v20;
	v51 =	vld [tilespmem:s22+$0x260]  }
0xf1: {  	v22 =	vshll.u32 v22, $0x8;
	v48 =	vshll.u32 v19, $0x18;
	v4 =	vshll.u32 v4, $0x8;
	v52 =	vld [tilespmem:s21+$0x2CE0]  }
0xf2: {  	v22 =	vand.u32 $0xFF00, v22;
	v1 =	vshrl.u32 v43, v1;
	v4 =	vand.u32 $0xFF00, v4;
	v53 =	vld [tilespmem:s22+$0x2E0]  }
0xf3: {  	v54 =	vld [tilespmem:s22+$0x360];
	v17 =	vor.u32 v17, v22;
	v1 =	vand.u32 $0xFF, v1;
	v2 =	vshrl.u32 v2, v50  }
0xf4: {  	v43 =	vld [tilespmem:s21+$0x3010];
	v17 =	vor.u32 v18, v17;
	v2 =	vshll.u32 v2, $0x10;
	v1 =	vor.u32 v1, v4  }
0xf5: {  	v50 =	vld [tilespmem:s22+$0x790];
	v17 =	vor.u32 v48, v17;
	v2 =	vand.u32 $0xFF0000, v2;
	v3 =	vshrl.u32 v3, v6  }
0xf6: {  	[tilespmem:s20+$0x4710] =	vst v17;
	v1 =	vor.u32 v2, v1;
	v2 =	vshll.u32 v3, $0x18;
	v3 =	vld [tilespmem:s21+$0x2D60]  }
0xf7: {  	v58 =	vld [tilespmem:s22+$0x5A0]  }
0xf8: {  	v59 =	vld [tilespmem:s21+$0x2FA0]  }
0xf9: {  	v1 =	vor.u32 v2, v1;
	v2 =	vld [tilespmem:s22+$0x3E0]  }
0xfa: {  	v55 =	vshll.u32 v51, $0x3;
	v51 =	vld [tilespmem:s21+$0x3190]  }
0xfb: {  	v56 =	vshll.u32 v53, $0x3;
	v53 =	vld [tilespmem:s22+$0x420]  }
0xfc: {  	v4 =	vshll.u32 v54, $0x3;
	v54 =	vld [tilespmem:s21+$0x2EA0]  }
0xfd: {  	[tilespmem:s20+$0x4660] =	vst v1;
	v1 =	vld [tilespmem:s21+$0x2DE0]  }
0xfe: {  	v6 =	vshrl.u32 v49, v55;
	v49 =	vld [tilespmem:s21+$0x3110]  }
0xff: {  	v5 =	vshrl.u32 v52, v56;
	v52 =	vld [tilespmem:s21+$0x2E20]  }
0x100: {  	v55 =	vld [tilespmem:s22+$0x4A0]  }
0x101: {  	v24 =	vshll.u32 v46, $0x3;
	v56 =	vld [tilespmem:s22+$0x520]  }
0x102: {  	v21 =	vshrl.u32 v45, v24;
	v23 =	vshll.u32 v44, $0x3;
	v13 =	vld [tilespmem:s21+$0x2A70]  }
0x103: {  	v21 =	vshll.u32 v21, $0x8;
	v23 =	vshrl.u32 v43, v23;
	v15 =	vld [tilespmem:s22+$0x70]  }
0x104: {  	v20 =	vshll.u32 v47, $0x3;
	v21 =	vand.u32 $0xFF00, v21;
	v23 =	vand.u32 $0xFF, v23;
	v14 =	vld [tilespmem:s21+$0x2AF0]  }
0x105: {  	v6 =	vand.u32 $0xFF, v6;
	v5 =	vshll.u32 v5, $0x8;
	v16 =	vld [tilespmem:s22+$0xF0];
	v3 =	vshrl.u32 v3, v4  }
0x106: {  	v9 =	vld [tilespmem:s21+$0x2B70];
	v57 =	vand.u32 $0xFF00, v5;
	v3 =	vshll.u32 v3, $0x10;
	v2 =	vshll.u32 v2, $0x3  }
0x107: {  	v11 =	vld [tilespmem:s22+$0x170];
	v4 =	vor.u32 v6, v57;
	v3 =	vand.u32 $0xFF0000, v3;
	v1 =	vshrl.u32 v1, v2  }
0x108: {  	v10 =	vld [tilespmem:s21+$0x2BF0];
	v19 =	vshrl.u32 v49, v20;
	v2 =	vor.u32 v3, v4;
	v1 =	vshll.u32 v1, $0x18  }
0x109: {  	v18 =	vshll.u32 v50, $0x3;
	v12 =	vld [tilespmem:s22+$0x1F0];
	v19 =	vshll.u32 v19, $0x10;
	v1 =	vor.u32 v1, v2  }
0x10a: {  	v21 =	vor.u32 v23, v21;
	v57 =	vld [tilespmem:s21+$0x2F20];
	v17 =	vshrl.u32 v51, v18;
	v19 =	vand.u32 $0xFF0000, v19;
	[tilespmem:s20+$0x46E0] =	vst v1  }
0x10b: {  	v17 =	vshll.u32 v17, $0x18;
	v19 =	vor.u32 v19, v21;
	v7 =	vld [tilespmem:s21+$0x2C70]  }
0x10c: {  	v8 =	vld [tilespmem:s22+$0x270];
	v17 =	vor.u32 v17, v19  }
0x10d: {  	v4 =	vld [tilespmem:s21+$0x2CF0];
	[tilespmem:s20+$0x4790] =	vst v17  }
0x10e: {  	v20 =	vshll.u32 v55, $0x3;
	v61 =	vld [tilespmem:s21+$0x3020]  }
0x10f: {  	v20 =	vshrl.u32 v54, v20;
	v63 =	vld [tilespmem:s22+$0x620]  }
0x110: {  	v60 =	vshll.u32 v53, $0x3;
	v62 =	vshll.u32 v56, $0x3;
	v20 =	vshll.u32 v20, $0x8;
	v28 =	vld [tilespmem:s21+$0x30A0]  }
0x111: {  	v18 =	vshrl.u32 v57, v62;
	v20 =	vand.u32 $0xFF00, v20;
	v17 =	vshrl.u32 v52, v60;
	v29 =	vld [tilespmem:s22+$0x6A0]  }
0x112: {  	v21 =	vshll.u32 v58, $0x3;
	v18 =	vshll.u32 v18, $0x10;
	v17 =	vand.u32 $0xFF, v17;
	v30 =	vld [tilespmem:s22+$0x720]  }
0x113: {  	v19 =	vshrl.u32 v59, v21;
	v18 =	vand.u32 $0xFF0000, v18;
	v33 =	vld [tilespmem:s22+$0x7A0];
	v17 =	vor.u32 v17, v20  }
0x114: {  	v31 =	vshll.u32 v19, $0x18;
	v32 =	vld [tilespmem:s21+$0x3120];
	v17 =	vor.u32 v18, v17  }
0x115: {  	v6 =	vld [tilespmem:s22+$0x2F0];
	v17 =	vor.u32 v31, v17  }
0x116: {  	v34 =	vld [tilespmem:s21+$0x31A0];
	[tilespmem:s20+$0x4720] =	vst v17  }
0x117: {  	v35 =	vld [tilespmem:s21+$0x2E30];
	v23 =	vshll.u32 v63, $0x3;
	v24 =	vshll.u32 v29, $0x3  }
0x118: {  	v36 =	vld [tilespmem:s22+$0x430];
	v20 =	vshll.u32 v30, $0x3;
	v18 =	vshll.u32 v33, $0x3;
	v22 =	vshrl.u32 v28, v24  }
0x119: {  	v37 =	vld [tilespmem:s21+$0x2EB0];
	v23 =	vshrl.u32 v61, v23;
	v19 =	vshrl.u32 v32, v20;
	v22 =	vshll.u32 v22, $0x8  }
0x11a: {  	v38 =	vld [tilespmem:s22+$0x4B0];
	v23 =	vand.u32 $0xFF, v23;
	v19 =	vshll.u32 v19, $0x10;
	v22 =	vand.u32 $0xFF00, v22  }
0x11b: {  	v39 =	vld [tilespmem:s22+$0x530];
	v17 =	vshrl.u32 v34, v18;
	v19 =	vand.u32 $0xFF0000, v19;
	v22 =	vor.u32 v23, v22  }
0x11c: {  	v41 =	vld [tilespmem:s22+$0x5B0];
	v17 =	vshll.u32 v17, $0x18;
	v19 =	vor.u32 v19, v22  }
0x11d: {  	v40 =	vld [tilespmem:s21+$0x2F30];
	v17 =	vor.u32 v17, v19  }
0x11e: {  	v42 =	vld [tilespmem:s21+$0x2FB0];
	[tilespmem:s20+$0x47A0] =	vst v17  }
0x11f: {  	v44 =	vld [tilespmem:s21+$0x3030]  }
0x120: {  	v43 =	vshll.u32 v36, $0x3;
	v20 =	vshll.u32 v38, $0x3;
	v46 =	vld [tilespmem:s22+$0x630]  }
0x121: {  	v45 =	vshll.u32 v39, $0x3;
	v22 =	vshll.u32 v41, $0x3;
	v20 =	vshrl.u32 v37, v20;
	v47 =	vld [tilespmem:s21+$0x30B0]  }
0x122: {  	v18 =	vshrl.u32 v40, v45;
	v17 =	vshrl.u32 v35, v43;
	v20 =	vshll.u32 v20, $0x8;
	v48 =	vld [tilespmem:s22+$0x6B0]  }
0x123: {  	v18 =	vshll.u32 v18, $0x10;
	v17 =	vand.u32 $0xFF, v17;
	v20 =	vand.u32 $0xFF00, v20;
	v49 =	vld [tilespmem:s22+$0x730]  }
0x124: {  	v19 =	vshrl.u32 v42, v22;
	v18 =	vand.u32 $0xFF0000, v18;
	v52 =	vld [tilespmem:s22+$0x7B0];
	v17 =	vor.u32 v17, v20  }
0x125: {  	v50 =	vshll.u32 v19, $0x18;
	v51 =	vld [tilespmem:s21+$0x3130];
	v17 =	vor.u32 v18, v17  }
0x126: {  	v3 =	vld [tilespmem:s21+$0x2D70];
	v17 =	vor.u32 v50, v17  }
0x127: {  	v53 =	vld [tilespmem:s21+$0x31B0];
	[tilespmem:s20+$0x4730] =	vst v17  }
0x128: {  	v54 =	vld [tilespmem:s21+$0x2E40];
	v23 =	vshll.u32 v46, $0x3;
	v24 =	vshll.u32 v48, $0x3  }
0x129: {  	v55 =	vld [tilespmem:s22+$0x440];
	v20 =	vshll.u32 v49, $0x3;
	v18 =	vshll.u32 v52, $0x3;
	v21 =	vshrl.u32 v47, v24  }
0x12a: {  	v56 =	vld [tilespmem:s21+$0x2EC0];
	v23 =	vshrl.u32 v44, v23;
	v19 =	vshrl.u32 v51, v20;
	v21 =	vshll.u32 v21, $0x8  }
0x12b: {  	v57 =	vld [tilespmem:s22+$0x4C0];
	v23 =	vand.u32 $0xFF, v23;
	v19 =	vshll.u32 v19, $0x10;
	v21 =	vand.u32 $0xFF00, v21  }
0x12c: {  	v58 =	vld [tilespmem:s22+$0x540];
	v17 =	vshrl.u32 v53, v18;
	v19 =	vand.u32 $0xFF0000, v19;
	v21 =	vor.u32 v23, v21  }
0x12d: {  	v60 =	vld [tilespmem:s22+$0x5C0];
	v17 =	vshll.u32 v17, $0x18;
	v19 =	vor.u32 v19, v21  }
0x12e: {  	v59 =	vld [tilespmem:s21+$0x2F40];
	v17 =	vor.u32 v17, v19  }
0x12f: {  	v61 =	vld [tilespmem:s21+$0x2FC0];
	[tilespmem:s20+$0x47B0] =	vst v17  }
0x130: {  	v63 =	vld [tilespmem:s21+$0x3040]  }
0x131: {  	v62 =	vshll.u32 v55, $0x3;
	v20 =	vshll.u32 v57, $0x3;
	v28 =	vld [tilespmem:s22+$0x640]  }
0x132: {  	v27 =	vshll.u32 v58, $0x3;
	v21 =	vshll.u32 v60, $0x3;
	v20 =	vshrl.u32 v56, v20;
	v29 =	vld [tilespmem:s21+$0x30C0]  }
0x133: {  	v18 =	vshrl.u32 v59, v27;
	v17 =	vshrl.u32 v54, v62;
	v20 =	vshll.u32 v20, $0x8;
	v30 =	vld [tilespmem:s22+$0x6C0]  }
0x134: {  	v18 =	vshll.u32 v18, $0x10;
	v17 =	vand.u32 $0xFF, v17;
	v20 =	vand.u32 $0xFF00, v20;
	v31 =	vld [tilespmem:s22+$0x740]  }
0x135: {  	v19 =	vshrl.u32 v61, v21;
	v18 =	vand.u32 $0xFF0000, v18;
	v34 =	vld [tilespmem:s22+$0x7C0];
	v17 =	vor.u32 v17, v20  }
0x136: {  	v32 =	vshll.u32 v19, $0x18;
	v33 =	vld [tilespmem:s21+$0x3140];
	v17 =	vor.u32 v18, v17  }
0x137: {  	v5 =	vld [tilespmem:s22+$0x370];
	v17 =	vor.u32 v32, v17  }
0x138: {  	v35 =	vld [tilespmem:s21+$0x31C0];
	[tilespmem:s20+$0x4740] =	vst v17  }
0x139: {  	v36 =	vld [tilespmem:s21+$0x2E50];
	v23 =	vshll.u32 v28, $0x3;
	v24 =	vshll.u32 v30, $0x3  }
0x13a: {  	v37 =	vld [tilespmem:s22+$0x450];
	v20 =	vshll.u32 v31, $0x3;
	v18 =	vshll.u32 v34, $0x3;
	v22 =	vshrl.u32 v29, v24  }
0x13b: {  	v38 =	vld [tilespmem:s21+$0x2ED0];
	v23 =	vshrl.u32 v63, v23;
	v19 =	vshrl.u32 v33, v20;
	v22 =	vshll.u32 v22, $0x8  }
0x13c: {  	v39 =	vld [tilespmem:s22+$0x4D0];
	v23 =	vand.u32 $0xFF, v23;
	v19 =	vshll.u32 v19, $0x10;
	v22 =	vand.u32 $0xFF00, v22  }
0x13d: {  	v40 =	vld [tilespmem:s22+$0x550];
	v17 =	vshrl.u32 v35, v18;
	v19 =	vand.u32 $0xFF0000, v19;
	v22 =	vor.u32 v23, v22  }
0x13e: {  	v42 =	vld [tilespmem:s22+$0x5D0];
	v17 =	vshll.u32 v17, $0x18;
	v19 =	vor.u32 v19, v22  }
0x13f: {  	v41 =	vld [tilespmem:s21+$0x2F50];
	v17 =	vor.u32 v17, v19  }
0x140: {  	v43 =	vld [tilespmem:s21+$0x2FD0];
	[tilespmem:s20+$0x47C0] =	vst v17  }
0x141: {  	v45 =	vld [tilespmem:s21+$0x3050]  }
0x142: {  	v44 =	vshll.u32 v37, $0x3;
	v20 =	vshll.u32 v39, $0x3;
	v47 =	vld [tilespmem:s22+$0x650]  }
0x143: {  	v46 =	vshll.u32 v40, $0x3;
	v22 =	vshll.u32 v42, $0x3;
	v20 =	vshrl.u32 v38, v20;
	v48 =	vld [tilespmem:s22+$0x6D0]  }
0x144: {  	v18 =	vshrl.u32 v41, v46;
	v17 =	vshrl.u32 v36, v44;
	v20 =	vshll.u32 v20, $0x8;
	v49 =	vld [tilespmem:s21+$0x30D0]  }
0x145: {  	v18 =	vshll.u32 v18, $0x10;
	v17 =	vand.u32 $0xFF, v17;
	v20 =	vand.u32 $0xFF00, v20;
	v50 =	vld [tilespmem:s22+$0x750]  }
0x146: {  	v19 =	vshrl.u32 v43, v22;
	v18 =	vand.u32 $0xFF0000, v18;
	v53 =	vld [tilespmem:s22+$0x7D0];
	v17 =	vor.u32 v17, v20  }
0x147: {  	v51 =	vshll.u32 v19, $0x18;
	v52 =	vld [tilespmem:s21+$0x3150];
	v17 =	vor.u32 v18, v17  }
0x148: {  	v15 =	vshll.u32 v15, $0x3;
	v1 =	vld [tilespmem:s21+$0x2DF0];
	v17 =	vor.u32 v51, v17  }
0x149: {  	v16 =	vshll.u32 v16, $0x3;
	v13 =	vshrl.u32 v13, v15;
	v55 =	vld [tilespmem:s21+$0x31D0];
	[tilespmem:s20+$0x4750] =	vst v17  }
0x14a: {  	v14 =	vshrl.u32 v14, v16;
	v54 =	vshll.u32 v48, $0x3;
	v17 =	vld [tilespmem:s21+$0x2E60];
	v56 =	vshll.u32 v47, $0x3  }
0x14b: {  	v57 =	vld [tilespmem:s22+$0x460];
	v20 =	vshll.u32 v50, $0x3;
	v18 =	vshll.u32 v53, $0x3;
	v15 =	vshrl.u32 v49, v54  }
0x14c: {  	v58 =	vld [tilespmem:s22+$0x4E0];
	v21 =	vshrl.u32 v45, v56;
	v19 =	vshrl.u32 v52, v20;
	v15 =	vshll.u32 v15, $0x8  }
0x14d: {  	v59 =	vld [tilespmem:s21+$0x2EE0];
	v21 =	vand.u32 $0xFF, v21;
	v19 =	vshll.u32 v19, $0x10;
	v15 =	vand.u32 $0xFF00, v15  }
0x14e: {  	v60 =	vld [tilespmem:s22+$0x560];
	v16 =	vshrl.u32 v55, v18;
	v19 =	vand.u32 $0xFF0000, v19;
	v15 =	vor.u32 v21, v15  }
0x14f: {  	v61 =	vld [tilespmem:s21+$0x2F60];
	v16 =	vshll.u32 v16, $0x18;
	v15 =	vor.u32 v19, v15  }
0x150: {  	v11 =	vshll.u32 v11, $0x3;
	v14 =	vshll.u32 v14, $0x8;
	v63 =	vld [tilespmem:s22+$0x5E0];
	v62 =	vor.u32 v16, v15  }
0x151: {  	v9 =	vshrl.u32 v9, v11;
	v13 =	vand.u32 $0xFF, v13;
	v14 =	vand.u32 $0xFF00, v14;
	v24 =	vld [tilespmem:s21+$0x2FE0];
	[tilespmem:s20+$0x47D0] =	vst v62  }
0x152: {  	v9 =	vshll.u32 v9, $0x10;
	v13 =	vor.u32 v13, v14;
	v26 =	vld [tilespmem:s21+$0x3060]  }
0x153: {  	v23 =	vshll.u32 v58, $0x3;
	v25 =	vshll.u32 v57, $0x3;
	v27 =	vshll.u32 v60, $0x3;
	v28 =	vld [tilespmem:s22+$0x660]  }
0x154: {  	v16 =	vshll.u32 v12, $0x3;
	v12 =	vshrl.u32 v59, v23;
	v11 =	vshrl.u32 v17, v25;
	v29 =	vld [tilespmem:s21+$0x30E0]  }
0x155: {  	v17 =	vshrl.u32 v61, v27;
	v15 =	vshll.u32 v63, $0x3;
	v12 =	vshll.u32 v12, $0x8;
	v31 =	vld [tilespmem:s22+$0x6E0]  }
0x156: {  	v11 =	vand.u32 $0xFF, v11;
	v30 =	vshll.u32 v17, $0x10;
	v12 =	vand.u32 $0xFF00, v12;
	v32 =	vld [tilespmem:s22+$0x760]  }
0x157: {  	v14 =	vshrl.u32 v24, v15;
	v35 =	vld [tilespmem:s22+$0x7E0];
	v11 =	vor.u32 v11, v12;
	v12 =	vand.u32 $0xFF0000, v30  }
0x158: {  	v9 =	vand.u32 $0xFF0000, v9;
	v33 =	vshll.u32 v14, $0x18;
	v34 =	vld [tilespmem:s21+$0x3160];
	v11 =	vor.u32 v12, v11  }
0x159: {  	v2 =	vld [tilespmem:s22+$0x3F0];
	v9 =	vor.u32 v9, v13;
	v10 =	vshrl.u32 v10, v16;
	v11 =	vor.u32 v33, v11  }
0x15a: {  	v8 =	vshll.u32 v8, $0x3;
	v6 =	vshll.u32 v6, $0x3;
	v10 =	vshll.u32 v10, $0x18;
	v36 =	vld [tilespmem:s21+$0x31E0];
	[tilespmem:s20+$0x4760] =	vst v11  }
0x15b: {  	v9 =	vor.u32 v10, v9;
	v37 =	vld [tilespmem:s21+$0x2E70];
	v38 =	vshll.u32 v28, $0x3;
	v39 =	vshll.u32 v31, $0x3  }
0x15c: {  	v40 =	vld [tilespmem:s22+$0x470];
	v15 =	vshll.u32 v32, $0x3;
	v12 =	vshll.u32 v35, $0x3;
	v13 =	vshrl.u32 v29, v39  }
0x15d: {  	v41 =	vld [tilespmem:s21+$0x2EF0];
	v11 =	vshrl.u32 v26, v38;
	v14 =	vshrl.u32 v34, v15;
	v13 =	vshll.u32 v13, $0x8  }
0x15e: {  	v42 =	vld [tilespmem:s22+$0x4F0];
	v11 =	vand.u32 $0xFF, v11;
	v14 =	vshll.u32 v14, $0x10;
	v13 =	vand.u32 $0xFF00, v13  }
0x15f: {  	v43 =	vld [tilespmem:s21+$0x2F70];
	v10 =	vshrl.u32 v36, v12;
	v44 =	vand.u32 $0xFF0000, v14;
	v11 =	vor.u32 v11, v13  }
0x160: {  	v5 =	vshll.u32 v5, $0x3;
	v45 =	vld [tilespmem:s22+$0x570];
	v10 =	vshll.u32 v10, $0x18;
	v11 =	vor.u32 v44, v11  }
0x161: {  	v2 =	vshll.u32 v2, $0x3;
	v4 =	vshrl.u32 v4, v6;
	v47 =	vld [tilespmem:s21+$0x2FF0];
	v46 =	vor.u32 v10, v11  }
0x162: {  	v7 =	vshrl.u32 v7, v8;
	v3 =	vshrl.u32 v3, v5;
	v4 =	vshll.u32 v4, $0x8;
	v48 =	vld [tilespmem:s22+$0x5F0];
	[tilespmem:s20+$0x47E0] =	vst v46  }
0x163: {  	v7 =	vand.u32 $0xFF, v7;
	v3 =	vshll.u32 v3, $0x10;
	v4 =	vand.u32 $0xFF00, v4;
	v6 =	vld [tilespmem:s21+$0x3070]  }
0x164: {  	v1 =	vshrl.u32 v1, v2;
	v3 =	vand.u32 $0xFF0000, v3;
	v4 =	vor.u32 v7, v4;
	v2 =	vld [tilespmem:s22+$0x670]  }
0x165: {  	v1 =	vshll.u32 v1, $0x18;
	v3 =	vor.u32 v3, v4;
	v50 =	vld [tilespmem:s22+$0x6F0]  }
0x166: {  	v1 =	vor.u32 v1, v3;
	v49 =	vshll.u32 v42, $0x3;
	v52 =	vld [tilespmem:s21+$0x30F0]  }
0x167: {  	v51 =	vshll.u32 v40, $0x3;
	v13 =	vshll.u32 v45, $0x3;
	v4 =	vshrl.u32 v41, v49;
	v54 =	vld [tilespmem:s22+$0x770]  }
0x168: {  	v8 =	vshrl.u32 v37, v51;
	v53 =	vshrl.u32 v43, v13;
	v4 =	vshll.u32 v4, $0x8;
	v57 =	vld [tilespmem:s22+$0x7F0]  }
0x169: {  	v8 =	vand.u32 $0xFF, v8;
	v11 =	vshll.u32 v53, $0x10;
	v4 =	vand.u32 $0xFF00, v4;
	v55 =	vld [tilespmem:s21+$0x3170]  }
0x16a: {  	v58 =	vshll.u32 v48, $0x3;
	v56 =	vand.u32 $0xFF0000, v11;
	v3 =	vor.u32 v8, v4  }
0x16b: {  	v60 =	vld [tilespmem:s21+$0x31F0];
	v4 =	vshrl.u32 v47, v58;
	v3 =	vor.u32 v56, v3  }
0x16c: {  	v4 =	vshll.u32 v4, $0x18;
	v59 =	vshll.u32 v50, $0x3;
	v2 =	vshll.u32 v2, $0x3  }
0x16d: {  	s30 =	smulhi.u32 $0xAAAAAAAB, s15;
	s21 =	simm.s32 $0x1;
	v61 =	vshll.u32 v54, $0x3;
	v63 =	vshll.u32 v57, $0x3;
	v5 =	vshrl.u32 v52, v59  }
0x16e: {  	s21 =	simm.s32 @!p0 $0x0;
	v2 =	vshrl.u32 v6, v2;
	v6 =	vshrl.u32 v55, v61;
	v5 =	vshll.u32 v5, $0x8  }
0x16f: {  	s22 =	sshrl.u32 s30, $0x1;
	s31 =	smul.u32 $0x3800, s21;
	v2 =	vand.u32 $0xFF, v2;
	v62 =	vshll.u32 v6, $0x10;
	v5 =	vand.u32 $0xFF00, v5  }
0x170: {  	s22 =	smul.u32 $0xFFFF5800, s22;
	v6 =	vshrl.u32 v60, v63;
	v2 =	vor.u32 v2, v5;
	v5 =	vand.u32 $0xFF0000, v62  }
0x171: {  	[tilespmem:s20+$0x46F0] =	vst v1;
	v1 =	vor.u32 v4, v3;
	s23 =	sshrl.u32 s31, $0x2;
	v3 =	vshll.u32 v6, $0x18;
	v2 =	vor.u32 v5, v2  }
0x172: {  	s22 =	sshra.s32 s22, $0x2;
	[tilespmem:s20+$0x4770] =	vst v1;
	s23 =	sadd.s32 $0x3200, s23;
	v1 =	vor.u32 v3, v2  }
0x173: {  	s21 =	smul.u32 $0xE00, s21;
	s24 =	sadd.s32 s22, s14;
	[tilespmem:s20+$0x47F0] =	vst v1;
	v1 =	vmov s23  }
0x174: {  	v2 =	vmov s24  }
0x175: {  	s21 =	sshrl.u32 s21, $0x2  }
0x176: {  	[tilespmem:s20+$0x4670] =	vst v9;
	s22 =	sor.u32 $0x4870, s21;
	s21 =	sadd.s32 $0x4600, s20;
	s20 =	simm.s32 $0x0  }
.LBB2_7:
0x177: {  	s23 =	sshra.s32 s20, $0x2  }
0x178: {  	v3 =	vld.idx.msk [tilespmem:v1+s23+$0x0 ss:$0x1], $0xffff  }
0x179: {  	v4 =	vld.idx.msk [tilespmem:v2+s23+$0x0 ss:$0x1], $0xffff  }
0x17a: {  	v5 =	vld.idx.msk [tilespmem:v1+s23+$0x80 ss:$0x1], $0xffff  }
0x17b: {  	v6 =	vld.idx.msk [tilespmem:v2+s23+$0x80 ss:$0x1], $0xffff  }
0x17c: {  	v7 =	vld.idx.msk [tilespmem:v2+s23+$0x100 ss:$0x1], $0xffff  }
0x17d: {  	v9 =	vld.idx.msk [tilespmem:v2+s23+$0x180 ss:$0x1], $0xffff  }
0x17e: {  	v8 =	vld.idx.msk [tilespmem:v1+s23+$0x100 ss:$0x1], $0xffff;
	_ =	sdelay $0x1  }
0x17f: {  	v10 =	vld.idx.msk [tilespmem:v1+s23+$0x180 ss:$0x1], $0xffff  }
0x180: {  	v4 =	vshll.u32 v4, $0x3;
	v6 =	vshll.u32 v6, $0x3  }
0x181: {  	v24 =	vshll.u32 v7, $0x3;
	v25 =	vshll.u32 v9, $0x3;
	v23 =	vshrl.u32 v5, v6  }
0x182: {  	v3 =	vshrl.u32 v3, v4;
	v5 =	vshrl.u32 v8, v24;
	v4 =	vshll.u32 v23, $0x8  }
0x183: {  	v3 =	vand.u32 $0xFF, v3;
	v5 =	vshll.u32 v5, $0x10;
	v4 =	vand.u32 $0xFF00, v4  }
0x184: {  	v27 =	vshrl.u32 v10, v25;
	v26 =	vand.u32 $0xFF0000, v5;
	v3 =	vor.u32 v3, v4  }
0x185: {  	v28 =	vshll.u32 v27, $0x18;
	v3 =	vor.u32 v26, v3  }
0x186: {  	v3 =	vor.u32 v28, v3  }
0x187: {  	[tilespmem:s22+$0xFFFFFF90] =	vst v3  }
0x188: {  	v3 =	vld.idx.msk [tilespmem:v1+s23+$0x10 ss:$0x1], $0xffff  }
0x189: {  	v29 =	vld.idx.msk [tilespmem:v2+s23+$0x10 ss:$0x1], $0xffff  }
0x18a: {  	v30 =	vld.idx.msk [tilespmem:v1+s23+$0x90 ss:$0x1], $0xffff  }
0x18b: {  	v31 =	vld.idx.msk [tilespmem:v2+s23+$0x90 ss:$0x1], $0xffff  }
0x18c: {  	v32 =	vld.idx.msk [tilespmem:v2+s23+$0x110 ss:$0x1], $0xffff  }
0x18d: {  	v34 =	vld.idx.msk [tilespmem:v2+s23+$0x190 ss:$0x1], $0xffff  }
0x18e: {  	v33 =	vld.idx.msk [tilespmem:v1+s23+$0x110 ss:$0x1], $0xffff;
	_ =	sdelay $0x1  }
0x18f: {  	v35 =	vld.idx.msk [tilespmem:v1+s23+$0x190 ss:$0x1], $0xffff  }
0x190: {  	v4 =	vshll.u32 v29, $0x3;
	v6 =	vshll.u32 v31, $0x3  }
0x191: {  	v37 =	vshll.u32 v32, $0x3;
	v38 =	vshll.u32 v34, $0x3;
	v36 =	vshrl.u32 v30, v6  }
0x192: {  	v3 =	vshrl.u32 v3, v4;
	v5 =	vshrl.u32 v33, v37;
	v4 =	vshll.u32 v36, $0x8  }
0x193: {  	v3 =	vand.u32 $0xFF, v3;
	v5 =	vshll.u32 v5, $0x10;
	v4 =	vand.u32 $0xFF00, v4  }
0x194: {  	v40 =	vshrl.u32 v35, v38;
	v39 =	vand.u32 $0xFF0000, v5;
	v3 =	vor.u32 v3, v4  }
0x195: {  	v41 =	vshll.u32 v40, $0x18;
	v3 =	vor.u32 v39, v3  }
0x196: {  	v3 =	vor.u32 v41, v3  }
0x197: {  	[tilespmem:s22+$0xFFFFFFA0] =	vst v3  }
0x198: {  	v3 =	vld.idx.msk [tilespmem:v1+s23+$0x20 ss:$0x1], $0xffff  }
0x199: {  	v42 =	vld.idx.msk [tilespmem:v2+s23+$0x20 ss:$0x1], $0xffff  }
0x19a: {  	v43 =	vld.idx.msk [tilespmem:v1+s23+$0xA0 ss:$0x1], $0xffff  }
0x19b: {  	v44 =	vld.idx.msk [tilespmem:v2+s23+$0xA0 ss:$0x1], $0xffff  }
0x19c: {  	v45 =	vld.idx.msk [tilespmem:v2+s23+$0x120 ss:$0x1], $0xffff  }
0x19d: {  	v47 =	vld.idx.msk [tilespmem:v2+s23+$0x1A0 ss:$0x1], $0xffff  }
0x19e: {  	v46 =	vld.idx.msk [tilespmem:v1+s23+$0x120 ss:$0x1], $0xffff;
	_ =	sdelay $0x1  }
0x19f: {  	v48 =	vld.idx.msk [tilespmem:v1+s23+$0x1A0 ss:$0x1], $0xffff  }
0x1a0: {  	v4 =	vshll.u32 v42, $0x3;
	v6 =	vshll.u32 v44, $0x3  }
0x1a1: {  	v50 =	vshll.u32 v45, $0x3;
	v51 =	vshll.u32 v47, $0x3;
	v49 =	vshrl.u32 v43, v6  }
0x1a2: {  	v3 =	vshrl.u32 v3, v4;
	v5 =	vshrl.u32 v46, v50;
	v4 =	vshll.u32 v49, $0x8  }
0x1a3: {  	v3 =	vand.u32 $0xFF, v3;
	v5 =	vshll.u32 v5, $0x10;
	v4 =	vand.u32 $0xFF00, v4  }
0x1a4: {  	v53 =	vshrl.u32 v48, v51;
	v52 =	vand.u32 $0xFF0000, v5;
	v3 =	vor.u32 v3, v4  }
0x1a5: {  	v54 =	vshll.u32 v53, $0x18;
	v3 =	vor.u32 v52, v3  }
0x1a6: {  	v3 =	vor.u32 v54, v3  }
0x1a7: {  	[tilespmem:s22+$0xFFFFFFB0] =	vst v3  }
0x1a8: {  	v3 =	vld.idx.msk [tilespmem:v1+s23+$0x30 ss:$0x1], $0xffff  }
0x1a9: {  	v55 =	vld.idx.msk [tilespmem:v2+s23+$0x30 ss:$0x1], $0xffff  }
0x1aa: {  	v56 =	vld.idx.msk [tilespmem:v1+s23+$0xB0 ss:$0x1], $0xffff  }
0x1ab: {  	v57 =	vld.idx.msk [tilespmem:v2+s23+$0xB0 ss:$0x1], $0xffff  }
0x1ac: {  	v58 =	vld.idx.msk [tilespmem:v2+s23+$0x130 ss:$0x1], $0xffff  }
0x1ad: {  	v60 =	vld.idx.msk [tilespmem:v2+s23+$0x1B0 ss:$0x1], $0xffff  }
0x1ae: {  	v59 =	vld.idx.msk [tilespmem:v1+s23+$0x130 ss:$0x1], $0xffff;
	_ =	sdelay $0x1  }
0x1af: {  	v61 =	vld.idx.msk [tilespmem:v1+s23+$0x1B0 ss:$0x1], $0xffff  }
0x1b0: {  	v4 =	vshll.u32 v55, $0x3;
	v6 =	vshll.u32 v57, $0x3  }
0x1b1: {  	v63 =	vshll.u32 v58, $0x3;
	v9 =	vshll.u32 v60, $0x3;
	v62 =	vshrl.u32 v56, v6  }
0x1b2: {  	v3 =	vshrl.u32 v3, v4;
	v5 =	vshrl.u32 v59, v63;
	v4 =	vshll.u32 v62, $0x8  }
0x1b3: {  	v3 =	vand.u32 $0xFF, v3;
	v5 =	vshll.u32 v5, $0x10;
	v4 =	vand.u32 $0xFF00, v4  }
0x1b4: {  	v12 =	vshrl.u32 v61, v9;
	v11 =	vand.u32 $0xFF0000, v5;
	v3 =	vor.u32 v3, v4  }
0x1b5: {  	v13 =	vshll.u32 v12, $0x18;
	v3 =	vor.u32 v11, v3  }
0x1b6: {  	v3 =	vor.u32 v13, v3  }
0x1b7: {  	[tilespmem:s22+$0xFFFFFFC0] =	vst v3  }
0x1b8: {  	v3 =	vld.idx.msk [tilespmem:v1+s23+$0x40 ss:$0x1], $0xffff  }
0x1b9: {  	v14 =	vld.idx.msk [tilespmem:v2+s23+$0x40 ss:$0x1], $0xffff  }
0x1ba: {  	v15 =	vld.idx.msk [tilespmem:v1+s23+$0xC0 ss:$0x1], $0xffff  }
0x1bb: {  	v16 =	vld.idx.msk [tilespmem:v2+s23+$0xC0 ss:$0x1], $0xffff  }
0x1bc: {  	v17 =	vld.idx.msk [tilespmem:v2+s23+$0x140 ss:$0x1], $0xffff  }
0x1bd: {  	v19 =	vld.idx.msk [tilespmem:v2+s23+$0x1C0 ss:$0x1], $0xffff  }
0x1be: {  	v18 =	vld.idx.msk [tilespmem:v1+s23+$0x140 ss:$0x1], $0xffff;
	_ =	sdelay $0x1  }
0x1bf: {  	v20 =	vld.idx.msk [tilespmem:v1+s23+$0x1C0 ss:$0x1], $0xffff  }
0x1c0: {  	v4 =	vshll.u32 v14, $0x3;
	v6 =	vshll.u32 v16, $0x3  }
0x1c1: {  	v22 =	vshll.u32 v17, $0x3;
	v23 =	vshll.u32 v19, $0x3;
	v21 =	vshrl.u32 v15, v6  }
0x1c2: {  	v3 =	vshrl.u32 v3, v4;
	v5 =	vshrl.u32 v18, v22;
	v4 =	vshll.u32 v21, $0x8  }
0x1c3: {  	v3 =	vand.u32 $0xFF, v3;
	v5 =	vshll.u32 v5, $0x10;
	v4 =	vand.u32 $0xFF00, v4  }
0x1c4: {  	v25 =	vshrl.u32 v20, v23;
	v24 =	vand.u32 $0xFF0000, v5;
	v3 =	vor.u32 v3, v4  }
0x1c5: {  	v26 =	vshll.u32 v25, $0x18;
	v3 =	vor.u32 v24, v3  }
0x1c6: {  	v3 =	vor.u32 v26, v3  }
0x1c7: {  	[tilespmem:s22+$0xFFFFFFD0] =	vst v3  }
0x1c8: {  	v3 =	vld.idx.msk [tilespmem:v1+s23+$0x50 ss:$0x1], $0xffff  }
0x1c9: {  	v27 =	vld.idx.msk [tilespmem:v2+s23+$0x50 ss:$0x1], $0xffff  }
0x1ca: {  	v28 =	vld.idx.msk [tilespmem:v1+s23+$0xD0 ss:$0x1], $0xffff  }
0x1cb: {  	v29 =	vld.idx.msk [tilespmem:v2+s23+$0xD0 ss:$0x1], $0xffff  }
0x1cc: {  	v30 =	vld.idx.msk [tilespmem:v2+s23+$0x150 ss:$0x1], $0xffff  }
0x1cd: {  	v32 =	vld.idx.msk [tilespmem:v2+s23+$0x1D0 ss:$0x1], $0xffff  }
0x1ce: {  	v31 =	vld.idx.msk [tilespmem:v1+s23+$0x150 ss:$0x1], $0xffff;
	_ =	sdelay $0x1  }
0x1cf: {  	v33 =	vld.idx.msk [tilespmem:v1+s23+$0x1D0 ss:$0x1], $0xffff  }
0x1d0: {  	v4 =	vshll.u32 v27, $0x3;
	v6 =	vshll.u32 v29, $0x3  }
0x1d1: {  	v35 =	vshll.u32 v30, $0x3;
	v36 =	vshll.u32 v32, $0x3;
	v34 =	vshrl.u32 v28, v6  }
0x1d2: {  	v3 =	vshrl.u32 v3, v4;
	v5 =	vshrl.u32 v31, v35;
	v4 =	vshll.u32 v34, $0x8  }
0x1d3: {  	v3 =	vand.u32 $0xFF, v3;
	v5 =	vshll.u32 v5, $0x10;
	v4 =	vand.u32 $0xFF00, v4  }
0x1d4: {  	v38 =	vshrl.u32 v33, v36;
	v37 =	vand.u32 $0xFF0000, v5;
	v3 =	vor.u32 v3, v4  }
0x1d5: {  	v39 =	vshll.u32 v38, $0x18;
	v3 =	vor.u32 v37, v3  }
0x1d6: {  	v3 =	vor.u32 v39, v3  }
0x1d7: {  	[tilespmem:s22+$0xFFFFFFE0] =	vst v3  }
0x1d8: {  	v3 =	vld.idx.msk [tilespmem:v1+s23+$0x60 ss:$0x1], $0xffff  }
0x1d9: {  	v40 =	vld.idx.msk [tilespmem:v2+s23+$0x60 ss:$0x1], $0xffff  }
0x1da: {  	v41 =	vld.idx.msk [tilespmem:v1+s23+$0xE0 ss:$0x1], $0xffff  }
0x1db: {  	v42 =	vld.idx.msk [tilespmem:v2+s23+$0xE0 ss:$0x1], $0xffff  }
0x1dc: {  	v43 =	vld.idx.msk [tilespmem:v2+s23+$0x160 ss:$0x1], $0xffff  }
0x1dd: {  	v45 =	vld.idx.msk [tilespmem:v2+s23+$0x1E0 ss:$0x1], $0xffff  }
0x1de: {  	v44 =	vld.idx.msk [tilespmem:v1+s23+$0x160 ss:$0x1], $0xffff;
	_ =	sdelay $0x1  }
0x1df: {  	v46 =	vld.idx.msk [tilespmem:v1+s23+$0x1E0 ss:$0x1], $0xffff  }
0x1e0: {  	v4 =	vshll.u32 v40, $0x3;
	v6 =	vshll.u32 v42, $0x3  }
0x1e1: {  	v48 =	vshll.u32 v43, $0x3;
	v49 =	vshll.u32 v45, $0x3;
	v47 =	vshrl.u32 v41, v6  }
0x1e2: {  	v3 =	vshrl.u32 v3, v4;
	v5 =	vshrl.u32 v44, v48;
	v4 =	vshll.u32 v47, $0x8  }
0x1e3: {  	v3 =	vand.u32 $0xFF, v3;
	v5 =	vshll.u32 v5, $0x10;
	v4 =	vand.u32 $0xFF00, v4  }
0x1e4: {  	v51 =	vshrl.u32 v46, v49;
	v50 =	vand.u32 $0xFF0000, v5;
	v3 =	vor.u32 v3, v4  }
0x1e5: {  	v52 =	vshll.u32 v51, $0x18;
	v3 =	vor.u32 v50, v3  }
0x1e6: {  	v3 =	vor.u32 v52, v3  }
0x1e7: {  	[tilespmem:s22+$0xFFFFFFF0] =	vst v3  }
0x1e8: {  	v3 =	vld.idx.msk [tilespmem:v1+s23+$0x70 ss:$0x1], $0xffff  }
0x1e9: {  	v53 =	vld.idx.msk [tilespmem:v2+s23+$0x70 ss:$0x1], $0xffff  }
0x1ea: {  	v54 =	vld.idx.msk [tilespmem:v1+s23+$0xF0 ss:$0x1], $0xffff  }
0x1eb: {  	v55 =	vld.idx.msk [tilespmem:v2+s23+$0xF0 ss:$0x1], $0xffff  }
0x1ec: {  	v56 =	vld.idx.msk [tilespmem:v2+s23+$0x170 ss:$0x1], $0xffff  }
0x1ed: {  	v58 =	vld.idx.msk [tilespmem:v2+s23+$0x1F0 ss:$0x1], $0xffff  }
0x1ee: {  	v57 =	vld.idx.msk [tilespmem:v1+s23+$0x170 ss:$0x1], $0xffff;
	_ =	sdelay $0x1  }
0x1ef: {  	v59 =	vld.idx.msk [tilespmem:v1+s23+$0x1F0 ss:$0x1], $0xffff  }
0x1f0: {  	v4 =	vshll.u32 v53, $0x3;
	v6 =	vshll.u32 v55, $0x3  }
0x1f1: {  	v61 =	vshll.u32 v56, $0x3;
	v62 =	vshll.u32 v58, $0x3;
	v60 =	vshrl.u32 v54, v6  }
0x1f2: {  	p1 =	sne.s32 s20, $0x1000;
	v3 =	vshrl.u32 v3, v4;
	v5 =	vshrl.u32 v57, v61;
	v4 =	vshll.u32 v60, $0x8  }
.Ltmp5:
0x1f3: {  	v3 =	vand.u32 $0xFF, v3;
	v5 =	vshll.u32 v5, $0x10;
	v4 =	vand.u32 $0xFF00, v4;
	(pc) =	sbr.rel @p1 .LBB2_7-.Ltmp5, $4  }
0x1f4: {  	v63 =	vshrl.u32 v59, v62;
	v5 =	vand.u32 $0xFF0000, v5;
	v3 =	vor.u32 v3, v4  }
0x1f5: {  	v4 =	vshll.u32 v63, $0x18;
	v3 =	vor.u32 v5, v3  }
0x1f6: {  	v3 =	vor.u32 v4, v3  }
0x1f7: {  	s20 =	sadd.s32 $0x800, s20;
	[tilespmem:s22+$0x0] =	vst v3;
	s22 =	sadd.s32 $0x80, s22  }
.Ltmp6:
0x1f8: {  	(pc) =	sbr.rel .LBB2_9-.Ltmp6, $4  }
0x1f9: {  	_ = 	snop  }
0x1fa: {  	s20 =	sshrl.u32 s19, $0x2;
	s31 =	sshrl.u32 s19, $0x5  }
0x1fb: {  	s19 =	sadd.s32 s31, s9;
	s20 =	sand.u32 $0x7, s20  }
0x1fc: {  	[hbm4b:s19+s20] =	stream.linear.scatter [tilespmem:s21], [sflag:$0x4], $0x380, $0x38;
	[tilespmem:$0x4D00] =	vst v63  }
.LBB2_10:
0x1fd: {  	_ =	sfence.sel $0x180000  }
0x1fe: {  	s2 =	simm.s32 $0x2;
	[bflag:$0x0] =	sbarrier.arrive $0xFFFF  }
0x1ff: {  	s29 =	simm.s32 $0x3;
	[sflag:s2] =	ssyncpa.u1 $0x1  }
0x200: {  	s30 =	simm.s32 $0x4;
	[sflag:s29] =	ssyncpa.u1 $0x1  }
0x201: {  	s31 =	simm.s32 $0x1;
	[sflag:s30] =	ssyncpa.u1 $0x1  }
0x202: {  	[sflag:s31] =	ssyncpa.u1 $0x1  }
0x203: {  	p0 =	sne.s32 s0, $0x0;
	_ =	strace $0x9000004A  }
0x204: {  	s0 =	sadd.s32 @!p0 $0x100000, s1;
	[bflag:$0x2] =	sbarrier.arrive $0xFFFF  }
0x205: {  	[sflag:s0] =	ssyncadd.tile.s32 @!p0 $0x1;
	_ =	shalt  }
.Lfunc_end2:
_tile_overlayer_lowered:
.L_overlay_start_2:
0x206: {  	(tag) =	ssettag $0x2  }
0x207: {  	s0 =	rddreg [dreg:$0x0];
	s2 =	stileid.u32  }
0x208: {  	s1 =	rddreg [dreg:$0x1];
	p0 =	sne.s32 s2, $0x0  }
0x209: {  	s3 =	rddreg [dreg:$0x2];
	[bflag:$0x3] =	sbarrier.arrive $0xFFFF;
	s2 =	simm.s32 @!p0 $0x1C01  }
0x20a: {  	[timem:s3], [sflag:s2] =	dma.local @!p0 [hbm:s0], s1  }
0x20b: {  	s0 =	simm.s32 @!p0 $0x1  }
0x20c: {  	_ =	swait.ge @!p0 [sflag:s0], s1  }
0x20d: {  	s1 =	ssub.s32 @!p0 $0x0, s1;
	[sflag:s0] =	ssyncset.done @!p0 $0x0  }
0x20e: {  	[sflag:s0] =	ssyncadd.s32 @!p0 s1  }
0x20f: {  	[bflag:$0x3] =	sbarrier.arrive $0xFFFF  }
0x210: {  	_ =	shalt  }

// kernel: gather_offload_async_start
scs
__scs_entry_jumppad:
0x0: {  	(pc) =	sbr.rel $0x88, $3  }
0x1: {  	(tag) =	ssettag $0x0;
	lr =	simm.s32 $0x1  }
0x2: {  	[smem:$0x3F9F] =	sst lr;
	_ =	strace $0xD0000000  }
0x3: {  	_ = 	snop  }
0x4: {  	_ = 	snop  }
0x5: {  	_ = 	snop  }
0x6: {  	_ = 	snop  }
0x7: {  	_ = 	snop  }
__scs_overlays_trampoline_lowered:
0x8: {  	[smem:$0x3FAE] =	sst s0  }
0x9: {  	[smem:$0x3FAF] =	sst s1  }
0xa: {  	[smem:$0x3FB0] =	sst s2  }
0xb: {  	[smem:$0x3FB1] =	sst s3  }
0xc: {  	[smem:$0x3FB2] =	sst s4  }
0xd: {  	[smem:$0x3FB3] =	sst s5  }
0xe: {  	[smem:$0x3FB4] =	sst s6  }
0xf: {  	[smem:$0x3FB5] =	sst s7  }
0x10: {  	[smem:$0x3FB6] =	sst s8  }
0x11: {  	[smem:$0x3FB7] =	sst s9;
	s0 =	simm.s32 @!p0 $0x0  }
0x12: {  	s1 =	sld [smem:$0x3F9D];
	s0 =	simm.s32 @p0 $0x1  }
0x13: {  	[smem:$0x3FB8] =	sst s0;
	s0 =	simm.s32 @!p1 $0x0  }
0x14: {  	s2 =	sld [smem:$0x3F9C];
	s0 =	simm.s32 @p1 $0x1  }
0x15: {  	[smem:$0x3FB9] =	sst s0;
	s0 =	simm.s32 @!p2 $0x0  }
0x16: {  	s3 =	sld [smem:$0x3FDB];
	s0 =	simm.s32 @p2 $0x1  }
0x17: {  	s4 =	simm.s32 $0x1BF5;
	[smem:$0x3FBB] =	sst s0  }
0x18: {  	s0 =	sld [smem:$0x3F9E];
	_ =	swait.ge [sflag:s4], $0x0  }
0x19: {  	s7 =	sld [smem:$0x3F9F]  }
0x1a: {  	s8 =	sadd.s32 $0xFFFFE003, lr  }
0x1b: {  	s9 =	sadd.s32 $0xFFFFFEF7, lr;
	s5 =	simm.s32 $0xFFFFFFFF;
	p2 =	slt.u32 s8, $0xFFFFF086  }
0x1c: {  	p1 =	slt.u32 s9, $0xF7A;
	s5 =	simm.s32 @!p2 $0x0  }
0x1d: {  	s5 =	simm.s32 @p1 $0x1;
	p0 =	seq.s32 s7, s2  }
0x1e: {  	s7 =	smul.u32 @!p0 $0xF7A, s2;
	p2 =	seq.s32 @!p0 s5, $0x0  }
0x1f: {  	s9 =	smul.u32 $0xF7A, s1;
	s8 =	simm.s32 @!p0 $0x1BF5;
	p2 =	por !p2, p0  }
0x20: {  	[sflag:s8] =	ssyncset.s32 @!p0 $0xFFFFF086;
	s6 =	sadd.s32 @!p0 s3, s7;
	s7 =	simm.s32 @!p0 $0x108  }
0x21: {  	s3 =	sadd.s32 s3, s9;
	s6 =	sadd.s32 @!p0 $0x88, s6;
	s7 =	simm.s32 @p2 $0x1082  }
0x22: {  	[simem:s7], [sflag:s8] =	dma.local @!p0 [hbm:s6], $0xF7A  }
0x23: {  	s9 =	sor.u32 $0xD0000000, s2;
	s6 =	simm.s32 $0x108;
	_ =	swait.ge @!p0 [sflag:s8], $0x0  }
0x24: {  	s3 =	sadd.s32 $0x88, s3;
	s6 =	simm.s32 @!p1 $0x1082;
	[sflag:s4] =	ssyncset.s32 $0xFFFFF086  }
0x25: {  	[simem:s6], [sflag:s4] =	dma.local [hbm:s3], $0xF7A  }
0x26: {  	[smem:$0x3F9F] =	sst s1;
	(tag) =	ssettag s2;
	_ =	strace s9  }
0x27: {  	s1 =	sld [smem:$0x3FAF]  }
0x28: {  	s2 =	sld [smem:$0x3FB0]  }
0x29: {  	s4 =	sld [smem:$0x3FB2]  }
0x2a: {  	p0 =	seq.s32 s5, $0x0;
	s5 =	sld [smem:$0x3FB3]  }
0x2b: {  	s6 =	sld [smem:$0x3FB4]  }
0x2c: {  	s7 =	sld [smem:$0x3FB5]  }
0x2d: {  	s3 =	simm.s32 $0x108;
	s8 =	sld [smem:$0x3FB6]  }
0x2e: {  	s3 =	simm.s32 @!p0 $0x1082;
	s9 =	sld [smem:$0x3FB7]  }
0x2f: {  	lr =	sadd.s32 s0, s3;
	s0 =	sld [smem:$0x3FAE]  }
0x30: {  	s3 =	sld [smem:$0x3FB1]  }
0x31: {  	[smem:$0x3FBA] =	sst s10  }
0x32: {  	s10 =	sld [smem:$0x3FB8];
	_ =	sdelay $0x3  }
0x33: {  	p0 =	seq.s32 s10, $0x1;
	s10 =	sld [smem:$0x3FBA];
	_ =	sdelay $0x3  }
0x34: {  	[smem:$0x3FBA] =	sst s10  }
0x35: {  	s10 =	sld [smem:$0x3FB9];
	_ =	sdelay $0x3  }
0x36: {  	p1 =	seq.s32 s10, $0x1;
	s10 =	sld [smem:$0x3FBA];
	_ =	sdelay $0x3  }
0x37: {  	[smem:$0x3FBA] =	sst s10  }
0x38: {  	s10 =	sld [smem:$0x3FBB]  }
0x39: {  	_ = 	snop;
	(pc) =	sbr.ind lr, $3  }
0x3a: {  	_ = 	snop  }
0x3b: {  	_ = 	snop  }
0x3c: {  	p2 =	seq.s32 s10, $0x1;
	s10 =	sld [smem:$0x3FBA]  }
0x3d: {  	_ =	shalt  }
0x3e: {  	_ =	shalt  }
0x3f: {  	_ =	shalt  }
0x40: {  	_ =	shalt  }
0x41: {  	_ =	shalt  }
0x42: {  	_ =	shalt  }
0x43: {  	_ =	shalt  }
0x44: {  	_ =	shalt  }
0x45: {  	_ =	shalt  }
0x46: {  	_ =	shalt  }
0x47: {  	_ =	shalt  }
0x48: {  	_ =	shalt  }
0x49: {  	_ =	shalt  }
0x4a: {  	_ =	shalt  }
0x4b: {  	_ =	shalt  }
0x4c: {  	_ =	shalt  }
0x4d: {  	_ =	shalt  }
0x4e: {  	_ =	shalt  }
0x4f: {  	_ =	shalt  }
0x50: {  	_ =	shalt  }
0x51: {  	_ =	shalt  }
0x52: {  	_ =	shalt  }
0x53: {  	_ =	shalt  }
0x54: {  	_ =	shalt  }
0x55: {  	_ =	shalt  }
0x56: {  	_ =	shalt  }
0x57: {  	_ =	shalt  }
0x58: {  	_ =	shalt  }
0x59: {  	_ =	shalt  }
0x5a: {  	_ =	shalt  }
0x5b: {  	_ =	shalt  }
0x5c: {  	_ =	shalt  }
0x5d: {  	_ =	shalt  }
0x5e: {  	_ =	shalt  }
0x5f: {  	_ =	shalt  }
0x60: {  	_ =	shalt  }
0x61: {  	_ =	shalt  }
0x62: {  	_ =	shalt  }
0x63: {  	_ =	shalt  }
0x64: {  	_ =	shalt  }
0x65: {  	_ =	shalt  }
0x66: {  	_ =	shalt  }
0x67: {  	_ =	shalt  }
0x68: {  	_ =	shalt  }
0x69: {  	_ =	shalt  }
0x6a: {  	_ =	shalt  }
0x6b: {  	_ =	shalt  }
0x6c: {  	_ =	shalt  }
0x6d: {  	_ =	shalt  }
0x6e: {  	_ =	shalt  }
0x6f: {  	_ =	shalt  }
0x70: {  	_ =	shalt  }
0x71: {  	_ =	shalt  }
0x72: {  	_ =	shalt  }
0x73: {  	_ =	shalt  }
0x74: {  	_ =	shalt  }
0x75: {  	_ =	shalt  }
0x76: {  	_ =	shalt  }
0x77: {  	_ =	shalt  }
0x78: {  	_ =	shalt  }
0x79: {  	_ =	shalt  }
0x7a: {  	_ =	shalt  }
0x7b: {  	_ =	shalt  }
0x7c: {  	_ =	shalt  }
0x7d: {  	_ =	shalt  }
0x7e: {  	_ =	shalt  }
0x7f: {  	_ =	shalt  }
0x80: {  	_ =	shalt  }
0x81: {  	_ =	shalt  }
0x82: {  	_ =	shalt  }
0x83: {  	_ =	shalt  }
0x84: {  	_ =	shalt  }
0x85: {  	_ =	shalt  }
0x86: {  	_ =	shalt  }
0x87: {  	_ =	shalt  }
.Lfunc_end0:
.L_simem_size_0:
called_computation_lowered:
.L_overlay_start_0:
0x88: {  	s2 =	sld [smem:$0x3FD9]  }
0x89: {  	s3 =	sld [smem:$0x3FFE];
	_ =	sdelay $0x1  }
0x8a: {  	s1 =	srdreg.scid  }
0x8b: {  	s0 =	sand.u32 $0x1, s1  }
0x8c: {  	s16 =	sshll.u32 s0, $0xA;
	s2 =	sadd.s32 s3, s2  }
0x8d: {  	s2 =	sadd.s32 s2, s16  }
0x8e: {  	[smem:$0x3FC6] =	sst s2  }
0x8f: {  	_ = 	snop  }
0x90: {  	(tm) =	ssettm $0x1  }
0x91: {  	s17 =	sld [smem:$0x3FFB];
	_ =	sdelay $0x3  }
0x92: {  	_ =	strace s17  }
0x93: {  	s2 =	sld [smem:$0x3FFC];
	_ =	sdelay $0x3  }
0x94: {  	_ =	strace s2  }
0x95: {  	s2 =	sld [smem:$0x3FFD];
	_ =	sdelay $0x3  }
0x96: {  	_ =	strace s2  }
0x97: {  	_ =	strace $0x8FFFFFFF  }
0x98: {  	s18 =	sld [smem:$0x3FDB];
	_ =	sdelay $0x1  }
0x99: {  	s19 =	simm.s32 $_scs_section_size  }
0x9a: {  	s4 =	simm.s32 $_size__tile_overlayer_lowered;
	s5 =	simm.s32 $_tile_overlayer_lowered  }
0x9b: {  	s22 =	simm.s32 $0x1BFF;
	s21 =	sshll.u32 s5, $0x1;
	s2 =	sadd.s32 s19, s18  }
0x9c: {  	s6 =	simm.s32 $0x0;
	s20 =	sshll.u32 s4, $0x1;
	s4 =	sadd.s32 s21, s2  }
0x9d: {  	[timem:s6], [sflag:s22] =	dma.local [hbm:s4], s20  }
0x9e: {  	_ =	swait.ge [sflag:s22], s20  }
0x9f: {  	s3 =	ssub.s32 $0x0, s20;
	[sflag:s22] =	ssyncset.done $0x0  }
0xa0: {  	[sflag:s22] =	ssyncadd.s32 s3;
	_ =	sdelay $0x1  }
0xa1: {  	s23 =	simm.s32 $0x1B8B  }
0xa2: {  	_ =	swait.ge [sflag:s23], $0x1  }
0xa3: {  	[sflag:s23] =	ssyncset.done $0x0  }
0xa4: {  	s25 =	simm.s32 $0x1B8E;
	s24 =	sld [smem:$0x3FFE];
	[sflag:s23] =	ssyncadd.s32 $0xFFFFFFFF  }
0xa5: {  	s26 =	simm.s32 $execute0_lowered;
	[smem:$0x3FD2] =	sst s25  }
0xa6: {  	s4 =	sshll.u32 s26, $0x1;
	_ =	strace $0x80000046;
	[dreg:$0x1] =	wrdreg $0xFFFFFFFF  }
0xa7: {  	s28 =	simm.s32 $_size_execute0_lowered;
	s2 =	sadd.s32 s2, s4;
	[dreg:$0x0] =	wrdreg $0x0  }
0xa8: {  	s4 =	sshll.u32 s28, $0x1;
	[dreg:$0x2] =	wrdreg s2  }
0xa9: {  	[dreg:$0x3] =	wrdreg s4  }
0xaa: {  	[dreg:$0x4] =	wrdreg $0xC0  }
0xab: {  	_ =	task [dreg:s6], $0x5FFFF  }
0xac: {  	[dreg:$0x1] =	wrdreg $0xFFFFFFFF  }
0xad: {  	[dreg:$0x0] =	wrdreg $0x60  }
0xae: {  	[dreg:$0x2] =	wrdreg s24  }
0xaf: {  	[dreg:$0x3] =	wrdreg $0x9  }
0xb0: {  	_ =	task.clear_ibuf [dreg:s6], $0x4FFFF;
	_ =	strace $0x90000046  }
0xb1: {  	s29 =	simm.s32 $0x9;
	_ =	strace $0x80000048  }
0xb2: {  	_ =	swait.ge [sflag:s29], $0x1  }
0xb3: {  	[sflag:s29] =	ssyncadd.s32 $0xFFFFFFFF  }
0xb4: {  	_ =	strace $0x90000048  }
0xb5: {  	_ =	sfence  }
0xb6: {  	s30 =	sld [smem:$0x0];
	_ =	sdelay $0x2  }
0xb7: {  	s31 =	sshll.u32 s1, $0xD;
	s1 =	sshrl.u32 s1, $0x2  }
0xb8: {  	s3 =	sand.u32 $0x4000, s31;
	s1 =	sadd.s32 s1, s30  }
0xb9: {  	s0 =	sor.u32 s3, s0;
	s1 =	sshll.u32 s1, $0x11  }
0xba: {  	s0 =	sor.u32 s1, s0  }
0xbb: {  	s0 =	sadd.s32 $0x8F2B, s0  }
0xbc: {  	[sflag:s0] =	ssyncadd.remote.s32 $0x1  }
0xbd: {  	_ =	sfence.sel $0xFFFF  }
0xbe: {  	[dreg:$0x0] =	wrdreg $0xFFFFFFFF;
	(pc) =	sbr.abs _section_cstart, $3  }
0xbf: {  	[dreg:$0x1] =	wrdreg $0xFFFFFFFF  }
0xc0: {  	_ =	task.clear_ibuf [dreg:s6], $0x2FFFF;
	_ =	strace $0x9FFFFFFF  }
0xc1: {  	(tm) =	ssettm $0x7FFFFFFF  }
tec
execute0_lowered:
.L_overlay_start_1:
0x0: {  	(tag) =	ssettag $0x1  }
0x1: {  	s0 =	srdreg.scid  }
0x2: {  	s1 =	sshll.u32 s0, $0x4  }
0x3: {  	s0 =	stileid.u32;
	s1 =	sand.u32 $0x10, s1  }
0x4: {  	s1 =	sor.u32 s0, s1  }
0x5: {  	s2 =	smin.u32 s1, $0x1C  }
0x6: {  	p0 =	slt.u32 s1, $0x1C;
	s1 =	simm.s32 $0xE00;
	s2 =	smul.u32 $0xE00, s2  }
0x7: {  	s1 =	simm.s32 @!p0 $0x0  }
0x8: {  	s1 =	sadd.s32 s1, s2  }
0x9: {  	s9 =	rddreg [dreg:$0x0];
	s3 =	smin.u32 s1, $0x18800  }
0xa: {  	s11 =	simm.s32 $0x1;
	s6 =	simm.s32 $0x2;
	s7 =	ssub.s32 s3, s2  }
0xb: {  	s31 =	simm.s32 $0x4;
	s12 =	simm.s32 $0xFFFFF200;
	p0 =	sgt.s32 s7, $0x0  }
0xc: {  	s13 =	simm.s32 $0xFFFFFFFF;
	s14 =	simm.s32 $0xFFFFEC00;
	s7 =	simm.s32 @!p0 $0x0  }
0xd: {  	s15 =	simm.s32 $0xFFFFFFFE;
	s19 =	simm.s32 $0x0;
	s8 =	smulhi.u32 $0x124925, s7  }
0xe: {  	s16 =	simm.s32 $0x0;
	s18 =	simm.s32 $0x0;
	s4 =	sadd.s32 $0x10000, s9  }
0xf: {  	s5 =	sadd.s32 $0x25200, s9;
	s9 =	sadd.s32 $0xD200, s9;
	s10 =	smul.u32 $0xE00, s8  }
.Ltmp0:
0x10: {  	s1 =	rddreg [dreg:$0x1];
	_ =	strace $0x80000047;
	(pc) =	sbr.rel .LBB2_1-.Ltmp0, $4  }
0x11: {  	s17 =	smov.u32 s2;
	[sflag:s11] =	ssyncpa.u1 $0x0;
	p0 =	sne.s32 s7, s10  }
0x12: {  	[sflag:s6] =	ssyncpa.u1 $0x0;
	s7 =	simm.s32 $0x3;
	s11 =	simm.s32 @!p0 $0x0  }
0x13: {  	[sflag:s7] =	ssyncpa.u1 $0x0;
	p0 =	por $0x0, $0x0;
	s8 =	sadd.s32 s11, s8  }
0x14: {  	v0 =	vlaneseq.u32;
	vm0 =	vmmov $0xffff;
	[sflag:s31] =	ssyncpa.u1 $0x0;
	s11 =	simm.s32 $0x0;
	s10 =	sadd.s32 $0x2, s8  }
.LBB2_9:
0x15: {  	p1 =	slt.u32 s18, $0x3  }
0x16: {  	s19 =	simm.s32 @!p1 $0x4  }
0x17: {  	_ =	swait.ge @!p1 [sflag:s19], $0x380  }
0x18: {  	[sflag:s19] =	ssyncset.done @!p1 $0x0  }
0x19: {  	[sflag:s19] =	ssyncadd.s32 @!p1 $0xFFFFFC80;
	p1 =	sne.s32 s18, s10  }
.Ltmp1:
0x1a: {  	s20 =	sadd.s32 $0xE00, s17;
	s21 =	smov.u32 s2;
	(pc) =	sbr.rel @!p1 .LBB2_10-.Ltmp1, $4  }
0x1b: {  	s31 =	sadd.s32 $0x1, s18;
	s12 =	sadd.s32 $0xE00, s12;
	s13 =	sadd.s32 $0x1, s13  }
0x1c: {  	p0 =	por !p0, !p0;
	s14 =	sadd.s32 $0xE00, s14;
	p2 =	slt.s32 s20, s3  }
0x1d: {  	s15 =	sadd.s32 $0x1, s15;
	s21 =	smov.u32 @p2 s20;
	s19 =	smov.u32 s16  }
0x1e: {  	s16 =	smov.u32 s17;
	s17 =	smov.u32 s21;
	s18 =	smov.u32 s31  }
.LBB2_1:
0x1f: {  	p1 =	sge.u32 s18, s8  }
0x20: {  	s20 =	smulhi.u32 @!p1 $0xAAAAAAAB, s18;
	_ =	sdelay $0x1  }
0x21: {  	s20 =	sshrl.u32 @!p1 s20, $0x1  }
0x22: {  	s20 =	smul.u32 @!p1 $0x3, s20;
	_ =	sdelay $0x1  }
0x23: {  	s20 =	ssub.s32 @!p1 s18, s20  }
0x24: {  	s20 =	smul.u32 @!p1 $0x3800, s20  }
0x25: {  	s21 =	sshrl.u32 @!p1 s17, $0x3  }
0x26: {  	s22 =	sand.u32 @!p1 $0x7, s17;
	s21 =	sadd.s32 @!p1 s5, s21;
	s20 =	sshrl.u32 @!p1 s20, $0x2  }
0x27: {  	[tilespmem:s20], [sflag:$0x2] =	stream.linear.gather @!p1 [hbm4b:s21+s22], $0xE00, $0x38;
	[tilespmem:$0x4D00] =	vst v63  }
0x28: {  	s21 =	sadd.s32 $0xFFFFFFFF, s18  }
0x29: {  	p1 =	sge.u32 s21, s8  }
.Ltmp2:
0x2a: {  	_ = 	snop;
	(pc) =	sbr.rel @p1 .LBB2_5-.Ltmp2, $1  }
0x2b: {  	_ =	sdelay $0x3  }
0x2c: {  	s20 =	smulhi.u32 $0xAAAAAAAB, s13;
	_ =	sdelay $0x1  }
0x2d: {  	s20 =	sshrl.u32 s20, $0x1  }
0x2e: {  	s20 =	smul.u32 $0xFFFF5800, s20;
	_ =	sdelay $0x1  }
0x2f: {  	_ =	swait.ge [sflag:s6], $0xE00;
	s20 =	sshra.s32 s20, $0x2  }
0x30: {  	s22 =	ssub.s32 $0x18800, s16;
	[sflag:s6] =	ssyncset.done $0x0;
	s20 =	sadd.s32 s20, s12  }
0x31: {  	p1 =	slt.s32 s22, $0xE00;
	[sflag:s6] =	ssyncadd.s32 $0xFFFFF200;
	(ifvalue) =	ssetifvalue $0x7FFFFFFF;
	v1 =	vld.msk [tilespmem:s20+$0x0 ss:$0x1], $0xffff  }
0x32: {  	s22 =	simm.s32 @!p1 $0xE00  }
0x33: {  	p1 =	sgt.s32 s22, $0x0  }
0x34: {  	s23 =	sadd.s32 $0xFFFFFFF0, s22;
	s22 =	simm.s32 @!p1 $0x0  }
0x35: {  	p1 =	sgt.s32 s23, $0x0;
	s22 =	smin.u32 s22, $0x10  }
0x36: {  	s24 =	sadd.s32 $0xFFFFFFF0, s23;
	s23 =	simm.s32 @!p1 $0x0;
	v2 =	vmov s22;
	s30 =	sadd.s32 $0x10, s20;
	vm1 =	veq.s32 v1, $0x80000000;
	v3 =	vand.u32 $0x1, v1  }
0x37: {  	s23 =	smin.u32 s23, $0x10;
	vm3 =	vgt.u32 v2, v0;
	v2 =	vld.msk [tilespmem:s30+$0x0 ss:$0x1], $0xffff;
	v1 =	vshll.u32 v1, $0x1;
	v3 =	vsel vm1, $0xFFFFFFFF, v3  }
0x38: {  	v4 =	vmov s23;
	v1 =	vand.u32 $0x3FFFC, v1;
	v5 =	vshrl.u32 v3, $0x2  }
0x39: {  	vm2 =	vgt.u32 v4, v0;
	v1 =	vsel vm1, $0xFFFFFFFC, v1;
	v5 =	vmul.u32 $0x31000, v5  }
0x3a: {  	vm2 =	vmmov vm2;
	v3 =	vand.u32 $0x3, v3;
	v4 =	vand.u32 $0xFFFFFE00, v1  }
0x3b: {  	vm1 =	vmmov vm3;
	v1 =	vand.u32 $0x1FC, v1;
	v4 =	vadd.s32 v4, v5  }
0x3c: {  	p1 =	sgt.s32 s24, $0x0;
	s23 =	smov.u32 s24;
	vm3 =	veq.s32 v2, $0x80000000;
	[tilespmem:s20+$0x0] =	vst v3;
	s20 =	sadd.s32 $0x10, s30;
	v5 =	vand.u32 $0x1, v2;
	v1 =	vor.u32 v1, v4  }
0x3d: {  	s25 =	sadd.s32 $0xFFFFFFF0, s24;
	s23 =	simm.s32 @!p1 $0x0;
	(ifvalue) =	ssetifvalue $0x7FFFFFFF;
	v2 =	vshll.u32 v2, $0x1;
	v4 =	vld.msk [tilespmem:s20+$0x0 ss:$0x1], $0xffff;
	v5 =	vsel vm3, $0xFFFFFFFF, v5;
	v1 =	vshrl.u32 v1, $0x2  }
0x3e: {  	s24 =	smov.u32 s25;
	p1 =	sgt.s32 s25, $0x0;
	s23 =	smin.u32 s23, $0x10;
	v2 =	vand.u32 $0x3FFFC, v2;
	v6 =	vshrl.u32 v5, $0x2;
	v1 =	vnsel vm1, $0x7FFFFFFF, v1  }
0x3f: {  	s21 =	sand.u32 $0x1, s21;
	s24 =	simm.s32 @!p1 $0x0;
	v3 =	vmov s23;
	v7 =	vsel vm3, $0xFFFFFFFC, v2;
	v6 =	vmul.u32 $0x31000, v6  }
0x40: {  	p1 =	seq.s32 s21, $0x1;
	s31 =	smin.u32 s24, $0x10;
	s23 =	simm.s32 $0x3800;
	v5 =	vand.u32 $0x3, v5;
	vm1 =	vgt.u32 v3, v0;
	v3 =	vand.u32 $0xFFFFFE00, v7  }
0x41: {  	s25 =	sadd.s32 $0xFFFFFFF0, s25;
	s23 =	simm.s32 @!p1 $0x2A00;
	s21 =	sadd.s32 $0x10, s20;
	v2 =	vmov s31;
	[tilespmem:s30+$0x0] =	vst v5;
	v7 =	vand.u32 $0x1FC, v7;
	v5 =	vadd.s32 v3, v6  }
0x42: {  	s24 =	simm.s32 $0x30;
	s22 =	sadd.s32 $0x10, s23;
	(ifvalue) =	ssetifvalue $0x7FFFFFFF;
	v3 =	vld.msk [tilespmem:s21+$0x0 ss:$0x1], $0xffff;
	vm3 =	veq.s32 v4, $0x80000000;
	v6 =	vand.u32 $0x1, v4;
	v5 =	vor.u32 v7, v5  }
.LBB2_3:
0x43: {  	[tilespmem:s23], [sflag:$0x3] =	stream.indirect_vreg.gather [hbm4b:s4+s11], $0x1, v1, vm0, $0x4038;
	[tilespmem:$0x4D00] =	vst v63  }
0x44: {  	p1 =	sgt.s32 s25, $0x0;
	s24 =	sadd.s32 $0x10, s24;
	s26 =	smov.u32 s25  }
0x45: {  	v6 =	vsel vm3, $0xFFFFFFFF, v6;
	v4 =	vshll.u32 v4, $0x1;
	v5 =	vshrl.u32 v5, $0x2;
	s26 =	simm.s32 @!p1 $0x0;
	p1 =	slt.u32 s24, $0xDF0  }
.Ltmp3:
0x46: {  	v7 =	vshrl.u32 v6, $0x2;
	v4 =	vand.u32 $0x3FFFC, v4;
	v1 =	vnsel vm2, $0x7FFFFFFF, v5;
	(pc) =	sbr.rel @p1 .LBB2_3-.Ltmp3, $4  }
0x47: {  	s23 =	smov.u32 s22;
	v5 =	vand.u32 $0x3, v6;
	v6 =	vmul.u32 $0x31000, v7;
	v4 =	vsel vm3, $0xFFFFFFFC, v4  }
0x48: {  	vm2 =	vmmov vm1;
	vm1 =	vgt.u32 v2, v0;
	s26 =	smin.u32 s26, $0x10;
	v7 =	vand.u32 $0xFFFFFE00, v4;
	[tilespmem:s20+$0x0] =	vst v5;
	s20 =	smov.u32 s21  }
0x49: {  	v2 =	vmov s26;
	s21 =	sadd.s32 $0x10, s21;
	v5 =	vadd.s32 v7, v6;
	v7 =	vand.u32 $0x1FC, v4;
	(ifvalue) =	ssetifvalue $0x7FFFFFFF  }
0x4a: {  	s25 =	sadd.s32 $0xFFFFFFF0, s25;
	s22 =	sadd.s32 $0x10, s22;
	vm3 =	veq.s32 v3, $0x80000000;
	v6 =	vand.u32 $0x1, v3;
	v5 =	vor.u32 v7, v5;
	v4 =	vmovc v3;
	v3 =	vld.msk [tilespmem:s21+$0x0 ss:$0x1], $0xffff  }
0x4b: {  	_ =	sdelay $0x1  }
0x4c: {  	v4 =	vshll.u32 v4, $0x1;
	v6 =	vsel vm3, $0xFFFFFFFF, v6  }
0x4d: {  	v5 =	vshrl.u32 v5, $0x2;
	vm1 =	vmmov vm1;
	v4 =	vand.u32 $0x3FFFC, v4  }
0x4e: {  	v4 =	vsel vm3, $0xFFFFFFFC, v4;
	vm3 =	veq.s32 v3, $0x80000000;
	v7 =	vand.u32 $0x1, v3  }
0x4f: {  	v8 =	vshrl.u32 v6, $0x2;
	v3 =	vshll.u32 v3, $0x1;
	v7 =	vsel vm3, $0xFFFFFFFF, v7  }
0x50: {  	v8 =	vmul.u32 $0x31000, v8;
	v3 =	vand.u32 $0x3FFFC, v3;
	v9 =	vshrl.u32 v7, $0x2  }
0x51: {  	v3 =	vsel vm3, $0xFFFFFFFC, v3;
	vm3 =	vgt.u32 v2, v0;
	v2 =	vand.u32 $0xFFFFFE00, v4  }
0x52: {  	v4 =	vand.u32 $0x1FC, v4;
	v9 =	vmul.u32 $0x31000, v9;
	v2 =	vadd.s32 v2, v8  }
0x53: {  	v5 =	vnsel vm2, $0x7FFFFFFF, v5;
	v61 =	vand.u32 $0xFFFFFE00, v3;
	v2 =	vor.u32 v4, v2  }
0x54: {  	v3 =	vand.u32 $0x1FC, v3;
	v62 =	vadd.s32 v61, v9;
	v2 =	vshrl.u32 v2, $0x2  }
0x55: {  	v3 =	vor.u32 v3, v62;
	v2 =	vnsel vm1, $0x7FFFFFFF, v2  }
0x56: {  	[tilespmem:s23], [sflag:$0x3] =	stream.indirect_vreg.gather [hbm4b:s4+s11], $0x1, v1, vm0, $0x4038;
	v63 =	vand.u32 $0x3, v6;
	vm1 =	vmmov vm3;
	v1 =	vshrl.u32 v3, $0x2;
	[tilespmem:$0x4D00] =	vst v63  }
0x57: {  	[tilespmem:s20+$0x0] =	vst v63;
	(ifvalue) =	ssetifvalue $0x7FFFFFFF;
	v1 =	vnsel vm1, $0x7FFFFFFF, v1  }
0x58: {  	[tilespmem:s22], [sflag:$0x3] =	stream.indirect_vreg.gather [hbm4b:s4+s11], $0x1, v5, vm0, $0x4038;
	v3 =	vand.u32 $0x3, v7;
	[tilespmem:$0x4D00] =	vst v63  }
0x59: {  	s31 =	sadd.s32 $0x10, s22;
	[tilespmem:s21+$0x0] =	vst v3;
	(ifvalue) =	ssetifvalue $0x7FFFFFFF  }
0x5a: {  	[tilespmem:s31], [sflag:$0x3] =	stream.indirect_vreg.gather [hbm4b:s4+s11], $0x1, v2, vm0, $0x4038;
	[tilespmem:$0x4D00] =	vst v63  }
0x5b: {  	s20 =	sadd.s32 $0x10, s31  }
0x5c: {  	[tilespmem:s20], [sflag:$0x3] =	stream.indirect_vreg.gather [hbm4b:s4+s11], $0x1, v1, vm0, $0x4038;
	[tilespmem:$0x4D00] =	vst v63  }
.LBB2_5:
0x5d: {  	p1 =	slt.u32 s18, $0x2  }
0x5e: {  	p2 =	sge.u32 @!p1 s18, s10  }
0x5f: {  	p1 =	por p1, p2  }
.Ltmp4:
0x60: {  	_ = 	snop;
	(pc) =	sbr.rel @p1 .LBB2_9-.Ltmp4, $1  }
0x61: {  	_ =	sdelay $0x3  }
0x62: {  	s20 =	sadd.s32 $0xFFFFFFFE, s18  }
0x63: {  	s21 =	smulhi.u32 $0xAAAAAAAB, s20  }
0x64: {  	s23 =	sand.u32 $0x1, s18  }
0x65: {  	s28 =	smul.u32 $0x3800, s23;
	s21 =	sshrl.u32 s21, $0x1  }
0x66: {  	_ =	swait.ge [sflag:s7], $0xE00;
	s21 =	smul.u32 $0x3, s21  }
0x67: {  	[sflag:s7] =	ssyncset.done $0x0  }
0x68: {  	[sflag:s7] =	ssyncadd.s32 $0xFFFFF200;
	s20 =	ssub.s32 s20, s21;
	s21 =	sshrl.u32 s28, $0x2  }
0x69: {  	s20 =	smul.u32 $0x3800, s20;
	v1 =	vld [tilespmem:s21+$0x2A00]  }
0x6a: {  	v3 =	vld [tilespmem:s21+$0x2A80]  }
0x6b: {  	v6 =	vld [tilespmem:s21+$0x2B00];
	s22 =	sshrl.u32 s20, $0x2  }
0x6c: {  	v2 =	vld [tilespmem:s22+$0x0]  }
0x6d: {  	v4 =	vld [tilespmem:s22+$0x80]  }
0x6e: {  	v5 =	vld [tilespmem:s22+$0x100]  }
0x6f: {  	v7 =	vld [tilespmem:s22+$0x180];
	_ =	sdelay $0x1  }
0x70: {  	v8 =	vld [tilespmem:s21+$0x2B80]  }
0x71: {  	v9 =	vld [tilespmem:s21+$0x2C00];
	v2 =	vshll.u32 v2, $0x3;
	v4 =	vshll.u32 v4, $0x3  }
0x72: {  	v31 =	vld [tilespmem:s21+$0x2C80];
	v1 =	vshrl.u32 v1, v2;
	v2 =	vshrl.u32 v3, v4;
	v3 =	vshll.u32 v5, $0x3  }
0x73: {  	v30 =	vld [tilespmem:s22+$0x200];
	v32 =	vshll.u32 v7, $0x3;
	v2 =	vshll.u32 v2, $0x8;
	v3 =	vshrl.u32 v6, v3  }
0x74: {  	v33 =	vld [tilespmem:s22+$0x280];
	v1 =	vand.u32 $0xFF, v1;
	v2 =	vand.u32 $0xFF00, v2;
	v3 =	vshll.u32 v3, $0x10  }
0x75: {  	s29 =	smul.u32 $0xE00, s23;
	v34 =	vld [tilespmem:s22+$0x300];
	v1 =	vor.u32 v1, v2;
	v2 =	vand.u32 $0xFF0000, v3;
	v3 =	vshrl.u32 v8, v32  }
0x76: {  	v1 =	vor.u32 v2, v1;
	v2 =	vshll.u32 v3, $0x18;
	v3 =	vld [tilespmem:s21+$0x2D00]  }
0x77: {  	s20 =	sshrl.u32 s29, $0x2;
	v1 =	vor.u32 v2, v1;
	v2 =	vld [tilespmem:s22+$0x380]  }
0x78: {  	[tilespmem:s20+$0x4600] =	vst v1;
	v1 =	vld [tilespmem:s21+$0x2D80]  }
0x79: {  	v35 =	vld [tilespmem:s21+$0x2A10]  }
0x7a: {  	v7 =	vshll.u32 v33, $0x3;
	v4 =	vshll.u32 v30, $0x3;
	v10 =	vld [tilespmem:s22+$0x10]  }
0x7b: {  	v5 =	vshrl.u32 v31, v7;
	v4 =	vshrl.u32 v9, v4;
	v6 =	vshll.u32 v34, $0x3;
	v36 =	vld [tilespmem:s21+$0x2A90]  }
0x7c: {  	v5 =	vshll.u32 v5, $0x8;
	v4 =	vand.u32 $0xFF, v4;
	v37 =	vld [tilespmem:s22+$0x90];
	v3 =	vshrl.u32 v3, v6  }
0x7d: {  	v5 =	vand.u32 $0xFF00, v5;
	v38 =	vld [tilespmem:s22+$0x110];
	v3 =	vshll.u32 v3, $0x10;
	v2 =	vshll.u32 v2, $0x3  }
0x7e: {  	v4 =	vor.u32 v4, v5;
	v39 =	vld [tilespmem:s22+$0x190];
	v3 =	vand.u32 $0xFF0000, v3;
	v1 =	vshrl.u32 v1, v2  }
0x7f: {  	v2 =	vld [tilespmem:s21+$0x2B10];
	v3 =	vor.u32 v3, v4;
	v1 =	vshll.u32 v1, $0x18  }
0x80: {  	v1 =	vor.u32 v1, v3  }
0x81: {  	v3 =	vld [tilespmem:s21+$0x2B90];
	[tilespmem:s20+$0x4680] =	vst v1  }
0x82: {  	v40 =	vshll.u32 v37, $0x3;
	v42 =	vshll.u32 v38, $0x3;
	v41 =	vld [tilespmem:s21+$0x2C10]  }
0x83: {  	v4 =	vshll.u32 v39, $0x3;
	v5 =	vshrl.u32 v36, v40;
	v1 =	vshll.u32 v10, $0x3;
	v43 =	vld [tilespmem:s22+$0x210]  }
0x84: {  	v5 =	vshll.u32 v5, $0x8;
	v1 =	vshrl.u32 v35, v1;
	v44 =	vld [tilespmem:s21+$0x2C90];
	v2 =	vshrl.u32 v2, v42  }
0x85: {  	v5 =	vand.u32 $0xFF00, v5;
	v45 =	vld [tilespmem:s22+$0x290];
	v1 =	vand.u32 $0xFF, v1;
	v2 =	vshll.u32 v2, $0x10  }
0x86: {  	v46 =	vld [tilespmem:s22+$0x310];
	v1 =	vor.u32 v1, v5;
	v2 =	vand.u32 $0xFF0000, v2;
	v3 =	vshrl.u32 v3, v4  }
0x87: {  	v1 =	vor.u32 v2, v1;
	v2 =	vshll.u32 v3, $0x18;
	v3 =	vld [tilespmem:s21+$0x2D10]  }
0x88: {  	v1 =	vor.u32 v2, v1;
	v2 =	vld [tilespmem:s22+$0x390]  }
0x89: {  	[tilespmem:s20+$0x4610] =	vst v1;
	v1 =	vld [tilespmem:s21+$0x2D90]  }
0x8a: {  	v47 =	vld [tilespmem:s21+$0x2A20]  }
0x8b: {  	v8 =	vshll.u32 v43, $0x3;
	v9 =	vshll.u32 v45, $0x3;
	v48 =	vld [tilespmem:s22+$0x20]  }
0x8c: {  	v4 =	vshll.u32 v46, $0x3;
	v6 =	vshrl.u32 v41, v8;
	v7 =	vshrl.u32 v44, v9;
	v49 =	vld [tilespmem:s21+$0x2AA0]  }
0x8d: {  	v6 =	vand.u32 $0xFF, v6;
	v7 =	vshll.u32 v7, $0x8;
	v50 =	vld [tilespmem:s22+$0xA0];
	v3 =	vshrl.u32 v3, v4  }
0x8e: {  	v51 =	vld [tilespmem:s22+$0x120];
	v7 =	vand.u32 $0xFF00, v7;
	v3 =	vshll.u32 v3, $0x10;
	v2 =	vshll.u32 v2, $0x3  }
0x8f: {  	v52 =	vld [tilespmem:s22+$0x1A0];
	v6 =	vor.u32 v6, v7;
	v3 =	vand.u32 $0xFF0000, v3;
	v1 =	vshrl.u32 v1, v2  }
0x90: {  	v2 =	vld [tilespmem:s21+$0x2B20];
	v3 =	vor.u32 v3, v6;
	v1 =	vshll.u32 v1, $0x18  }
0x91: {  	v1 =	vor.u32 v1, v3  }
0x92: {  	v3 =	vld [tilespmem:s21+$0x2BA0];
	[tilespmem:s20+$0x4690] =	vst v1  }
0x93: {  	v4 =	vshll.u32 v50, $0x3;
	v54 =	vshll.u32 v51, $0x3;
	v53 =	vld [tilespmem:s21+$0x2C20]  }
0x94: {  	v6 =	vshll.u32 v52, $0x3;
	v4 =	vshrl.u32 v49, v4;
	v1 =	vshll.u32 v48, $0x3;
	v55 =	vld [tilespmem:s22+$0x220]  }
0x95: {  	v4 =	vshll.u32 v4, $0x8;
	v1 =	vshrl.u32 v47, v1;
	v56 =	vld [tilespmem:s21+$0x2CA0];
	v2 =	vshrl.u32 v2, v54  }
0x96: {  	v4 =	vand.u32 $0xFF00, v4;
	v57 =	vld [tilespmem:s22+$0x2A0];
	v1 =	vand.u32 $0xFF, v1;
	v2 =	vshll.u32 v2, $0x10  }
0x97: {  	v58 =	vld [tilespmem:s22+$0x320];
	v1 =	vor.u32 v1, v4;
	v2 =	vand.u32 $0xFF0000, v2;
	v3 =	vshrl.u32 v3, v6  }
0x98: {  	v1 =	vor.u32 v2, v1;
	v2 =	vshll.u32 v3, $0x18;
	v3 =	vld [tilespmem:s21+$0x2D20]  }
0x99: {  	v1 =	vor.u32 v2, v1;
	v2 =	vld [tilespmem:s22+$0x3A0]  }
0x9a: {  	[tilespmem:s20+$0x4620] =	vst v1;
	v1 =	vld [tilespmem:s21+$0x2DA0]  }
0x9b: {  	v59 =	vld [tilespmem:s21+$0x2A30]  }
0x9c: {  	v60 =	vld [tilespmem:s22+$0x30]  }
0x9d: {  	v8 =	vshll.u32 v55, $0x3;
	v9 =	vshll.u32 v57, $0x3;
	v63 =	vld [tilespmem:s22+$0x130]  }
0x9e: {  	v4 =	vshll.u32 v58, $0x3;
	v7 =	vshrl.u32 v53, v8;
	v5 =	vshrl.u32 v56, v9;
	v62 =	vld [tilespmem:s22+$0xB0]  }
0x9f: {  	v61 =	vld [tilespmem:s21+$0x2AB0];
	v7 =	vand.u32 $0xFF, v7;
	v5 =	vshll.u32 v5, $0x8;
	v3 =	vshrl.u32 v3, v4  }
0xa0: {  	v12 =	vld [tilespmem:s22+$0x1B0];
	v5 =	vand.u32 $0xFF00, v5;
	v3 =	vshll.u32 v3, $0x10;
	v2 =	vshll.u32 v2, $0x3  }
0xa1: {  	v5 =	vor.u32 v7, v5;
	v3 =	vand.u32 $0xFF0000, v3;
	v1 =	vshrl.u32 v1, v2;
	v2 =	vld [tilespmem:s21+$0x2B30]  }
0xa2: {  	v3 =	vor.u32 v3, v5;
	v1 =	vshll.u32 v1, $0x18;
	v14 =	vshll.u32 v63, $0x3;
	v63 =	vld [tilespmem:s22+$0x680]  }
0xa3: {  	v4 =	vshll.u32 v62, $0x3;
	v1 =	vor.u32 v1, v3;
	v3 =	vld [tilespmem:s21+$0x2BB0]  }
0xa4: {  	v4 =	vshrl.u32 v61, v4;
	v61 =	vld [tilespmem:s21+$0x3080]  }
0xa5: {  	[tilespmem:s20+$0x46A0] =	vst v1;
	v1 =	vshll.u32 v60, $0x3;
	v60 =	vld [tilespmem:s22+$0x600]  }
0xa6: {  	v13 =	vld [tilespmem:s21+$0x2C30]  }
0xa7: {  	v5 =	vshll.u32 v12, $0x3;
	v15 =	vld [tilespmem:s22+$0x230]  }
0xa8: {  	v4 =	vshll.u32 v4, $0x8;
	v1 =	vshrl.u32 v59, v1;
	v17 =	vld [tilespmem:s22+$0x2B0];
	v2 =	vshrl.u32 v2, v14  }
0xa9: {  	v4 =	vand.u32 $0xFF00, v4;
	v18 =	vld [tilespmem:s22+$0x330];
	v1 =	vand.u32 $0xFF, v1;
	v2 =	vshll.u32 v2, $0x10  }
0xaa: {  	v16 =	vld [tilespmem:s21+$0x2CB0];
	v1 =	vor.u32 v1, v4;
	v2 =	vand.u32 $0xFF0000, v2;
	v3 =	vshrl.u32 v3, v5  }
0xab: {  	v1 =	vor.u32 v2, v1;
	v2 =	vshll.u32 v3, $0x18;
	v3 =	vld [tilespmem:s21+$0x2D30]  }
0xac: {  	v1 =	vor.u32 v2, v1;
	v2 =	vld [tilespmem:s22+$0x3B0]  }
0xad: {  	v9 =	vshll.u32 v17, $0x3;
	v17 =	vld [tilespmem:s21+$0x2E00]  }
0xae: {  	v4 =	vshll.u32 v18, $0x3;
	v18 =	vld [tilespmem:s22+$0x400]  }
0xaf: {  	[tilespmem:s20+$0x4630] =	vst v1;
	v1 =	vld [tilespmem:s21+$0x2DB0]  }
0xb0: {  	v19 =	vld [tilespmem:s21+$0x2A40]  }
0xb1: {  	v20 =	vld [tilespmem:s22+$0x40]  }
0xb2: {  	v22 =	vld [tilespmem:s22+$0xC0]  }
0xb3: {  	v8 =	vshll.u32 v15, $0x3;
	v23 =	vld [tilespmem:s22+$0x140]  }
0xb4: {  	v7 =	vshrl.u32 v13, v8;
	v24 =	vld [tilespmem:s22+$0x1C0]  }
0xb5: {  	v6 =	vshrl.u32 v16, v9;
	v21 =	vld [tilespmem:s21+$0x2AC0];
	v7 =	vand.u32 $0xFF, v7;
	v2 =	vshll.u32 v2, $0x3  }
0xb6: {  	v6 =	vshll.u32 v6, $0x8;
	v3 =	vshrl.u32 v3, v4;
	v1 =	vshrl.u32 v1, v2;
	v2 =	vld [tilespmem:s21+$0x2B40]  }
0xb7: {  	v6 =	vand.u32 $0xFF00, v6;
	v3 =	vshll.u32 v3, $0x10;
	v4 =	vshll.u32 v22, $0x3;
	v22 =	vld [tilespmem:s21+$0x2F00]  }
0xb8: {  	v6 =	vor.u32 v7, v6;
	v3 =	vand.u32 $0xFF0000, v3;
	v26 =	vshll.u32 v23, $0x3;
	v23 =	vld [tilespmem:s22+$0x580]  }
0xb9: {  	v3 =	vor.u32 v3, v6;
	v1 =	vshll.u32 v1, $0x18;
	v6 =	vshll.u32 v24, $0x3;
	v24 =	vld [tilespmem:s21+$0x2F80]  }
0xba: {  	v1 =	vor.u32 v1, v3;
	v3 =	vld [tilespmem:s21+$0x2BC0]  }
0xbb: {  	v4 =	vshrl.u32 v21, v4;
	v21 =	vld [tilespmem:s22+$0x500]  }
0xbc: {  	[tilespmem:s20+$0x46B0] =	vst v1;
	v1 =	vshll.u32 v20, $0x3;
	v20 =	vld [tilespmem:s22+$0x480]  }
0xbd: {  	v25 =	vld [tilespmem:s21+$0x2C40]  }
0xbe: {  	v27 =	vld [tilespmem:s22+$0x240]  }
0xbf: {  	v28 =	vld [tilespmem:s21+$0x2CC0]  }
0xc0: {  	v4 =	vshll.u32 v4, $0x8;
	v1 =	vshrl.u32 v19, v1;
	v29 =	vld [tilespmem:s22+$0x2C0];
	v2 =	vshrl.u32 v2, v26  }
0xc1: {  	v4 =	vand.u32 $0xFF00, v4;
	v30 =	vld [tilespmem:s22+$0x340];
	v1 =	vand.u32 $0xFF, v1;
	v2 =	vshll.u32 v2, $0x10  }
0xc2: {  	v19 =	vld [tilespmem:s21+$0x2E80];
	v1 =	vor.u32 v1, v4;
	v2 =	vand.u32 $0xFF0000, v2;
	v3 =	vshrl.u32 v3, v6  }
0xc3: {  	v1 =	vor.u32 v2, v1;
	v2 =	vshll.u32 v3, $0x18;
	v3 =	vld [tilespmem:s21+$0x2D40]  }
0xc4: {  	v1 =	vor.u32 v2, v1;
	v2 =	vld [tilespmem:s22+$0x3C0]  }
0xc5: {  	v9 =	vshll.u32 v29, $0x3;
	v29 =	vld [tilespmem:s22+$0x700]  }
0xc6: {  	v18 =	vshll.u32 v18, $0x3;
	v8 =	vshll.u32 v27, $0x3;
	[tilespmem:s20+$0x4640] =	vst v1;
	v1 =	vld [tilespmem:s21+$0x2DC0]  }
0xc7: {  	v17 =	vshrl.u32 v17, v18;
	v20 =	vshll.u32 v20, $0x3;
	v7 =	vshrl.u32 v25, v8;
	v25 =	vld [tilespmem:s21+$0x3000]  }
0xc8: {  	v17 =	vand.u32 $0xFF, v17;
	v59 =	vshll.u32 v21, $0x3;
	v58 =	vshrl.u32 v19, v20;
	v31 =	vld [tilespmem:s21+$0x2A50]  }
0xc9: {  	v62 =	vshll.u32 v23, $0x3;
	v19 =	vshrl.u32 v22, v59;
	v18 =	vshll.u32 v58, $0x8;
	v32 =	vld [tilespmem:s22+$0x50]  }
0xca: {  	v5 =	vshrl.u32 v28, v9;
	v19 =	vshll.u32 v19, $0x10;
	v34 =	vld [tilespmem:s22+$0xD0];
	v18 =	vand.u32 $0xFF00, v18  }
0xcb: {  	v28 =	vshrl.u32 v24, v62;
	v35 =	vld [tilespmem:s22+$0x150];
	v27 =	vand.u32 $0xFF0000, v19;
	v17 =	vor.u32 v17, v18  }
0xcc: {  	v4 =	vshll.u32 v30, $0x3;
	v36 =	vld [tilespmem:s22+$0x1D0];
	v30 =	vshll.u32 v28, $0x18;
	v17 =	vor.u32 v27, v17  }
0xcd: {  	v33 =	vld [tilespmem:s21+$0x2AD0];
	v7 =	vand.u32 $0xFF, v7;
	v2 =	vshll.u32 v2, $0x3;
	v17 =	vor.u32 v30, v17  }
0xce: {  	v5 =	vshll.u32 v5, $0x8;
	v3 =	vshrl.u32 v3, v4;
	v1 =	vshrl.u32 v1, v2;
	v2 =	vld [tilespmem:s21+$0x2B50];
	[tilespmem:s20+$0x4700] =	vst v17  }
0xcf: {  	v5 =	vand.u32 $0xFF00, v5;
	v3 =	vshll.u32 v3, $0x10;
	v4 =	vshll.u32 v34, $0x3;
	v34 =	vld [tilespmem:s21+$0x2E10]  }
0xd0: {  	v5 =	vor.u32 v7, v5;
	v3 =	vand.u32 $0xFF0000, v3;
	v38 =	vshll.u32 v35, $0x3;
	v35 =	vld [tilespmem:s22+$0x410]  }
0xd1: {  	v3 =	vor.u32 v3, v5;
	v1 =	vshll.u32 v1, $0x18;
	v5 =	vshll.u32 v36, $0x3;
	v36 =	vld [tilespmem:s21+$0x2E90]  }
0xd2: {  	v1 =	vor.u32 v1, v3;
	v3 =	vld [tilespmem:s21+$0x2BD0]  }
0xd3: {  	v4 =	vshrl.u32 v33, v4;
	v33 =	vld [tilespmem:s21+$0x3180]  }
0xd4: {  	[tilespmem:s20+$0x46C0] =	vst v1;
	v1 =	vshll.u32 v32, $0x3;
	v32 =	vld [tilespmem:s22+$0x780]  }
0xd5: {  	v37 =	vld [tilespmem:s21+$0x2C50]  }
0xd6: {  	v39 =	vld [tilespmem:s22+$0x250]  }
0xd7: {  	v40 =	vld [tilespmem:s21+$0x2CD0]  }
0xd8: {  	v41 =	vld [tilespmem:s22+$0x2D0]  }
0xd9: {  	v4 =	vshll.u32 v4, $0x8;
	v1 =	vshrl.u32 v31, v1;
	v42 =	vld [tilespmem:s22+$0x350];
	v2 =	vshrl.u32 v2, v38  }
0xda: {  	v4 =	vand.u32 $0xFF00, v4;
	v31 =	vld [tilespmem:s21+$0x3100];
	v1 =	vand.u32 $0xFF, v1;
	v2 =	vshll.u32 v2, $0x10  }
0xdb: {  	v38 =	vld [tilespmem:s22+$0x510];
	v1 =	vor.u32 v1, v4;
	v2 =	vand.u32 $0xFF0000, v2;
	v3 =	vshrl.u32 v3, v5  }
0xdc: {  	v1 =	vor.u32 v2, v1;
	v2 =	vshll.u32 v3, $0x18;
	v3 =	vld [tilespmem:s21+$0x2D50]  }
0xdd: {  	v1 =	vor.u32 v2, v1;
	v2 =	vld [tilespmem:s22+$0x3D0]  }
0xde: {  	v8 =	vshll.u32 v39, $0x3;
	v39 =	vld [tilespmem:s21+$0x2F10]  }
0xdf: {  	v9 =	vshll.u32 v41, $0x3;
	v41 =	vld [tilespmem:s21+$0x2F90]  }
0xe0: {  	v23 =	vshll.u32 v63, $0x3;
	[tilespmem:s20+$0x4650] =	vst v1;
	v1 =	vld [tilespmem:s21+$0x2DD0]  }
0xe1: {  	v21 =	vshrl.u32 v61, v23;
	v7 =	vshrl.u32 v37, v8;
	v37 =	vld [tilespmem:s22+$0x490]  }
0xe2: {  	v21 =	vshll.u32 v21, $0x8;
	v20 =	vshll.u32 v60, $0x3;
	v6 =	vshrl.u32 v40, v9;
	v40 =	vld [tilespmem:s22+$0x590]  }
0xe3: {  	v21 =	vand.u32 $0xFF00, v21;
	v22 =	vshll.u32 v29, $0x3;
	v20 =	vshrl.u32 v25, v20;
	v43 =	vld [tilespmem:s21+$0x2A60]  }
0xe4: {  	v20 =	vand.u32 $0xFF, v20;
	v18 =	vshll.u32 v32, $0x3;
	v19 =	vshrl.u32 v31, v22;
	v44 =	vld [tilespmem:s22+$0x60]  }
0xe5: {  	v20 =	vor.u32 v20, v21;
	v17 =	vshrl.u32 v33, v18;
	v19 =	vshll.u32 v19, $0x10;
	v46 =	vld [tilespmem:s22+$0xE0]  }
0xe6: {  	v4 =	vshll.u32 v42, $0x3;
	v17 =	vshll.u32 v17, $0x18;
	v47 =	vld [tilespmem:s22+$0x160];
	v19 =	vand.u32 $0xFF0000, v19  }
0xe7: {  	v45 =	vld [tilespmem:s21+$0x2AE0];
	v7 =	vand.u32 $0xFF, v7;
	v6 =	vshll.u32 v6, $0x8;
	v19 =	vor.u32 v19, v20  }
0xe8: {  	v48 =	vld [tilespmem:s22+$0x1E0];
	v3 =	vshrl.u32 v3, v4;
	v17 =	vor.u32 v17, v19;
	v2 =	vshll.u32 v2, $0x3  }
0xe9: {  	v6 =	vand.u32 $0xFF00, v6;
	v3 =	vshll.u32 v3, $0x10;
	[tilespmem:s20+$0x4780] =	vst v17;
	v1 =	vshrl.u32 v1, v2;
	v2 =	vld [tilespmem:s21+$0x2B60]  }
0xea: {  	v6 =	vor.u32 v7, v6;
	v3 =	vand.u32 $0xFF0000, v3;
	v4 =	vshll.u32 v46, $0x3;
	v46 =	vld [tilespmem:s22+$0x690]  }
0xeb: {  	v3 =	vor.u32 v3, v6;
	v1 =	vshll.u32 v1, $0x18;
	v50 =	vshll.u32 v47, $0x3;
	v47 =	vld [tilespmem:s22+$0x710]  }
0xec: {  	v42 =	vshll.u32 v35, $0x3;
	v21 =	vshll.u32 v38, $0x3;
	v1 =	vor.u32 v1, v3;
	v3 =	vld [tilespmem:s21+$0x2BE0]  }
0xed: {  	v17 =	vshrl.u32 v34, v42;
	v18 =	vshrl.u32 v39, v21;
	v4 =	vshrl.u32 v45, v4;
	v45 =	vld [tilespmem:s21+$0x3090]  }
0xee: {  	v22 =	vshll.u32 v37, $0x3;
	v17 =	vand.u32 $0xFF, v17;
	[tilespmem:s20+$0x46D0] =	vst v1;
	v1 =	vshll.u32 v44, $0x3;
	v44 =	vld [tilespmem:s22+$0x610]  }
0xef: {  	v18 =	vshll.u32 v18, $0x10;
	v20 =	vshll.u32 v40, $0x3;
	v6 =	vshll.u32 v48, $0x3;
	v49 =	vld [tilespmem:s21+$0x2C60]  }
0xf0: {  	v22 =	vshrl.u32 v36, v22;
	v18 =	vand.u32 $0xFF0000, v18;
	v19 =	vshrl.u32 v41, v20;
	v51 =	vld [tilespmem:s22+$0x260]  }
0xf1: {  	v22 =	vshll.u32 v22, $0x8;
	v48 =	vshll.u32 v19, $0x18;
	v4 =	vshll.u32 v4, $0x8;
	v52 =	vld [tilespmem:s21+$0x2CE0]  }
0xf2: {  	v22 =	vand.u32 $0xFF00, v22;
	v1 =	vshrl.u32 v43, v1;
	v4 =	vand.u32 $0xFF00, v4;
	v53 =	vld [tilespmem:s22+$0x2E0]  }
0xf3: {  	v54 =	vld [tilespmem:s22+$0x360];
	v17 =	vor.u32 v17, v22;
	v1 =	vand.u32 $0xFF, v1;
	v2 =	vshrl.u32 v2, v50  }
0xf4: {  	v43 =	vld [tilespmem:s21+$0x3010];
	v17 =	vor.u32 v18, v17;
	v2 =	vshll.u32 v2, $0x10;
	v1 =	vor.u32 v1, v4  }
0xf5: {  	v50 =	vld [tilespmem:s22+$0x790];
	v17 =	vor.u32 v48, v17;
	v2 =	vand.u32 $0xFF0000, v2;
	v3 =	vshrl.u32 v3, v6  }
0xf6: {  	[tilespmem:s20+$0x4710] =	vst v17;
	v1 =	vor.u32 v2, v1;
	v2 =	vshll.u32 v3, $0x18;
	v3 =	vld [tilespmem:s21+$0x2D60]  }
0xf7: {  	v58 =	vld [tilespmem:s22+$0x5A0]  }
0xf8: {  	v59 =	vld [tilespmem:s21+$0x2FA0]  }
0xf9: {  	v1 =	vor.u32 v2, v1;
	v2 =	vld [tilespmem:s22+$0x3E0]  }
0xfa: {  	v55 =	vshll.u32 v51, $0x3;
	v51 =	vld [tilespmem:s21+$0x3190]  }
0xfb: {  	v56 =	vshll.u32 v53, $0x3;
	v53 =	vld [tilespmem:s22+$0x420]  }
0xfc: {  	v4 =	vshll.u32 v54, $0x3;
	v54 =	vld [tilespmem:s21+$0x2EA0]  }
0xfd: {  	[tilespmem:s20+$0x4660] =	vst v1;
	v1 =	vld [tilespmem:s21+$0x2DE0]  }
0xfe: {  	v6 =	vshrl.u32 v49, v55;
	v49 =	vld [tilespmem:s21+$0x3110]  }
0xff: {  	v5 =	vshrl.u32 v52, v56;
	v52 =	vld [tilespmem:s21+$0x2E20]  }
0x100: {  	v55 =	vld [tilespmem:s22+$0x4A0]  }
0x101: {  	v24 =	vshll.u32 v46, $0x3;
	v56 =	vld [tilespmem:s22+$0x520]  }
0x102: {  	v21 =	vshrl.u32 v45, v24;
	v23 =	vshll.u32 v44, $0x3;
	v13 =	vld [tilespmem:s21+$0x2A70]  }
0x103: {  	v21 =	vshll.u32 v21, $0x8;
	v23 =	vshrl.u32 v43, v23;
	v15 =	vld [tilespmem:s22+$0x70]  }
0x104: {  	v20 =	vshll.u32 v47, $0x3;
	v21 =	vand.u32 $0xFF00, v21;
	v23 =	vand.u32 $0xFF, v23;
	v14 =	vld [tilespmem:s21+$0x2AF0]  }
0x105: {  	v6 =	vand.u32 $0xFF, v6;
	v5 =	vshll.u32 v5, $0x8;
	v16 =	vld [tilespmem:s22+$0xF0];
	v3 =	vshrl.u32 v3, v4  }
0x106: {  	v9 =	vld [tilespmem:s21+$0x2B70];
	v57 =	vand.u32 $0xFF00, v5;
	v3 =	vshll.u32 v3, $0x10;
	v2 =	vshll.u32 v2, $0x3  }
0x107: {  	v11 =	vld [tilespmem:s22+$0x170];
	v4 =	vor.u32 v6, v57;
	v3 =	vand.u32 $0xFF0000, v3;
	v1 =	vshrl.u32 v1, v2  }
0x108: {  	v10 =	vld [tilespmem:s21+$0x2BF0];
	v19 =	vshrl.u32 v49, v20;
	v2 =	vor.u32 v3, v4;
	v1 =	vshll.u32 v1, $0x18  }
0x109: {  	v18 =	vshll.u32 v50, $0x3;
	v12 =	vld [tilespmem:s22+$0x1F0];
	v19 =	vshll.u32 v19, $0x10;
	v1 =	vor.u32 v1, v2  }
0x10a: {  	v21 =	vor.u32 v23, v21;
	v57 =	vld [tilespmem:s21+$0x2F20];
	v17 =	vshrl.u32 v51, v18;
	v19 =	vand.u32 $0xFF0000, v19;
	[tilespmem:s20+$0x46E0] =	vst v1  }
0x10b: {  	v17 =	vshll.u32 v17, $0x18;
	v19 =	vor.u32 v19, v21;
	v7 =	vld [tilespmem:s21+$0x2C70]  }
0x10c: {  	v8 =	vld [tilespmem:s22+$0x270];
	v17 =	vor.u32 v17, v19  }
0x10d: {  	v4 =	vld [tilespmem:s21+$0x2CF0];
	[tilespmem:s20+$0x4790] =	vst v17  }
0x10e: {  	v20 =	vshll.u32 v55, $0x3;
	v61 =	vld [tilespmem:s21+$0x3020]  }
0x10f: {  	v20 =	vshrl.u32 v54, v20;
	v63 =	vld [tilespmem:s22+$0x620]  }
0x110: {  	v60 =	vshll.u32 v53, $0x3;
	v62 =	vshll.u32 v56, $0x3;
	v20 =	vshll.u32 v20, $0x8;
	v28 =	vld [tilespmem:s21+$0x30A0]  }
0x111: {  	v18 =	vshrl.u32 v57, v62;
	v20 =	vand.u32 $0xFF00, v20;
	v17 =	vshrl.u32 v52, v60;
	v29 =	vld [tilespmem:s22+$0x6A0]  }
0x112: {  	v21 =	vshll.u32 v58, $0x3;
	v18 =	vshll.u32 v18, $0x10;
	v17 =	vand.u32 $0xFF, v17;
	v30 =	vld [tilespmem:s22+$0x720]  }
0x113: {  	v19 =	vshrl.u32 v59, v21;
	v18 =	vand.u32 $0xFF0000, v18;
	v33 =	vld [tilespmem:s22+$0x7A0];
	v17 =	vor.u32 v17, v20  }
0x114: {  	v31 =	vshll.u32 v19, $0x18;
	v32 =	vld [tilespmem:s21+$0x3120];
	v17 =	vor.u32 v18, v17  }
0x115: {  	v6 =	vld [tilespmem:s22+$0x2F0];
	v17 =	vor.u32 v31, v17  }
0x116: {  	v34 =	vld [tilespmem:s21+$0x31A0];
	[tilespmem:s20+$0x4720] =	vst v17  }
0x117: {  	v35 =	vld [tilespmem:s21+$0x2E30];
	v23 =	vshll.u32 v63, $0x3;
	v24 =	vshll.u32 v29, $0x3  }
0x118: {  	v36 =	vld [tilespmem:s22+$0x430];
	v20 =	vshll.u32 v30, $0x3;
	v18 =	vshll.u32 v33, $0x3;
	v22 =	vshrl.u32 v28, v24  }
0x119: {  	v37 =	vld [tilespmem:s21+$0x2EB0];
	v23 =	vshrl.u32 v61, v23;
	v19 =	vshrl.u32 v32, v20;
	v22 =	vshll.u32 v22, $0x8  }
0x11a: {  	v38 =	vld [tilespmem:s22+$0x4B0];
	v23 =	vand.u32 $0xFF, v23;
	v19 =	vshll.u32 v19, $0x10;
	v22 =	vand.u32 $0xFF00, v22  }
0x11b: {  	v39 =	vld [tilespmem:s22+$0x530];
	v17 =	vshrl.u32 v34, v18;
	v19 =	vand.u32 $0xFF0000, v19;
	v22 =	vor.u32 v23, v22  }
0x11c: {  	v41 =	vld [tilespmem:s22+$0x5B0];
	v17 =	vshll.u32 v17, $0x18;
	v19 =	vor.u32 v19, v22  }
0x11d: {  	v40 =	vld [tilespmem:s21+$0x2F30];
	v17 =	vor.u32 v17, v19  }
0x11e: {  	v42 =	vld [tilespmem:s21+$0x2FB0];
	[tilespmem:s20+$0x47A0] =	vst v17  }
0x11f: {  	v44 =	vld [tilespmem:s21+$0x3030]  }
0x120: {  	v43 =	vshll.u32 v36, $0x3;
	v20 =	vshll.u32 v38, $0x3;
	v46 =	vld [tilespmem:s22+$0x630]  }
0x121: {  	v45 =	vshll.u32 v39, $0x3;
	v22 =	vshll.u32 v41, $0x3;
	v20 =	vshrl.u32 v37, v20;
	v47 =	vld [tilespmem:s21+$0x30B0]  }
0x122: {  	v18 =	vshrl.u32 v40, v45;
	v17 =	vshrl.u32 v35, v43;
	v20 =	vshll.u32 v20, $0x8;
	v48 =	vld [tilespmem:s22+$0x6B0]  }
0x123: {  	v18 =	vshll.u32 v18, $0x10;
	v17 =	vand.u32 $0xFF, v17;
	v20 =	vand.u32 $0xFF00, v20;
	v49 =	vld [tilespmem:s22+$0x730]  }
0x124: {  	v19 =	vshrl.u32 v42, v22;
	v18 =	vand.u32 $0xFF0000, v18;
	v52 =	vld [tilespmem:s22+$0x7B0];
	v17 =	vor.u32 v17, v20  }
0x125: {  	v50 =	vshll.u32 v19, $0x18;
	v51 =	vld [tilespmem:s21+$0x3130];
	v17 =	vor.u32 v18, v17  }
0x126: {  	v3 =	vld [tilespmem:s21+$0x2D70];
	v17 =	vor.u32 v50, v17  }
0x127: {  	v53 =	vld [tilespmem:s21+$0x31B0];
	[tilespmem:s20+$0x4730] =	vst v17  }
0x128: {  	v54 =	vld [tilespmem:s21+$0x2E40];
	v23 =	vshll.u32 v46, $0x3;
	v24 =	vshll.u32 v48, $0x3  }
0x129: {  	v55 =	vld [tilespmem:s22+$0x440];
	v20 =	vshll.u32 v49, $0x3;
	v18 =	vshll.u32 v52, $0x3;
	v21 =	vshrl.u32 v47, v24  }
0x12a: {  	v56 =	vld [tilespmem:s21+$0x2EC0];
	v23 =	vshrl.u32 v44, v23;
	v19 =	vshrl.u32 v51, v20;
	v21 =	vshll.u32 v21, $0x8  }
0x12b: {  	v57 =	vld [tilespmem:s22+$0x4C0];
	v23 =	vand.u32 $0xFF, v23;
	v19 =	vshll.u32 v19, $0x10;
	v21 =	vand.u32 $0xFF00, v21  }
0x12c: {  	v58 =	vld [tilespmem:s22+$0x540];
	v17 =	vshrl.u32 v53, v18;
	v19 =	vand.u32 $0xFF0000, v19;
	v21 =	vor.u32 v23, v21  }
0x12d: {  	v60 =	vld [tilespmem:s22+$0x5C0];
	v17 =	vshll.u32 v17, $0x18;
	v19 =	vor.u32 v19, v21  }
0x12e: {  	v59 =	vld [tilespmem:s21+$0x2F40];
	v17 =	vor.u32 v17, v19  }
0x12f: {  	v61 =	vld [tilespmem:s21+$0x2FC0];
	[tilespmem:s20+$0x47B0] =	vst v17  }
0x130: {  	v63 =	vld [tilespmem:s21+$0x3040]  }
0x131: {  	v62 =	vshll.u32 v55, $0x3;
	v20 =	vshll.u32 v57, $0x3;
	v28 =	vld [tilespmem:s22+$0x640]  }
0x132: {  	v27 =	vshll.u32 v58, $0x3;
	v21 =	vshll.u32 v60, $0x3;
	v20 =	vshrl.u32 v56, v20;
	v29 =	vld [tilespmem:s21+$0x30C0]  }
0x133: {  	v18 =	vshrl.u32 v59, v27;
	v17 =	vshrl.u32 v54, v62;
	v20 =	vshll.u32 v20, $0x8;
	v30 =	vld [tilespmem:s22+$0x6C0]  }
0x134: {  	v18 =	vshll.u32 v18, $0x10;
	v17 =	vand.u32 $0xFF, v17;
	v20 =	vand.u32 $0xFF00, v20;
	v31 =	vld [tilespmem:s22+$0x740]  }
0x135: {  	v19 =	vshrl.u32 v61, v21;
	v18 =	vand.u32 $0xFF0000, v18;
	v34 =	vld [tilespmem:s22+$0x7C0];
	v17 =	vor.u32 v17, v20  }
0x136: {  	v32 =	vshll.u32 v19, $0x18;
	v33 =	vld [tilespmem:s21+$0x3140];
	v17 =	vor.u32 v18, v17  }
0x137: {  	v5 =	vld [tilespmem:s22+$0x370];
	v17 =	vor.u32 v32, v17  }
0x138: {  	v35 =	vld [tilespmem:s21+$0x31C0];
	[tilespmem:s20+$0x4740] =	vst v17  }
0x139: {  	v36 =	vld [tilespmem:s21+$0x2E50];
	v23 =	vshll.u32 v28, $0x3;
	v24 =	vshll.u32 v30, $0x3  }
0x13a: {  	v37 =	vld [tilespmem:s22+$0x450];
	v20 =	vshll.u32 v31, $0x3;
	v18 =	vshll.u32 v34, $0x3;
	v22 =	vshrl.u32 v29, v24  }
0x13b: {  	v38 =	vld [tilespmem:s21+$0x2ED0];
	v23 =	vshrl.u32 v63, v23;
	v19 =	vshrl.u32 v33, v20;
	v22 =	vshll.u32 v22, $0x8  }
0x13c: {  	v39 =	vld [tilespmem:s22+$0x4D0];
	v23 =	vand.u32 $0xFF, v23;
	v19 =	vshll.u32 v19, $0x10;
	v22 =	vand.u32 $0xFF00, v22  }
0x13d: {  	v40 =	vld [tilespmem:s22+$0x550];
	v17 =	vshrl.u32 v35, v18;
	v19 =	vand.u32 $0xFF0000, v19;
	v22 =	vor.u32 v23, v22  }
0x13e: {  	v42 =	vld [tilespmem:s22+$0x5D0];
	v17 =	vshll.u32 v17, $0x18;
	v19 =	vor.u32 v19, v22  }
0x13f: {  	v41 =	vld [tilespmem:s21+$0x2F50];
	v17 =	vor.u32 v17, v19  }
0x140: {  	v43 =	vld [tilespmem:s21+$0x2FD0];
	[tilespmem:s20+$0x47C0] =	vst v17  }
0x141: {  	v45 =	vld [tilespmem:s21+$0x3050]  }
0x142: {  	v44 =	vshll.u32 v37, $0x3;
	v20 =	vshll.u32 v39, $0x3;
	v47 =	vld [tilespmem:s22+$0x650]  }
0x143: {  	v46 =	vshll.u32 v40, $0x3;
	v22 =	vshll.u32 v42, $0x3;
	v20 =	vshrl.u32 v38, v20;
	v48 =	vld [tilespmem:s22+$0x6D0]  }
0x144: {  	v18 =	vshrl.u32 v41, v46;
	v17 =	vshrl.u32 v36, v44;
	v20 =	vshll.u32 v20, $0x8;
	v49 =	vld [tilespmem:s21+$0x30D0]  }
0x145: {  	v18 =	vshll.u32 v18, $0x10;
	v17 =	vand.u32 $0xFF, v17;
	v20 =	vand.u32 $0xFF00, v20;
	v50 =	vld [tilespmem:s22+$0x750]  }
0x146: {  	v19 =	vshrl.u32 v43, v22;
	v18 =	vand.u32 $0xFF0000, v18;
	v53 =	vld [tilespmem:s22+$0x7D0];
	v17 =	vor.u32 v17, v20  }
0x147: {  	v51 =	vshll.u32 v19, $0x18;
	v52 =	vld [tilespmem:s21+$0x3150];
	v17 =	vor.u32 v18, v17  }
0x148: {  	v15 =	vshll.u32 v15, $0x3;
	v1 =	vld [tilespmem:s21+$0x2DF0];
	v17 =	vor.u32 v51, v17  }
0x149: {  	v16 =	vshll.u32 v16, $0x3;
	v13 =	vshrl.u32 v13, v15;
	v55 =	vld [tilespmem:s21+$0x31D0];
	[tilespmem:s20+$0x4750] =	vst v17  }
0x14a: {  	v14 =	vshrl.u32 v14, v16;
	v54 =	vshll.u32 v48, $0x3;
	v17 =	vld [tilespmem:s21+$0x2E60];
	v56 =	vshll.u32 v47, $0x3  }
0x14b: {  	v57 =	vld [tilespmem:s22+$0x460];
	v20 =	vshll.u32 v50, $0x3;
	v18 =	vshll.u32 v53, $0x3;
	v15 =	vshrl.u32 v49, v54  }
0x14c: {  	v58 =	vld [tilespmem:s22+$0x4E0];
	v21 =	vshrl.u32 v45, v56;
	v19 =	vshrl.u32 v52, v20;
	v15 =	vshll.u32 v15, $0x8  }
0x14d: {  	v59 =	vld [tilespmem:s21+$0x2EE0];
	v21 =	vand.u32 $0xFF, v21;
	v19 =	vshll.u32 v19, $0x10;
	v15 =	vand.u32 $0xFF00, v15  }
0x14e: {  	v60 =	vld [tilespmem:s22+$0x560];
	v16 =	vshrl.u32 v55, v18;
	v19 =	vand.u32 $0xFF0000, v19;
	v15 =	vor.u32 v21, v15  }
0x14f: {  	v61 =	vld [tilespmem:s21+$0x2F60];
	v16 =	vshll.u32 v16, $0x18;
	v15 =	vor.u32 v19, v15  }
0x150: {  	v11 =	vshll.u32 v11, $0x3;
	v14 =	vshll.u32 v14, $0x8;
	v63 =	vld [tilespmem:s22+$0x5E0];
	v62 =	vor.u32 v16, v15  }
0x151: {  	v9 =	vshrl.u32 v9, v11;
	v13 =	vand.u32 $0xFF, v13;
	v14 =	vand.u32 $0xFF00, v14;
	v24 =	vld [tilespmem:s21+$0x2FE0];
	[tilespmem:s20+$0x47D0] =	vst v62  }
0x152: {  	v9 =	vshll.u32 v9, $0x10;
	v13 =	vor.u32 v13, v14;
	v26 =	vld [tilespmem:s21+$0x3060]  }
0x153: {  	v23 =	vshll.u32 v58, $0x3;
	v25 =	vshll.u32 v57, $0x3;
	v27 =	vshll.u32 v60, $0x3;
	v28 =	vld [tilespmem:s22+$0x660]  }
0x154: {  	v16 =	vshll.u32 v12, $0x3;
	v12 =	vshrl.u32 v59, v23;
	v11 =	vshrl.u32 v17, v25;
	v29 =	vld [tilespmem:s21+$0x30E0]  }
0x155: {  	v17 =	vshrl.u32 v61, v27;
	v15 =	vshll.u32 v63, $0x3;
	v12 =	vshll.u32 v12, $0x8;
	v31 =	vld [tilespmem:s22+$0x6E0]  }
0x156: {  	v11 =	vand.u32 $0xFF, v11;
	v30 =	vshll.u32 v17, $0x10;
	v12 =	vand.u32 $0xFF00, v12;
	v32 =	vld [tilespmem:s22+$0x760]  }
0x157: {  	v14 =	vshrl.u32 v24, v15;
	v35 =	vld [tilespmem:s22+$0x7E0];
	v11 =	vor.u32 v11, v12;
	v12 =	vand.u32 $0xFF0000, v30  }
0x158: {  	v9 =	vand.u32 $0xFF0000, v9;
	v33 =	vshll.u32 v14, $0x18;
	v34 =	vld [tilespmem:s21+$0x3160];
	v11 =	vor.u32 v12, v11  }
0x159: {  	v2 =	vld [tilespmem:s22+$0x3F0];
	v9 =	vor.u32 v9, v13;
	v10 =	vshrl.u32 v10, v16;
	v11 =	vor.u32 v33, v11  }
0x15a: {  	v8 =	vshll.u32 v8, $0x3;
	v6 =	vshll.u32 v6, $0x3;
	v10 =	vshll.u32 v10, $0x18;
	v36 =	vld [tilespmem:s21+$0x31E0];
	[tilespmem:s20+$0x4760] =	vst v11  }
0x15b: {  	v9 =	vor.u32 v10, v9;
	v37 =	vld [tilespmem:s21+$0x2E70];
	v38 =	vshll.u32 v28, $0x3;
	v39 =	vshll.u32 v31, $0x3  }
0x15c: {  	v40 =	vld [tilespmem:s22+$0x470];
	v15 =	vshll.u32 v32, $0x3;
	v12 =	vshll.u32 v35, $0x3;
	v13 =	vshrl.u32 v29, v39  }
0x15d: {  	v41 =	vld [tilespmem:s21+$0x2EF0];
	v11 =	vshrl.u32 v26, v38;
	v14 =	vshrl.u32 v34, v15;
	v13 =	vshll.u32 v13, $0x8  }
0x15e: {  	v42 =	vld [tilespmem:s22+$0x4F0];
	v11 =	vand.u32 $0xFF, v11;
	v14 =	vshll.u32 v14, $0x10;
	v13 =	vand.u32 $0xFF00, v13  }
0x15f: {  	v43 =	vld [tilespmem:s21+$0x2F70];
	v10 =	vshrl.u32 v36, v12;
	v44 =	vand.u32 $0xFF0000, v14;
	v11 =	vor.u32 v11, v13  }
0x160: {  	v5 =	vshll.u32 v5, $0x3;
	v45 =	vld [tilespmem:s22+$0x570];
	v10 =	vshll.u32 v10, $0x18;
	v11 =	vor.u32 v44, v11  }
0x161: {  	v2 =	vshll.u32 v2, $0x3;
	v4 =	vshrl.u32 v4, v6;
	v47 =	vld [tilespmem:s21+$0x2FF0];
	v46 =	vor.u32 v10, v11  }
0x162: {  	v7 =	vshrl.u32 v7, v8;
	v3 =	vshrl.u32 v3, v5;
	v4 =	vshll.u32 v4, $0x8;
	v48 =	vld [tilespmem:s22+$0x5F0];
	[tilespmem:s20+$0x47E0] =	vst v46  }
0x163: {  	v7 =	vand.u32 $0xFF, v7;
	v3 =	vshll.u32 v3, $0x10;
	v4 =	vand.u32 $0xFF00, v4;
	v6 =	vld [tilespmem:s21+$0x3070]  }
0x164: {  	v1 =	vshrl.u32 v1, v2;
	v3 =	vand.u32 $0xFF0000, v3;
	v4 =	vor.u32 v7, v4;
	v2 =	vld [tilespmem:s22+$0x670]  }
0x165: {  	v1 =	vshll.u32 v1, $0x18;
	v3 =	vor.u32 v3, v4;
	v50 =	vld [tilespmem:s22+$0x6F0]  }
0x166: {  	v1 =	vor.u32 v1, v3;
	v49 =	vshll.u32 v42, $0x3;
	v52 =	vld [tilespmem:s21+$0x30F0]  }
0x167: {  	v51 =	vshll.u32 v40, $0x3;
	v13 =	vshll.u32 v45, $0x3;
	v4 =	vshrl.u32 v41, v49;
	v54 =	vld [tilespmem:s22+$0x770]  }
0x168: {  	v8 =	vshrl.u32 v37, v51;
	v53 =	vshrl.u32 v43, v13;
	v4 =	vshll.u32 v4, $0x8;
	v57 =	vld [tilespmem:s22+$0x7F0]  }
0x169: {  	v8 =	vand.u32 $0xFF, v8;
	v11 =	vshll.u32 v53, $0x10;
	v4 =	vand.u32 $0xFF00, v4;
	v55 =	vld [tilespmem:s21+$0x3170]  }
0x16a: {  	v58 =	vshll.u32 v48, $0x3;
	v56 =	vand.u32 $0xFF0000, v11;
	v3 =	vor.u32 v8, v4  }
0x16b: {  	v60 =	vld [tilespmem:s21+$0x31F0];
	v4 =	vshrl.u32 v47, v58;
	v3 =	vor.u32 v56, v3  }
0x16c: {  	v4 =	vshll.u32 v4, $0x18;
	v59 =	vshll.u32 v50, $0x3;
	v2 =	vshll.u32 v2, $0x3  }
0x16d: {  	s30 =	smulhi.u32 $0xAAAAAAAB, s15;
	s21 =	simm.s32 $0x1;
	v61 =	vshll.u32 v54, $0x3;
	v63 =	vshll.u32 v57, $0x3;
	v5 =	vshrl.u32 v52, v59  }
0x16e: {  	s21 =	simm.s32 @!p0 $0x0;
	v2 =	vshrl.u32 v6, v2;
	v6 =	vshrl.u32 v55, v61;
	v5 =	vshll.u32 v5, $0x8  }
0x16f: {  	s22 =	sshrl.u32 s30, $0x1;
	s31 =	smul.u32 $0x3800, s21;
	v2 =	vand.u32 $0xFF, v2;
	v62 =	vshll.u32 v6, $0x10;
	v5 =	vand.u32 $0xFF00, v5  }
0x170: {  	s22 =	smul.u32 $0xFFFF5800, s22;
	v6 =	vshrl.u32 v60, v63;
	v2 =	vor.u32 v2, v5;
	v5 =	vand.u32 $0xFF0000, v62  }
0x171: {  	[tilespmem:s20+$0x46F0] =	vst v1;
	v1 =	vor.u32 v4, v3;
	s23 =	sshrl.u32 s31, $0x2;
	v3 =	vshll.u32 v6, $0x18;
	v2 =	vor.u32 v5, v2  }
0x172: {  	s22 =	sshra.s32 s22, $0x2;
	[tilespmem:s20+$0x4770] =	vst v1;
	s23 =	sadd.s32 $0x3200, s23;
	v1 =	vor.u32 v3, v2  }
0x173: {  	s21 =	smul.u32 $0xE00, s21;
	s24 =	sadd.s32 s22, s14;
	[tilespmem:s20+$0x47F0] =	vst v1;
	v1 =	vmov s23  }
0x174: {  	v2 =	vmov s24  }
0x175: {  	s21 =	sshrl.u32 s21, $0x2  }
0x176: {  	[tilespmem:s20+$0x4670] =	vst v9;
	s22 =	sor.u32 $0x4870, s21;
	s21 =	sadd.s32 $0x4600, s20;
	s20 =	simm.s32 $0x0  }
.LBB2_7:
0x177: {  	s23 =	sshra.s32 s20, $0x2  }
0x178: {  	v3 =	vld.idx.msk [tilespmem:v1+s23+$0x0 ss:$0x1], $0xffff  }
0x179: {  	v4 =	vld.idx.msk [tilespmem:v2+s23+$0x0 ss:$0x1], $0xffff  }
0x17a: {  	v5 =	vld.idx.msk [tilespmem:v1+s23+$0x80 ss:$0x1], $0xffff  }
0x17b: {  	v6 =	vld.idx.msk [tilespmem:v2+s23+$0x80 ss:$0x1], $0xffff  }
0x17c: {  	v7 =	vld.idx.msk [tilespmem:v2+s23+$0x100 ss:$0x1], $0xffff  }
0x17d: {  	v9 =	vld.idx.msk [tilespmem:v2+s23+$0x180 ss:$0x1], $0xffff  }
0x17e: {  	v8 =	vld.idx.msk [tilespmem:v1+s23+$0x100 ss:$0x1], $0xffff;
	_ =	sdelay $0x1  }
0x17f: {  	v10 =	vld.idx.msk [tilespmem:v1+s23+$0x180 ss:$0x1], $0xffff  }
0x180: {  	v4 =	vshll.u32 v4, $0x3;
	v6 =	vshll.u32 v6, $0x3  }
0x181: {  	v24 =	vshll.u32 v7, $0x3;
	v25 =	vshll.u32 v9, $0x3;
	v23 =	vshrl.u32 v5, v6  }
0x182: {  	v3 =	vshrl.u32 v3, v4;
	v5 =	vshrl.u32 v8, v24;
	v4 =	vshll.u32 v23, $0x8  }
0x183: {  	v3 =	vand.u32 $0xFF, v3;
	v5 =	vshll.u32 v5, $0x10;
	v4 =	vand.u32 $0xFF00, v4  }
0x184: {  	v27 =	vshrl.u32 v10, v25;
	v26 =	vand.u32 $0xFF0000, v5;
	v3 =	vor.u32 v3, v4  }
0x185: {  	v28 =	vshll.u32 v27, $0x18;
	v3 =	vor.u32 v26, v3  }
0x186: {  	v3 =	vor.u32 v28, v3  }
0x187: {  	[tilespmem:s22+$0xFFFFFF90] =	vst v3  }
0x188: {  	v3 =	vld.idx.msk [tilespmem:v1+s23+$0x10 ss:$0x1], $0xffff  }
0x189: {  	v29 =	vld.idx.msk [tilespmem:v2+s23+$0x10 ss:$0x1], $0xffff  }
0x18a: {  	v30 =	vld.idx.msk [tilespmem:v1+s23+$0x90 ss:$0x1], $0xffff  }
0x18b: {  	v31 =	vld.idx.msk [tilespmem:v2+s23+$0x90 ss:$0x1], $0xffff  }
0x18c: {  	v32 =	vld.idx.msk [tilespmem:v2+s23+$0x110 ss:$0x1], $0xffff  }
0x18d: {  	v34 =	vld.idx.msk [tilespmem:v2+s23+$0x190 ss:$0x1], $0xffff  }
0x18e: {  	v33 =	vld.idx.msk [tilespmem:v1+s23+$0x110 ss:$0x1], $0xffff;
	_ =	sdelay $0x1  }
0x18f: {  	v35 =	vld.idx.msk [tilespmem:v1+s23+$0x190 ss:$0x1], $0xffff  }
0x190: {  	v4 =	vshll.u32 v29, $0x3;
	v6 =	vshll.u32 v31, $0x3  }
0x191: {  	v37 =	vshll.u32 v32, $0x3;
	v38 =	vshll.u32 v34, $0x3;
	v36 =	vshrl.u32 v30, v6  }
0x192: {  	v3 =	vshrl.u32 v3, v4;
	v5 =	vshrl.u32 v33, v37;
	v4 =	vshll.u32 v36, $0x8  }
0x193: {  	v3 =	vand.u32 $0xFF, v3;
	v5 =	vshll.u32 v5, $0x10;
	v4 =	vand.u32 $0xFF00, v4  }
0x194: {  	v40 =	vshrl.u32 v35, v38;
	v39 =	vand.u32 $0xFF0000, v5;
	v3 =	vor.u32 v3, v4  }
0x195: {  	v41 =	vshll.u32 v40, $0x18;
	v3 =	vor.u32 v39, v3  }
0x196: {  	v3 =	vor.u32 v41, v3  }
0x197: {  	[tilespmem:s22+$0xFFFFFFA0] =	vst v3  }
0x198: {  	v3 =	vld.idx.msk [tilespmem:v1+s23+$0x20 ss:$0x1], $0xffff  }
0x199: {  	v42 =	vld.idx.msk [tilespmem:v2+s23+$0x20 ss:$0x1], $0xffff  }
0x19a: {  	v43 =	vld.idx.msk [tilespmem:v1+s23+$0xA0 ss:$0x1], $0xffff  }
0x19b: {  	v44 =	vld.idx.msk [tilespmem:v2+s23+$0xA0 ss:$0x1], $0xffff  }
0x19c: {  	v45 =	vld.idx.msk [tilespmem:v2+s23+$0x120 ss:$0x1], $0xffff  }
0x19d: {  	v47 =	vld.idx.msk [tilespmem:v2+s23+$0x1A0 ss:$0x1], $0xffff  }
0x19e: {  	v46 =	vld.idx.msk [tilespmem:v1+s23+$0x120 ss:$0x1], $0xffff;
	_ =	sdelay $0x1  }
0x19f: {  	v48 =	vld.idx.msk [tilespmem:v1+s23+$0x1A0 ss:$0x1], $0xffff  }
0x1a0: {  	v4 =	vshll.u32 v42, $0x3;
	v6 =	vshll.u32 v44, $0x3  }
0x1a1: {  	v50 =	vshll.u32 v45, $0x3;
	v51 =	vshll.u32 v47, $0x3;
	v49 =	vshrl.u32 v43, v6  }
0x1a2: {  	v3 =	vshrl.u32 v3, v4;
	v5 =	vshrl.u32 v46, v50;
	v4 =	vshll.u32 v49, $0x8  }
0x1a3: {  	v3 =	vand.u32 $0xFF, v3;
	v5 =	vshll.u32 v5, $0x10;
	v4 =	vand.u32 $0xFF00, v4  }
0x1a4: {  	v53 =	vshrl.u32 v48, v51;
	v52 =	vand.u32 $0xFF0000, v5;
	v3 =	vor.u32 v3, v4  }
0x1a5: {  	v54 =	vshll.u32 v53, $0x18;
	v3 =	vor.u32 v52, v3  }
0x1a6: {  	v3 =	vor.u32 v54, v3  }
0x1a7: {  	[tilespmem:s22+$0xFFFFFFB0] =	vst v3  }
0x1a8: {  	v3 =	vld.idx.msk [tilespmem:v1+s23+$0x30 ss:$0x1], $0xffff  }
0x1a9: {  	v55 =	vld.idx.msk [tilespmem:v2+s23+$0x30 ss:$0x1], $0xffff  }
0x1aa: {  	v56 =	vld.idx.msk [tilespmem:v1+s23+$0xB0 ss:$0x1], $0xffff  }
0x1ab: {  	v57 =	vld.idx.msk [tilespmem:v2+s23+$0xB0 ss:$0x1], $0xffff  }
0x1ac: {  	v58 =	vld.idx.msk [tilespmem:v2+s23+$0x130 ss:$0x1], $0xffff  }
0x1ad: {  	v60 =	vld.idx.msk [tilespmem:v2+s23+$0x1B0 ss:$0x1], $0xffff  }
0x1ae: {  	v59 =	vld.idx.msk [tilespmem:v1+s23+$0x130 ss:$0x1], $0xffff;
	_ =	sdelay $0x1  }
0x1af: {  	v61 =	vld.idx.msk [tilespmem:v1+s23+$0x1B0 ss:$0x1], $0xffff  }
0x1b0: {  	v4 =	vshll.u32 v55, $0x3;
	v6 =	vshll.u32 v57, $0x3  }
0x1b1: {  	v63 =	vshll.u32 v58, $0x3;
	v9 =	vshll.u32 v60, $0x3;
	v62 =	vshrl.u32 v56, v6  }
0x1b2: {  	v3 =	vshrl.u32 v3, v4;
	v5 =	vshrl.u32 v59, v63;
	v4 =	vshll.u32 v62, $0x8  }
0x1b3: {  	v3 =	vand.u32 $0xFF, v3;
	v5 =	vshll.u32 v5, $0x10;
	v4 =	vand.u32 $0xFF00, v4  }
0x1b4: {  	v12 =	vshrl.u32 v61, v9;
	v11 =	vand.u32 $0xFF0000, v5;
	v3 =	vor.u32 v3, v4  }
0x1b5: {  	v13 =	vshll.u32 v12, $0x18;
	v3 =	vor.u32 v11, v3  }
0x1b6: {  	v3 =	vor.u32 v13, v3  }
0x1b7: {  	[tilespmem:s22+$0xFFFFFFC0] =	vst v3  }
0x1b8: {  	v3 =	vld.idx.msk [tilespmem:v1+s23+$0x40 ss:$0x1], $0xffff  }
0x1b9: {  	v14 =	vld.idx.msk [tilespmem:v2+s23+$0x40 ss:$0x1], $0xffff  }
0x1ba: {  	v15 =	vld.idx.msk [tilespmem:v1+s23+$0xC0 ss:$0x1], $0xffff  }
0x1bb: {  	v16 =	vld.idx.msk [tilespmem:v2+s23+$0xC0 ss:$0x1], $0xffff  }
0x1bc: {  	v17 =	vld.idx.msk [tilespmem:v2+s23+$0x140 ss:$0x1], $0xffff  }
0x1bd: {  	v19 =	vld.idx.msk [tilespmem:v2+s23+$0x1C0 ss:$0x1], $0xffff  }
0x1be: {  	v18 =	vld.idx.msk [tilespmem:v1+s23+$0x140 ss:$0x1], $0xffff;
	_ =	sdelay $0x1  }
0x1bf: {  	v20 =	vld.idx.msk [tilespmem:v1+s23+$0x1C0 ss:$0x1], $0xffff  }
0x1c0: {  	v4 =	vshll.u32 v14, $0x3;
	v6 =	vshll.u32 v16, $0x3  }
0x1c1: {  	v22 =	vshll.u32 v17, $0x3;
	v23 =	vshll.u32 v19, $0x3;
	v21 =	vshrl.u32 v15, v6  }
0x1c2: {  	v3 =	vshrl.u32 v3, v4;
	v5 =	vshrl.u32 v18, v22;
	v4 =	vshll.u32 v21, $0x8  }
0x1c3: {  	v3 =	vand.u32 $0xFF, v3;
	v5 =	vshll.u32 v5, $0x10;
	v4 =	vand.u32 $0xFF00, v4  }
0x1c4: {  	v25 =	vshrl.u32 v20, v23;
	v24 =	vand.u32 $0xFF0000, v5;
	v3 =	vor.u32 v3, v4  }
0x1c5: {  	v26 =	vshll.u32 v25, $0x18;
	v3 =	vor.u32 v24, v3  }
0x1c6: {  	v3 =	vor.u32 v26, v3  }
0x1c7: {  	[tilespmem:s22+$0xFFFFFFD0] =	vst v3  }
0x1c8: {  	v3 =	vld.idx.msk [tilespmem:v1+s23+$0x50 ss:$0x1], $0xffff  }
0x1c9: {  	v27 =	vld.idx.msk [tilespmem:v2+s23+$0x50 ss:$0x1], $0xffff  }
0x1ca: {  	v28 =	vld.idx.msk [tilespmem:v1+s23+$0xD0 ss:$0x1], $0xffff  }
0x1cb: {  	v29 =	vld.idx.msk [tilespmem:v2+s23+$0xD0 ss:$0x1], $0xffff  }
0x1cc: {  	v30 =	vld.idx.msk [tilespmem:v2+s23+$0x150 ss:$0x1], $0xffff  }
0x1cd: {  	v32 =	vld.idx.msk [tilespmem:v2+s23+$0x1D0 ss:$0x1], $0xffff  }
0x1ce: {  	v31 =	vld.idx.msk [tilespmem:v1+s23+$0x150 ss:$0x1], $0xffff;
	_ =	sdelay $0x1  }
0x1cf: {  	v33 =	vld.idx.msk [tilespmem:v1+s23+$0x1D0 ss:$0x1], $0xffff  }
0x1d0: {  	v4 =	vshll.u32 v27, $0x3;
	v6 =	vshll.u32 v29, $0x3  }
0x1d1: {  	v35 =	vshll.u32 v30, $0x3;
	v36 =	vshll.u32 v32, $0x3;
	v34 =	vshrl.u32 v28, v6  }
0x1d2: {  	v3 =	vshrl.u32 v3, v4;
	v5 =	vshrl.u32 v31, v35;
	v4 =	vshll.u32 v34, $0x8  }
0x1d3: {  	v3 =	vand.u32 $0xFF, v3;
	v5 =	vshll.u32 v5, $0x10;
	v4 =	vand.u32 $0xFF00, v4  }
0x1d4: {  	v38 =	vshrl.u32 v33, v36;
	v37 =	vand.u32 $0xFF0000, v5;
	v3 =	vor.u32 v3, v4  }
0x1d5: {  	v39 =	vshll.u32 v38, $0x18;
	v3 =	vor.u32 v37, v3  }
0x1d6: {  	v3 =	vor.u32 v39, v3  }
0x1d7: {  	[tilespmem:s22+$0xFFFFFFE0] =	vst v3  }
0x1d8: {  	v3 =	vld.idx.msk [tilespmem:v1+s23+$0x60 ss:$0x1], $0xffff  }
0x1d9: {  	v40 =	vld.idx.msk [tilespmem:v2+s23+$0x60 ss:$0x1], $0xffff  }
0x1da: {  	v41 =	vld.idx.msk [tilespmem:v1+s23+$0xE0 ss:$0x1], $0xffff  }
0x1db: {  	v42 =	vld.idx.msk [tilespmem:v2+s23+$0xE0 ss:$0x1], $0xffff  }
0x1dc: {  	v43 =	vld.idx.msk [tilespmem:v2+s23+$0x160 ss:$0x1], $0xffff  }
0x1dd: {  	v45 =	vld.idx.msk [tilespmem:v2+s23+$0x1E0 ss:$0x1], $0xffff  }
0x1de: {  	v44 =	vld.idx.msk [tilespmem:v1+s23+$0x160 ss:$0x1], $0xffff;
	_ =	sdelay $0x1  }
0x1df: {  	v46 =	vld.idx.msk [tilespmem:v1+s23+$0x1E0 ss:$0x1], $0xffff  }
0x1e0: {  	v4 =	vshll.u32 v40, $0x3;
	v6 =	vshll.u32 v42, $0x3  }
0x1e1: {  	v48 =	vshll.u32 v43, $0x3;
	v49 =	vshll.u32 v45, $0x3;
	v47 =	vshrl.u32 v41, v6  }
0x1e2: {  	v3 =	vshrl.u32 v3, v4;
	v5 =	vshrl.u32 v44, v48;
	v4 =	vshll.u32 v47, $0x8  }
0x1e3: {  	v3 =	vand.u32 $0xFF, v3;
	v5 =	vshll.u32 v5, $0x10;
	v4 =	vand.u32 $0xFF00, v4  }
0x1e4: {  	v51 =	vshrl.u32 v46, v49;
	v50 =	vand.u32 $0xFF0000, v5;
	v3 =	vor.u32 v3, v4  }
0x1e5: {  	v52 =	vshll.u32 v51, $0x18;
	v3 =	vor.u32 v50, v3  }
0x1e6: {  	v3 =	vor.u32 v52, v3  }
0x1e7: {  	[tilespmem:s22+$0xFFFFFFF0] =	vst v3  }
0x1e8: {  	v3 =	vld.idx.msk [tilespmem:v1+s23+$0x70 ss:$0x1], $0xffff  }
0x1e9: {  	v53 =	vld.idx.msk [tilespmem:v2+s23+$0x70 ss:$0x1], $0xffff  }
0x1ea: {  	v54 =	vld.idx.msk [tilespmem:v1+s23+$0xF0 ss:$0x1], $0xffff  }
0x1eb: {  	v55 =	vld.idx.msk [tilespmem:v2+s23+$0xF0 ss:$0x1], $0xffff  }
0x1ec: {  	v56 =	vld.idx.msk [tilespmem:v2+s23+$0x170 ss:$0x1], $0xffff  }
0x1ed: {  	v58 =	vld.idx.msk [tilespmem:v2+s23+$0x1F0 ss:$0x1], $0xffff  }
0x1ee: {  	v57 =	vld.idx.msk [tilespmem:v1+s23+$0x170 ss:$0x1], $0xffff;
	_ =	sdelay $0x1  }
0x1ef: {  	v59 =	vld.idx.msk [tilespmem:v1+s23+$0x1F0 ss:$0x1], $0xffff  }
0x1f0: {  	v4 =	vshll.u32 v53, $0x3;
	v6 =	vshll.u32 v55, $0x3  }
0x1f1: {  	v61 =	vshll.u32 v56, $0x3;
	v62 =	vshll.u32 v58, $0x3;
	v60 =	vshrl.u32 v54, v6  }
0x1f2: {  	p1 =	sne.s32 s20, $0x1000;
	v3 =	vshrl.u32 v3, v4;
	v5 =	vshrl.u32 v57, v61;
	v4 =	vshll.u32 v60, $0x8  }
.Ltmp5:
0x1f3: {  	v3 =	vand.u32 $0xFF, v3;
	v5 =	vshll.u32 v5, $0x10;
	v4 =	vand.u32 $0xFF00, v4;
	(pc) =	sbr.rel @p1 .LBB2_7-.Ltmp5, $4  }
0x1f4: {  	v63 =	vshrl.u32 v59, v62;
	v5 =	vand.u32 $0xFF0000, v5;
	v3 =	vor.u32 v3, v4  }
0x1f5: {  	v4 =	vshll.u32 v63, $0x18;
	v3 =	vor.u32 v5, v3  }
0x1f6: {  	v3 =	vor.u32 v4, v3  }
0x1f7: {  	s20 =	sadd.s32 $0x800, s20;
	[tilespmem:s22+$0x0] =	vst v3;
	s22 =	sadd.s32 $0x80, s22  }
.Ltmp6:
0x1f8: {  	(pc) =	sbr.rel .LBB2_9-.Ltmp6, $4  }
0x1f9: {  	_ = 	snop  }
0x1fa: {  	s20 =	sshrl.u32 s19, $0x2;
	s31 =	sshrl.u32 s19, $0x5  }
0x1fb: {  	s19 =	sadd.s32 s31, s9;
	s20 =	sand.u32 $0x7, s20  }
0x1fc: {  	[hbm4b:s19+s20] =	stream.linear.scatter [tilespmem:s21], [sflag:$0x4], $0x380, $0x38;
	[tilespmem:$0x4D00] =	vst v63  }
.LBB2_10:
0x1fd: {  	_ =	sfence.sel $0x180000  }
0x1fe: {  	s2 =	simm.s32 $0x2;
	[bflag:$0x0] =	sbarrier.arrive $0xFFFF  }
0x1ff: {  	s29 =	simm.s32 $0x3;
	[sflag:s2] =	ssyncpa.u1 $0x1  }
0x200: {  	s30 =	simm.s32 $0x4;
	[sflag:s29] =	ssyncpa.u1 $0x1  }
0x201: {  	s31 =	simm.s32 $0x1;
	[sflag:s30] =	ssyncpa.u1 $0x1  }
0x202: {  	[sflag:s31] =	ssyncpa.u1 $0x1  }
0x203: {  	p0 =	sne.s32 s0, $0x0;
	_ =	strace $0x90000047  }
0x204: {  	s0 =	sadd.s32 @!p0 $0x100000, s1;
	[bflag:$0x2] =	sbarrier.arrive $0xFFFF  }
0x205: {  	[sflag:s0] =	ssyncadd.tile.s32 @!p0 $0x1;
	_ =	shalt  }
.Lfunc_end2:
_tile_overlayer_lowered:
.L_overlay_start_2:
0x206: {  	(tag) =	ssettag $0x2  }
0x207: {  	s0 =	rddreg [dreg:$0x0];
	s2 =	stileid.u32  }
0x208: {  	s1 =	rddreg [dreg:$0x1];
	p0 =	sne.s32 s2, $0x0  }
0x209: {  	s3 =	rddreg [dreg:$0x2];
	[bflag:$0x3] =	sbarrier.arrive $0xFFFF;
	s2 =	simm.s32 @!p0 $0x1C01  }
0x20a: {  	[timem:s3], [sflag:s2] =	dma.local @!p0 [hbm:s0], s1  }
0x20b: {  	s0 =	simm.s32 @!p0 $0x1  }
0x20c: {  	_ =	swait.ge @!p0 [sflag:s0], s1  }
0x20d: {  	s1 =	ssub.s32 @!p0 $0x0, s1;
	[sflag:s0] =	ssyncset.done @!p0 $0x0  }
0x20e: {  	[sflag:s0] =	ssyncadd.s32 @!p0 s1  }
0x20f: {  	[bflag:$0x3] =	sbarrier.arrive $0xFFFF  }
0x210: {  	_ =	shalt  }

</sc_bundles>
